<compile_context>
chip_gen: v7x
topology: tpu7x:2x2x1
jax: 0.10.2.dev20260603
libtpu: 0.0.44.dev20260713+nightly
codegen_flags: <defaults>
</compile_context>

<pallas_src>
import functools

import jax
import jax.numpy as jnp
from jax import lax
from jax.experimental import pallas as pl
from jax.experimental.pallas import tpu as pltpu
from jax.experimental.pallas import tpu_sc as plsc

N_NODES_C = 10000
N_EDGES_C = 160000
L = 16
CH = 4000
NCHUNK_ALL = N_EDGES_C // CH
NTCH = 30
UNROLL = 5
NBUF = 2
FSC = 12


def _rsqrt16(x):
    i = plsc.bitcast(x, jnp.int32)
    i = jnp.int32(0x5F3759DF) - lax.shift_right_logical(i, 1)
    y = plsc.bitcast(i, jnp.float32)
    for _ in range(3):
        y = y * (1.5 - 0.5 * x * y * y)
    return y


def _sc_mesh():
    return plsc.VectorSubcoreMesh(
        core_axis_name="c", subcore_axis_name="s", num_cores=2, num_subcores=16
    )


def _ring(n_chunks, base_of, streams, compute):

    def start(j, b):
        for hbm, bufs, sems in streams:
            pltpu.make_async_copy(
                hbm.at[pl.ds(base_of(j), CH)], bufs[b], sems[b]
            ).start()

    def wait(j, b):
        for hbm, bufs, sems in streams:
            pltpu.make_async_copy(
                hbm.at[pl.ds(base_of(j), CH)], bufs[b], sems[b]
            ).wait()

    start(0, 0)

    def outer(i, _):
        for b in range(NBUF):
            j = i * NBUF + b
            nj = j + 1

            @pl.when(nj < n_chunks)
            def _():
                start(nj, 1 - b)

            wait(j, b)
            compute([bufs[b] for _, bufs, _s in streams], j)
        return 0

    assert n_chunks % NBUF == 0
    lax.fori_loop(0, n_chunks // NBUF, outer, 0)


def _agg_chunks(src_hbm, dst_hbm, src_bufs, dst_bufs, sem_s, sem_d,
                nA, baseA, baseB, hsA_v, hsB_v, accA_v, accB_v):

    def base_of(j):
        return jnp.where(j < nA, baseA + j * CH, baseB + (j - nA) * CH)

    def compute(bufs, j):
        sref, dref = bufs

        @pl.when(j < nA)
        def _():
            @plsc.parallel_loop(0, CH, L, unroll=UNROLL)
            def _(o):
                s16 = sref[pl.ds(o, L)]
                d16 = dref[pl.ds(o, L)]
                hv = plsc.load_gather(hsA_v, [s16])
                plsc.addupdate_scatter(accA_v, [d16], hv)

        @pl.when(j >= nA)
        def _():
            @plsc.parallel_loop(0, CH, L, unroll=UNROLL)
            def _(o):
                s16 = sref[pl.ds(o, L)]
                d16 = dref[pl.ds(o, L)]
                hv = plsc.load_gather(hsB_v, [s16])
                plsc.addupdate_scatter(accB_v, [d16], hv)

    _ring(NTCH, base_of,
          ((src_hbm, src_bufs, sem_s), (dst_hbm, dst_bufs, sem_d)), compute)


def _sc_body(hT_hbm, src_hbm, dst_hbm, b_hbm, qT_hbm, part_hbm,
             dinv_v, hsA_v, hsB_v, accA_v, accB_v,
             src_v0, src_v1, dst_v0, dst_v1, b_v,
             sem_s0, sem_s1, sem_d0, sem_d1, sem_hA, sem_hB):
    src_bufs = (src_v0, src_v1)
    dst_bufs = (dst_v0, dst_v1)
    sem_s = (sem_s0, sem_s1)
    sem_d = (sem_d0, sem_d1)
    cid = lax.axis_index("c")
    t = lax.axis_index("s")

    p = t // 4
    r = t % 4
    i32 = jnp.int32
    fA_l = 3 * p + jnp.where(r <= 1, 0, jnp.where(r == 2, 1, 2))
    fB_l = jnp.where(r == 1, 3 * p + 1, jnp.where(r == 2, 3 * p + 2, fA_l))
    baseA = jnp.where(r == 0, 0,
                      jnp.where(r == 1, 120000,
                                jnp.where(r == 2, 80000, 40000))).astype(i32)
    nA = jnp.where((r == 0) | (r == 3), 30,
                   jnp.where(r == 1, 10, 20)).astype(i32)
    baseB = i32(0)
    owns = r != 1
    fA = FSC * cid + fA_l
    fB = FSC * cid + fB_l
    f_own = fA

    cpA = pltpu.make_async_copy(hT_hbm.at[fA], hsA_v, sem_hA)
    cpB = pltpu.make_async_copy(hT_hbm.at[fB], hsB_v, sem_hB)
    cpA.start()
    cpB.start()
    pltpu.sync_copy(b_hbm, b_v)

    @plsc.parallel_loop(0, N_NODES_C, L, unroll=4)
    def _(o):
        dinv_v[pl.ds(o, L)] = jnp.full((L,), 1.0, jnp.float32)

    ones = jnp.full((L,), 1.0, jnp.float32)

    def degcompute(bufs, j):
        dref = bufs[0]

        @plsc.parallel_loop(0, CH, L, unroll=UNROLL)
        def _(o):
            d16 = dref[pl.ds(o, L)]
            plsc.addupdate_scatter(dinv_v, [d16], ones)

    _ring(NCHUNK_ALL, lambda j: j * CH,
          ((dst_hbm, dst_bufs, sem_d),), degcompute)

    @plsc.parallel_loop(0, N_NODES_C, L, unroll=4)
    def _(o):
        s = pl.ds(o, L)
        dinv_v[s] = _rsqrt16(dinv_v[s])

    cpA.wait()
    cpB.wait()

    ownf = owns.astype(jnp.float32)

    @plsc.parallel_loop(0, N_NODES_C, L, unroll=4)
    def _(o):
        s = pl.ds(o, L)
        hA = hsA_v[s] * dinv_v[s]
        hsA_v[s] = hA
        hsB_v[s] = hsB_v[s] * dinv_v[s]
        accA_v[s] = hA * ownf
        accB_v[s] = jnp.zeros((L,), jnp.float32)

    _agg_chunks(src_hbm, dst_hbm, src_bufs, dst_bufs, sem_s, sem_d,
                nA, baseA, baseB, hsA_v, hsB_v, accA_v, accB_v)

    @pl.when(r == 1)
    def _():
        pltpu.sync_copy(accA_v, part_hbm.at[FSC * cid + 3 * p])
        pltpu.sync_copy(accB_v, part_hbm.at[FSC * cid + 3 * p + 1])

    @pl.when(r == 2)
    def _():
        pltpu.sync_copy(accB_v, part_hbm.at[FSC * cid + 3 * p + 2])

    plsc.subcore_barrier()

    bvec = plsc.load_gather(b_v, [jnp.full((L,), f_own, jnp.int32)])

    @pl.when(owns)
    def _():
        pltpu.sync_copy(part_hbm.at[fA], accB_v)

        @plsc.parallel_loop(0, N_NODES_C, L, unroll=4)
        def _(o):
            s = pl.ds(o, L)
            z = (accA_v[s] + accB_v[s]) * dinv_v[s] + bvec
            accA_v[s] = jnp.maximum(z, 0.0)

        pltpu.sync_copy(accA_v, part_hbm.at[fA])

    plsc.subcore_barrier()

    pltpu.sync_copy(part_hbm.at[fA], hsA_v)
    pltpu.sync_copy(part_hbm.at[fB], hsB_v)
    plsc.subcore_barrier()

    @plsc.parallel_loop(0, N_NODES_C, L, unroll=4)
    def _(o):
        s = pl.ds(o, L)
        hA = hsA_v[s] * dinv_v[s]
        hsA_v[s] = hA
        hsB_v[s] = hsB_v[s] * dinv_v[s]
        accA_v[s] = hA * ownf
        accB_v[s] = jnp.zeros((L,), jnp.float32)

    _agg_chunks(src_hbm, dst_hbm, src_bufs, dst_bufs, sem_s, sem_d,
                nA, baseA, baseB, hsA_v, hsB_v, accA_v, accB_v)

    @pl.when(r == 1)
    def _():
        pltpu.sync_copy(accA_v, part_hbm.at[FSC * cid + 3 * p])
        pltpu.sync_copy(accB_v, part_hbm.at[FSC * cid + 3 * p + 1])

    @pl.when(r == 2)
    def _():
        pltpu.sync_copy(accB_v, part_hbm.at[FSC * cid + 3 * p + 2])

    plsc.subcore_barrier()

    @pl.when(owns)
    def _():
        pltpu.sync_copy(part_hbm.at[fA], accB_v)

        @plsc.parallel_loop(0, N_NODES_C, L, unroll=4)
        def _(o):
            s = pl.ds(o, L)
            accA_v[s] = (accA_v[s] + accB_v[s]) * dinv_v[s]

        pltpu.sync_copy(accA_v, qT_hbm.at[f_own])


def _sc_gcn(hT, src, dst, bpad):
    f = pl.kernel(
        _sc_body,
        out_type=(
            jax.ShapeDtypeStruct((2 * FSC, N_NODES_C), jnp.float32),
            jax.ShapeDtypeStruct((2 * FSC, N_NODES_C), jnp.float32),
        ),
        mesh=_sc_mesh(),
        scratch_types=[
            pltpu.VMEM((N_NODES_C,), jnp.float32),
            pltpu.VMEM((N_NODES_C,), jnp.float32),
            pltpu.VMEM((N_NODES_C,), jnp.float32),
            pltpu.VMEM((N_NODES_C,), jnp.float32),
            pltpu.VMEM((N_NODES_C,), jnp.float32),
            pltpu.VMEM((CH,), jnp.int32),
            pltpu.VMEM((CH,), jnp.int32),
            pltpu.VMEM((CH,), jnp.int32),
            pltpu.VMEM((CH,), jnp.int32),
            pltpu.VMEM((32,), jnp.float32),
            pltpu.SemaphoreType.DMA,
            pltpu.SemaphoreType.DMA,
            pltpu.SemaphoreType.DMA,
            pltpu.SemaphoreType.DMA,
            pltpu.SemaphoreType.DMA,
            pltpu.SemaphoreType.DMA,
        ],
        compiler_params=pltpu.CompilerParams(needs_layout_passes=False),
    )
    return f(hT, src, dst, bpad)[0]


def _mm_body(x_ref, w_ref, o_ref):
    o_ref[...] = jnp.dot(x_ref[...], w_ref[...],
                         preferred_element_type=jnp.float32)


def _tc_matmul(x, w):
    return pl.pallas_call(
        _mm_body,
        out_shape=jax.ShapeDtypeStruct((x.shape[0], w.shape[1]), jnp.float32),
    )(x, w)


def _tail_body(q_ref, w2_ref, b2_ref, wfc_ref, bfc_ref, o_ref):
    z2 = jnp.maximum(
        jnp.dot(q_ref[...], w2_ref[...], preferred_element_type=jnp.float32)
        + b2_ref[...],
        0.0,
    )
    o_ref[...] = jnp.maximum(
        jnp.dot(z2, wfc_ref[...], preferred_element_type=jnp.float32)
        + bfc_ref[...],
        0.0,
    )


def _tc_tail(q, W2, b2, Wfc, bfc):
    return pl.pallas_call(
        _tail_body,
        out_shape=jax.ShapeDtypeStruct((q.shape[0], Wfc.shape[1]),
                                       jnp.float32),
    )(q, W2, b2.reshape(1, -1), Wfc, bfc.reshape(1, -1))


def kernel(x, edge_index, W1, b1, W2, b2, Wfc, bfc):
    ei = edge_index.astype(jnp.int32)
    src = ei[0]
    dst = ei[1]
    b1p = jnp.zeros((32,), jnp.float32).at[: b1.shape[0]].set(b1)

    h1 = _tc_matmul(x, W1)
    qT = _sc_gcn(h1.T, src, dst, b1p)
    out = _tc_tail(qT.T, W2, b2, Wfc, bfc)
    return out

# --- scband reference (transcript-rebuilt; emitter-appended) ---
"""Pipeline reference for scband-gcn-32959579030346 (READ-ONLY COPY).

The authoritative reference and input builder live on the scoring server;
editing this copy changes nothing except your own understanding.
"""

import jax, jax.numpy as jnp
import numpy as np

N_NODES = 10000
N_EDGES = 160000
D_FEAT = 256
H1 = 24
H2 = 16
N_CLASSES = 40


def gcn_conv(x, edge_index, W, b):
    n = x.shape[0]
    src = edge_index[0]
    dst = edge_index[1]
    # add self-loops (standard GCNConv behavior)
    loop = jnp.arange(n, dtype=src.dtype)
    src = jnp.concatenate([src, loop])
    dst = jnp.concatenate([dst, loop])
    # symmetric normalization deg^{-1/2}[src] * deg^{-1/2}[dst]
    ones = jnp.ones_like(dst, dtype=x.dtype)
    deg = jax.ops.segment_sum(ones, dst, num_segments=n)
    dinv = jnp.where(deg > 0, 1.0 / jnp.sqrt(deg), 0.0)
    norm = dinv[src] * dinv[dst]
    # transform then aggregate
    h = x @ W
    msg = h[src] * norm[:, None]
    out = jax.ops.segment_sum(msg, dst, num_segments=n)
    return out + b


def setup_inputs(seed: int = 0) -> dict:
    key = jax.random.key(seed)
    ks = jax.random.split(key, 8)
    x = jax.random.normal(ks[0], (N_NODES, D_FEAT), dtype=jnp.float32)
    edge_index = jax.random.randint(ks[1], (2, N_EDGES), 0, N_NODES, dtype=jnp.int64)
    W1 = jax.random.normal(ks[2], (D_FEAT, H1), dtype=jnp.float32) * (1.0 / np.sqrt(D_FEAT))
    b1 = jnp.zeros((H1,), dtype=jnp.float32)
    W2 = jax.random.normal(ks[3], (H1, H2), dtype=jnp.float32) * (1.0 / np.sqrt(H1))
    b2 = jnp.zeros((H2,), dtype=jnp.float32)
    Wfc = jax.random.normal(ks[4], (H2, N_CLASSES), dtype=jnp.float32) * (1.0 / np.sqrt(H2))
    bfc = jnp.zeros((N_CLASSES,), dtype=jnp.float32)
    return {"x": x, "edge_index": edge_index, "W1": W1, "b1": b1, "W2": W2, "b2": b2, "Wfc": Wfc, "bfc": bfc}


def reference(x, edge_index, W1, b1, W2, b2, Wfc, bfc):
    h = gcn_conv(x, edge_index, W1, b1)
    h = jax.nn.relu(h)
    h = gcn_conv(h, edge_index, W2, b2)
    h = jax.nn.relu(h)
    h = h @ Wfc + bfc
    h = jax.nn.relu(h)
    return h

if __name__ == "__main__":
    import jax
    _d = setup_inputs()
    print(jax.jit(kernel)(*tuple(_d.values())))

</pallas_src>

<mosaic_0001>
#map = affine_map<(d0, d1) -> (0, 0)>
#map1 = affine_map<(d0, d1) -> (0)>
module attributes {stable_mosaic.version = 14 : i64} {
  func.func @_sc_body(%arg0: i32, %arg1: i32, %arg2: memref<24x10000xf32, #tpu.memory_space<hbm>>, %arg3: memref<160000xi32, #tpu.memory_space<hbm>>, %arg4: memref<160000xi32, #tpu.memory_space<hbm>>, %arg5: memref<32xf32, #tpu.memory_space<hbm>>, %arg6: memref<24x10000xf32, #tpu.memory_space<hbm>>, %arg7: memref<24x10000xf32, #tpu.memory_space<hbm>>, %arg8: memref<10000xf32, #tpu.memory_space<vmem>>, %arg9: memref<10000xf32, #tpu.memory_space<vmem>>, %arg10: memref<10000xf32, #tpu.memory_space<vmem>>, %arg11: memref<10000xf32, #tpu.memory_space<vmem>>, %arg12: memref<10000xf32, #tpu.memory_space<vmem>>, %arg13: memref<4000xi32, #tpu.memory_space<vmem>>, %arg14: memref<4000xi32, #tpu.memory_space<vmem>>, %arg15: memref<4000xi32, #tpu.memory_space<vmem>>, %arg16: memref<4000xi32, #tpu.memory_space<vmem>>, %arg17: memref<32xf32, #tpu.memory_space<vmem>>, %arg18: memref<!tpu.dma_semaphore, #tpu.memory_space<semaphore_mem>>, %arg19: memref<!tpu.dma_semaphore, #tpu.memory_space<semaphore_mem>>, %arg20: memref<!tpu.dma_semaphore, #tpu.memory_space<semaphore_mem>>, %arg21: memref<!tpu.dma_semaphore, #tpu.memory_space<semaphore_mem>>, %arg22: memref<!tpu.dma_semaphore, #tpu.memory_space<semaphore_mem>>, %arg23: memref<!tpu.dma_semaphore, #tpu.memory_space<semaphore_mem>>) attributes {dimension_semantics = [#tpu.dimension_semantics<core_parallel>, #tpu.dimension_semantics<subcore_parallel>], iteration_bounds = array<i64: 2, 16>, scalar_prefetch = 0 : i64, scratch_operands = 16 : i64, tpu.core_type = #tpu.core_type<sc_vector_subcore>, window_params = [{transform_indices = #map}, {transform_indices = #map1}, {transform_indices = #map1}, {transform_indices = #map1}, {transform_indices = #map}, {transform_indices = #map}]} {
    %jit3A = arith.constant 4 : i32
    %div3A = arith.divsi %arg1, %jit3A : i32
    %sign3A = arith.constant 0 : i32
    %sign3A_0 = arith.cmpi sgt, %arg1, %sign3A : i32
    %sign3A_1 = arith.extui %sign3A_0 : i1 to i32
    %sign3A_2 = arith.constant 0 : i32
    %sign3A_3 = arith.cmpi slt, %arg1, %sign3A_2 : i32
    %sign3A_4 = arith.extui %sign3A_3 : i1 to i32
    %sign3A_5 = arith.subi %sign3A_1, %sign3A_4 : i32
    %sign3A_6 = arith.constant 0 : i32
    %sign3A_7 = arith.cmpi sgt, %jit3A, %sign3A_6 : i32
    %sign3A_8 = arith.extui %sign3A_7 : i1 to i32
    %sign3A_9 = arith.constant 0 : i32
    %sign3A_10 = arith.cmpi slt, %jit3A, %sign3A_9 : i32
    %sign3A_11 = arith.extui %sign3A_10 : i1 to i32
    %sign3A_12 = arith.subi %sign3A_8, %sign3A_11 : i32
    %ne3A = arith.cmpi ne, %sign3A_5, %sign3A_12 : i32
    %rem3A = arith.remsi %arg1, %jit3A : i32
    %ne3A_13 = arith.constant 0 : i32
    %ne3A_14 = arith.cmpi ne, %rem3A, %ne3A_13 : i32
    %and3A = arith.andi %ne3A, %ne3A_14 : i1
    %sub3A = arith.constant 1 : i32
    %sub3A_15 = arith.subi %div3A, %sub3A : i32
    %select_n3A = arith.select %and3A, %sub3A_15, %div3A : i32
    %jit3A_16 = arith.constant 4 : i32
    %eq3A = arith.constant 0 : i32
    %eq3A_17 = arith.cmpi eq, %jit3A_16, %eq3A : i32
    %jit3A_18 = arith.constant 1 : i32
    %select_n3A_19 = arith.select %eq3A_17, %jit3A_18, %jit3A_16 : i32
    %rem3A_20 = arith.remsi %arg1, %select_n3A_19 : i32
    %ne3A_21 = arith.constant 0 : i32
    %ne3A_22 = arith.cmpi ne, %rem3A_20, %ne3A_21 : i32
    %lt3A = arith.constant 0 : i32
    %lt3A_23 = arith.cmpi slt, %rem3A_20, %lt3A : i32
    %lt3A_24 = arith.constant 0 : i32
    %lt3A_25 = arith.cmpi slt, %select_n3A_19, %lt3A_24 : i32
    %ne3A_26 = arith.xori %lt3A_23, %lt3A_25 : i1
    %and3A_27 = arith.andi %ne3A_26, %ne3A_22 : i1
    %add3A = arith.addi %rem3A_20, %select_n3A_19 : i32
    %select_n3A_28 = arith.select %and3A_27, %add3A, %rem3A_20 : i32
    %mul3A = arith.constant 3 : i32
    %mul3A_29 = arith.muli %mul3A, %select_n3A : i32
    %le3A = arith.constant 1 : i32
    %le3A_30 = arith.cmpi sle, %select_n3A_28, %le3A : i32
    %eq3A_31 = arith.constant 2 : i32
    %eq3A_32 = arith.cmpi eq, %select_n3A_28, %eq3A_31 : i32
    %jit3A_33 = arith.constant 1 : i32
    %jit3A_34 = arith.constant 2 : i32
    %select_n3A_35 = arith.select %eq3A_32, %jit3A_33, %jit3A_34 : i32
    %jit3A_36 = arith.constant 0 : i32
    %select_n3A_37 = arith.select %le3A_30, %jit3A_36, %select_n3A_35 : i32
    %add3A_38 = arith.addi %mul3A_29, %select_n3A_37 : i32
    %eq3A_39 = arith.constant 1 : i32
    %eq3A_40 = arith.cmpi eq, %select_n3A_28, %eq3A_39 : i32
    %mul3A_41 = arith.constant 3 : i32
    %mul3A_42 = arith.muli %mul3A_41, %select_n3A : i32
    %add3A_43 = arith.constant 1 : i32
    %add3A_44 = arith.addi %mul3A_42, %add3A_43 : i32
    %eq3A_45 = arith.constant 2 : i32
    %eq3A_46 = arith.cmpi eq, %select_n3A_28, %eq3A_45 : i32
    %mul3A_47 = arith.constant 3 : i32
    %mul3A_48 = arith.muli %mul3A_47, %select_n3A : i32
    %add3A_49 = arith.constant 2 : i32
    %add3A_50 = arith.addi %mul3A_48, %add3A_49 : i32
    %select_n3A_51 = arith.select %eq3A_46, %add3A_50, %add3A_38 : i32
    %select_n3A_52 = arith.select %eq3A_40, %add3A_44, %select_n3A_51 : i32
    %eq3A_53 = arith.constant 0 : i32
    %eq3A_54 = arith.cmpi eq, %select_n3A_28, %eq3A_53 : i32
    %eq3A_55 = arith.constant 1 : i32
    %eq3A_56 = arith.cmpi eq, %select_n3A_28, %eq3A_55 : i32
    %eq3A_57 = arith.constant 2 : i32
    %eq3A_58 = arith.cmpi eq, %select_n3A_28, %eq3A_57 : i32
    %jit3A_59 = arith.constant 80000 : i32
    %jit3A_60 = arith.constant 40000 : i32
    %select_n3A_61 = arith.select %eq3A_58, %jit3A_59, %jit3A_60 : i32
    %jit3A_62 = arith.constant 120000 : i32
    %select_n3A_63 = arith.select %eq3A_56, %jit3A_62, %select_n3A_61 : i32
    %jit3A_64 = arith.constant 0 : i32
    %select_n3A_65 = arith.select %eq3A_54, %jit3A_64, %select_n3A_63 : i32
    %eq3A_66 = arith.constant 0 : i32
    %eq3A_67 = arith.cmpi eq, %select_n3A_28, %eq3A_66 : i32
    %eq3A_68 = arith.constant 3 : i32
    %eq3A_69 = arith.cmpi eq, %select_n3A_28, %eq3A_68 : i32
    %or3A = arith.ori %eq3A_67, %eq3A_69 : i1
    %eq3A_70 = arith.constant 1 : i32
    %eq3A_71 = arith.cmpi eq, %select_n3A_28, %eq3A_70 : i32
    %jit3A_72 = arith.constant 10 : i32
    %jit3A_73 = arith.constant 20 : i32
    %select_n3A_74 = arith.select %eq3A_71, %jit3A_72, %jit3A_73 : i32
    %jit3A_75 = arith.constant 30 : i32
    %select_n3A_76 = arith.select %or3A, %jit3A_75, %select_n3A_74 : i32
    %ne3A_77 = arith.constant 1 : i32
    %ne3A_78 = arith.cmpi ne, %select_n3A_28, %ne3A_77 : i32
    %mul3A_79 = arith.constant 12 : i32
    %mul3A_80 = arith.muli %mul3A_79, %arg0 : i32
    %add3A_81 = arith.addi %mul3A_80, %add3A_38 : i32
    %mul3A_82 = arith.constant 12 : i32
    %mul3A_83 = arith.muli %mul3A_82, %arg0 : i32
    %add3A_84 = arith.addi %mul3A_83, %select_n3A_52 : i32
    %dma_start3A = arith.constant 0 : i32
    %dma_start3A_85 = tpu.memref_slice %arg2[%add3A_81, %dma_start3A] : memref<24x10000xf32, #tpu.memory_space<hbm>> -> memref<1x10000xf32, #tpu.memory_space<hbm>>
    %dma_start3A_86 = tpu.memref_squeeze %dma_start3A_85 : memref<1x10000xf32, #tpu.memory_space<hbm>> -> memref<10000xf32, #tpu.memory_space<hbm>>
    %dma_start3A_87 = arith.constant 0 : i32
    %dma_start3A_88 = tpu.memref_slice %arg2[%add3A_81, %dma_start3A_87] : memref<24x10000xf32, #tpu.memory_space<hbm>> -> memref<1x10000xf32, #tpu.memory_space<hbm>>
    %dma_start3A_89 = tpu.memref_squeeze %dma_start3A_88 : memref<1x10000xf32, #tpu.memory_space<hbm>> -> memref<10000xf32, #tpu.memory_space<hbm>>
    tpu.enqueue_dma source(%dma_start3A_89 : memref<10000xf32, #tpu.memory_space<hbm>>) target(%arg9 : memref<10000xf32, #tpu.memory_space<vmem>>) target_semaphore(%arg22 : memref<!tpu.dma_semaphore, #tpu.memory_space<semaphore_mem>>)
    %dma_start3A_90 = arith.constant 0 : i32
    %dma_start3A_91 = tpu.memref_slice %arg2[%add3A_84, %dma_start3A_90] : memref<24x10000xf32, #tpu.memory_space<hbm>> -> memref<1x10000xf32, #tpu.memory_space<hbm>>
    %dma_start3A_92 = tpu.memref_squeeze %dma_start3A_91 : memref<1x10000xf32, #tpu.memory_space<hbm>> -> memref<10000xf32, #tpu.memory_space<hbm>>
    %dma_start3A_93 = arith.constant 0 : i32
    %dma_start3A_94 = tpu.memref_slice %arg2[%add3A_84, %dma_start3A_93] : memref<24x10000xf32, #tpu.memory_space<hbm>> -> memref<1x10000xf32, #tpu.memory_space<hbm>>
    %dma_start3A_95 = tpu.memref_squeeze %dma_start3A_94 : memref<1x10000xf32, #tpu.memory_space<hbm>> -> memref<10000xf32, #tpu.memory_space<hbm>>
    tpu.enqueue_dma source(%dma_start3A_95 : memref<10000xf32, #tpu.memory_space<hbm>>) target(%arg10 : memref<10000xf32, #tpu.memory_space<vmem>>) target_semaphore(%arg23 : memref<!tpu.dma_semaphore, #tpu.memory_space<semaphore_mem>>)
    "tpu.region"() ({
      %run_scoped3A = tpu.sem_alloc : memref<!tpu.dma_semaphore, #tpu.memory_space<semaphore_mem>>
      tpu.enqueue_dma source(%arg5 : memref<32xf32, #tpu.memory_space<hbm>>) target(%arg17 : memref<32xf32, #tpu.memory_space<vmem>>) target_semaphore(%run_scoped3A : memref<!tpu.dma_semaphore, #tpu.memory_space<semaphore_mem>>)
      tpu.wait_dma2 semaphore(%run_scoped3A : memref<!tpu.dma_semaphore, #tpu.memory_space<semaphore_mem>>) src(%arg5 : memref<32xf32, #tpu.memory_space<hbm>>) dst(%arg17 : memref<32xf32, #tpu.memory_space<vmem>>)
      tpu.yield
    }) : () -> ()
    %parallel_loop3A = arith.constant 0 : i32
    %parallel_loop3A_96 = arith.constant 10000 : i32
    %parallel_loop3A_97 = arith.constant 16 : i32
    scf.for %parallel_loop3A_226 = %parallel_loop3A to %parallel_loop3A_96 step %parallel_loop3A_97  : i32 {
      %parallel_loop3A_227 = arith.constant 1.000000e+00 : f32
      %parallel_loop3A_228 = vector.broadcast %parallel_loop3A_227 : f32 to vector<16xf32>
      %parallel_loop3A_229 = arith.index_cast %parallel_loop3A_226 : i32 to index
      %parallel_loop3A_230 = tpu.vector_load %arg8[%parallel_loop3A_229] {strides = array<i32>} : memref<10000xf32, #tpu.memory_space<vmem>>, vector<16xf32>,
      tpu.vector_store %arg8[%parallel_loop3A_229], %parallel_loop3A_228 {strides = array<i32>} : memref<10000xf32, #tpu.memory_space<vmem>>, vector<16xf32>,
    } {sc.loop_unroll_factor = 4 : i64, sc.parallel_access}
    %broadcast_in_dim3A = arith.constant 1.000000e+00 : f32
    %broadcast_in_dim3A_98 = vector.broadcast %broadcast_in_dim3A : f32 to vector<16xf32>
    %dma_start3A_99 = arith.constant 0 : i32
    %dma_start3A_100 = tpu.memref_slice %arg4[%dma_start3A_99] : memref<160000xi32, #tpu.memory_space<hbm>> -> memref<4000xi32, #tpu.memory_space<hbm>>
    %dma_start3A_101 = arith.constant 0 : i32
    %dma_start3A_102 = tpu.memref_slice %arg4[%dma_start3A_101] : memref<160000xi32, #tpu.memory_space<hbm>> -> memref<4000xi32, #tpu.memory_space<hbm>>
    tpu.enqueue_dma source(%dma_start3A_102 : memref<4000xi32, #tpu.memory_space<hbm>>) target(%arg15 : memref<4000xi32, #tpu.memory_space<vmem>>) target_semaphore(%arg20 : memref<!tpu.dma_semaphore, #tpu.memory_space<semaphore_mem>>)
    %scan3A = arith.constant 0 : i32
    %scan3A_103 = arith.constant 0 : i32
    %scan3A_104 = arith.constant 20 : i32
    %scan3A_105 = arith.addi %scan3A_103, %scan3A_104 : i32
    %scan3A_106 = arith.constant 1 : i32
    %scan3A_107 = scf.for %scan3A_226 = %scan3A_103 to %scan3A_105 step %scan3A_106 iter_args(%scan3A_227 = %scan3A) -> (i32)  : i32 {
      %mul3A_228 = arith.constant 2 : i32
      %mul3A_229 = arith.muli %scan3A_226, %mul3A_228 : i32
      %add3A_230 = arith.constant 0 : i32
      %add3A_231 = arith.addi %mul3A_229, %add3A_230 : i32
      %add3A_232 = arith.constant 1 : i32
      %add3A_233 = arith.addi %add3A_231, %add3A_232 : i32
      %lt3A_234 = arith.constant 40 : i32
      %lt3A_235 = arith.cmpi slt, %add3A_233, %lt3A_234 : i32
      %convert_element_type3A_236 = arith.extui %lt3A_235 : i1 to i32
      %cond3A_237 = arith.constant 0 : i32
      %cond3A_238 = arith.cmpi ne, %convert_element_type3A_236, %cond3A_237 : i32
      scf.if %cond3A_238 {
        %mul3A_265 = arith.constant 4000 : i32
        %mul3A_266 = arith.muli %add3A_233, %mul3A_265 : i32
        %dma_start3A_267 = tpu.memref_slice %arg4[%mul3A_266] : memref<160000xi32, #tpu.memory_space<hbm>> -> memref<4000xi32, #tpu.memory_space<hbm>>
        %dma_start3A_268 = tpu.memref_slice %arg4[%mul3A_266] : memref<160000xi32, #tpu.memory_space<hbm>> -> memref<4000xi32, #tpu.memory_space<hbm>>
        tpu.enqueue_dma source(%dma_start3A_268 : memref<4000xi32, #tpu.memory_space<hbm>>) target(%arg16 : memref<4000xi32, #tpu.memory_space<vmem>>) target_semaphore(%arg21 : memref<!tpu.dma_semaphore, #tpu.memory_space<semaphore_mem>>)
      } else {
      }
      %mul3A_239 = arith.constant 4000 : i32
      %mul3A_240 = arith.muli %add3A_231, %mul3A_239 : i32
      %dma_wait3A_241 = tpu.memref_slice %arg4[%mul3A_240] : memref<160000xi32, #tpu.memory_space<hbm>> -> memref<4000xi32, #tpu.memory_space<hbm>>
      %dma_wait3A_242 = tpu.memref_slice %arg4[%mul3A_240] : memref<160000xi32, #tpu.memory_space<hbm>> -> memref<4000xi32, #tpu.memory_space<hbm>>
      tpu.wait_dma2 semaphore(%arg20 : memref<!tpu.dma_semaphore, #tpu.memory_space<semaphore_mem>>) src(%dma_wait3A_242 : memref<4000xi32, #tpu.memory_space<hbm>>) dst(%arg15 : memref<4000xi32, #tpu.memory_space<vmem>>)
      %parallel_loop3A_243 = arith.constant 0 : i32
      %parallel_loop3A_244 = arith.constant 4000 : i32
      %parallel_loop3A_245 = arith.constant 16 : i32
      scf.for %parallel_loop3A_265 = %parallel_loop3A_243 to %parallel_loop3A_244 step %parallel_loop3A_245  : i32 {
        %parallel_loop3A_266 = arith.index_cast %parallel_loop3A_265 : i32 to index
        %parallel_loop3A_267 = tpu.vector_load %arg15[%parallel_loop3A_266] {strides = array<i32>} : memref<4000xi32, #tpu.memory_space<vmem>>, vector<16xi32>,
        tpu.vector_store_idx %arg8[%parallel_loop3A_267], %broadcast_in_dim3A_98 {add = true} : memref<10000xf32, #tpu.memory_space<vmem>>[vector<16xi32>], vector<16xf32>,
      } {sc.loop_unroll_factor = 5 : i64, sc.parallel_access}
      %mul3A_246 = arith.constant 2 : i32
      %mul3A_247 = arith.muli %scan3A_226, %mul3A_246 : i32
      %add3A_248 = arith.constant 1 : i32
      %add3A_249 = arith.addi %mul3A_247, %add3A_248 : i32
      %add3A_250 = arith.constant 1 : i32
      %add3A_251 = arith.addi %add3A_249, %add3A_250 : i32
      %lt3A_252 = arith.constant 40 : i32
      %lt3A_253 = arith.cmpi slt, %add3A_251, %lt3A_252 : i32
      %convert_element_type3A_254 = arith.extui %lt3A_253 : i1 to i32
      %cond3A_255 = arith.constant 0 : i32
      %cond3A_256 = arith.cmpi ne, %convert_element_type3A_254, %cond3A_255 : i32
      scf.if %cond3A_256 {
        %mul3A_265 = arith.constant 4000 : i32
        %mul3A_266 = arith.muli %add3A_251, %mul3A_265 : i32
        %dma_start3A_267 = tpu.memref_slice %arg4[%mul3A_266] : memref<160000xi32, #tpu.memory_space<hbm>> -> memref<4000xi32, #tpu.memory_space<hbm>>
        %dma_start3A_268 = tpu.memref_slice %arg4[%mul3A_266] : memref<160000xi32, #tpu.memory_space<hbm>> -> memref<4000xi32, #tpu.memory_space<hbm>>
        tpu.enqueue_dma source(%dma_start3A_268 : memref<4000xi32, #tpu.memory_space<hbm>>) target(%arg15 : memref<4000xi32, #tpu.memory_space<vmem>>) target_semaphore(%arg20 : memref<!tpu.dma_semaphore, #tpu.memory_space<semaphore_mem>>)
      } else {
      }
      %mul3A_257 = arith.constant 4000 : i32
      %mul3A_258 = arith.muli %add3A_249, %mul3A_257 : i32
      %dma_wait3A_259 = tpu.memref_slice %arg4[%mul3A_258] : memref<160000xi32, #tpu.memory_space<hbm>> -> memref<4000xi32, #tpu.memory_space<hbm>>
      %dma_wait3A_260 = tpu.memref_slice %arg4[%mul3A_258] : memref<160000xi32, #tpu.memory_space<hbm>> -> memref<4000xi32, #tpu.memory_space<hbm>>
      tpu.wait_dma2 semaphore(%arg21 : memref<!tpu.dma_semaphore, #tpu.memory_space<semaphore_mem>>) src(%dma_wait3A_260 : memref<4000xi32, #tpu.memory_space<hbm>>) dst(%arg16 : memref<4000xi32, #tpu.memory_space<vmem>>)
      %parallel_loop3A_261 = arith.constant 0 : i32
      %parallel_loop3A_262 = arith.constant 4000 : i32
      %parallel_loop3A_263 = arith.constant 16 : i32
      scf.for %parallel_loop3A_265 = %parallel_loop3A_261 to %parallel_loop3A_262 step %parallel_loop3A_263  : i32 {
        %parallel_loop3A_266 = arith.index_cast %parallel_loop3A_265 : i32 to index
        %parallel_loop3A_267 = tpu.vector_load %arg16[%parallel_loop3A_266] {strides = array<i32>} : memref<4000xi32, #tpu.memory_space<vmem>>, vector<16xi32>,
        tpu.vector_store_idx %arg8[%parallel_loop3A_267], %broadcast_in_dim3A_98 {add = true} : memref<10000xf32, #tpu.memory_space<vmem>>[vector<16xi32>], vector<16xf32>,
      } {sc.loop_unroll_factor = 5 : i64, sc.parallel_access}
      %scan3A_264 = arith.constant 0 : i32
      scf.yield %scan3A_264 : i32
    }
    %scan3A_108 = arith.constant 20 : i32
    %parallel_loop3A_109 = arith.constant 0 : i32
    %parallel_loop3A_110 = arith.constant 10000 : i32
    %parallel_loop3A_111 = arith.constant 16 : i32
    scf.for %parallel_loop3A_226 = %parallel_loop3A_109 to %parallel_loop3A_110 step %parallel_loop3A_111  : i32 {
      %parallel_loop3A_227 = arith.index_cast %parallel_loop3A_226 : i32 to index
      %parallel_loop3A_228 = tpu.vector_load %arg8[%parallel_loop3A_227] {strides = array<i32>} : memref<10000xf32, #tpu.memory_space<vmem>>, vector<16xf32>,
      %parallel_loop3A_229 = vector.bitcast %parallel_loop3A_228 : vector<16xf32> to vector<16xi32>
      %parallel_loop3A_230 = arith.constant 1 : i32
      %parallel_loop3A_231 = vector.broadcast %parallel_loop3A_230 : i32 to vector<16xi32>
      %parallel_loop3A_232 = arith.shrui %parallel_loop3A_229, %parallel_loop3A_231 : vector<16xi32>
      %parallel_loop3A_233 = arith.constant 1597463007 : i32
      %parallel_loop3A_234 = vector.broadcast %parallel_loop3A_233 : i32 to vector<16xi32>
      %parallel_loop3A_235 = arith.subi %parallel_loop3A_234, %parallel_loop3A_232 : vector<16xi32>
      %parallel_loop3A_236 = vector.bitcast %parallel_loop3A_235 : vector<16xi32> to vector<16xf32>
      %parallel_loop3A_237 = arith.constant 5.000000e-01 : f32
      %parallel_loop3A_238 = vector.broadcast %parallel_loop3A_237 : f32 to vector<16xf32>
      %parallel_loop3A_239 = arith.mulf %parallel_loop3A_238, %parallel_loop3A_228 : vector<16xf32>
      %parallel_loop3A_240 = arith.mulf %parallel_loop3A_239, %parallel_loop3A_236 : vector<16xf32>
      %parallel_loop3A_241 = arith.mulf %parallel_loop3A_240, %parallel_loop3A_236 : vector<16xf32>
      %parallel_loop3A_242 = arith.constant 1.500000e+00 : f32
      %parallel_loop3A_243 = vector.broadcast %parallel_loop3A_242 : f32 to vector<16xf32>
      %parallel_loop3A_244 = arith.subf %parallel_loop3A_243, %parallel_loop3A_241 : vector<16xf32>
      %parallel_loop3A_245 = arith.mulf %parallel_loop3A_236, %parallel_loop3A_244 : vector<16xf32>
      %parallel_loop3A_246 = arith.constant 5.000000e-01 : f32
      %parallel_loop3A_247 = vector.broadcast %parallel_loop3A_246 : f32 to vector<16xf32>
      %parallel_loop3A_248 = arith.mulf %parallel_loop3A_247, %parallel_loop3A_228 : vector<16xf32>
      %parallel_loop3A_249 = arith.mulf %parallel_loop3A_248, %parallel_loop3A_245 : vector<16xf32>
      %parallel_loop3A_250 = arith.mulf %parallel_loop3A_249, %parallel_loop3A_245 : vector<16xf32>
      %parallel_loop3A_251 = arith.constant 1.500000e+00 : f32
      %parallel_loop3A_252 = vector.broadcast %parallel_loop3A_251 : f32 to vector<16xf32>
      %parallel_loop3A_253 = arith.subf %parallel_loop3A_252, %parallel_loop3A_250 : vector<16xf32>
      %parallel_loop3A_254 = arith.mulf %parallel_loop3A_245, %parallel_loop3A_253 : vector<16xf32>
      %parallel_loop3A_255 = arith.constant 5.000000e-01 : f32
      %parallel_loop3A_256 = vector.broadcast %parallel_loop3A_255 : f32 to vector<16xf32>
      %parallel_loop3A_257 = arith.mulf %parallel_loop3A_256, %parallel_loop3A_228 : vector<16xf32>
      %parallel_loop3A_258 = arith.mulf %parallel_loop3A_257, %parallel_loop3A_254 : vector<16xf32>
      %parallel_loop3A_259 = arith.mulf %parallel_loop3A_258, %parallel_loop3A_254 : vector<16xf32>
      %parallel_loop3A_260 = arith.constant 1.500000e+00 : f32
      %parallel_loop3A_261 = vector.broadcast %parallel_loop3A_260 : f32 to vector<16xf32>
      %parallel_loop3A_262 = arith.subf %parallel_loop3A_261, %parallel_loop3A_259 : vector<16xf32>
      %parallel_loop3A_263 = arith.mulf %parallel_loop3A_254, %parallel_loop3A_262 : vector<16xf32>
      %parallel_loop3A_264 = arith.index_cast %parallel_loop3A_226 : i32 to index
      %parallel_loop3A_265 = tpu.vector_load %arg8[%parallel_loop3A_264] {strides = array<i32>} : memref<10000xf32, #tpu.memory_space<vmem>>, vector<16xf32>,
      tpu.vector_store %arg8[%parallel_loop3A_264], %parallel_loop3A_263 {strides = array<i32>} : memref<10000xf32, #tpu.memory_space<vmem>>, vector<16xf32>,
    } {sc.loop_unroll_factor = 4 : i64, sc.parallel_access}
    %dma_wait3A = arith.constant 0 : i32
    %dma_wait3A_112 = tpu.memref_slice %arg2[%add3A_81, %dma_wait3A] : memref<24x10000xf32, #tpu.memory_space<hbm>> -> memref<1x10000xf32, #tpu.memory_space<hbm>>
    %dma_wait3A_113 = tpu.memref_squeeze %dma_wait3A_112 : memref<1x10000xf32, #tpu.memory_space<hbm>> -> memref<10000xf32, #tpu.memory_space<hbm>>
    %dma_wait3A_114 = arith.constant 0 : i32
    %dma_wait3A_115 = tpu.memref_slice %arg2[%add3A_81, %dma_wait3A_114] : memref<24x10000xf32, #tpu.memory_space<hbm>> -> memref<1x10000xf32, #tpu.memory_space<hbm>>
    %dma_wait3A_116 = tpu.memref_squeeze %dma_wait3A_115 : memref<1x10000xf32, #tpu.memory_space<hbm>> -> memref<10000xf32, #tpu.memory_space<hbm>>
    tpu.wait_dma2 semaphore(%arg22 : memref<!tpu.dma_semaphore, #tpu.memory_space<semaphore_mem>>) src(%dma_wait3A_116 : memref<10000xf32, #tpu.memory_space<hbm>>) dst(%arg9 : memref<10000xf32, #tpu.memory_space<vmem>>)
    %dma_wait3A_117 = arith.constant 0 : i32
    %dma_wait3A_118 = tpu.memref_slice %arg2[%add3A_84, %dma_wait3A_117] : memref<24x10000xf32, #tpu.memory_space<hbm>> -> memref<1x10000xf32, #tpu.memory_space<hbm>>
    %dma_wait3A_119 = tpu.memref_squeeze %dma_wait3A_118 : memref<1x10000xf32, #tpu.memory_space<hbm>> -> memref<10000xf32, #tpu.memory_space<hbm>>
    %dma_wait3A_120 = arith.constant 0 : i32
    %dma_wait3A_121 = tpu.memref_slice %arg2[%add3A_84, %dma_wait3A_120] : memref<24x10000xf32, #tpu.memory_space<hbm>> -> memref<1x10000xf32, #tpu.memory_space<hbm>>
    %dma_wait3A_122 = tpu.memref_squeeze %dma_wait3A_121 : memref<1x10000xf32, #tpu.memory_space<hbm>> -> memref<10000xf32, #tpu.memory_space<hbm>>
    tpu.wait_dma2 semaphore(%arg23 : memref<!tpu.dma_semaphore, #tpu.memory_space<semaphore_mem>>) src(%dma_wait3A_122 : memref<10000xf32, #tpu.memory_space<hbm>>) dst(%arg10 : memref<10000xf32, #tpu.memory_space<vmem>>)
    %convert_element_type3A = arith.extui %ne3A_78 : i1 to i32
    %convert_element_type3A_123 = arith.sitofp %convert_element_type3A : i32 to f32
    %parallel_loop3A_124 = arith.constant 0 : i32
    %parallel_loop3A_125 = arith.constant 10000 : i32
    %parallel_loop3A_126 = arith.constant 16 : i32
    scf.for %parallel_loop3A_226 = %parallel_loop3A_124 to %parallel_loop3A_125 step %parallel_loop3A_126  : i32 {
      %parallel_loop3A_227 = arith.index_cast %parallel_loop3A_226 : i32 to index
      %parallel_loop3A_228 = tpu.vector_load %arg9[%parallel_loop3A_227] {strides = array<i32>} : memref<10000xf32, #tpu.memory_space<vmem>>, vector<16xf32>,
      %parallel_loop3A_229 = arith.index_cast %parallel_loop3A_226 : i32 to index
      %parallel_loop3A_230 = tpu.vector_load %arg8[%parallel_loop3A_229] {strides = array<i32>} : memref<10000xf32, #tpu.memory_space<vmem>>, vector<16xf32>,
      %parallel_loop3A_231 = arith.mulf %parallel_loop3A_228, %parallel_loop3A_230 : vector<16xf32>
      %parallel_loop3A_232 = arith.index_cast %parallel_loop3A_226 : i32 to index
      %parallel_loop3A_233 = tpu.vector_load %arg9[%parallel_loop3A_232] {strides = array<i32>} : memref<10000xf32, #tpu.memory_space<vmem>>, vector<16xf32>,
      tpu.vector_store %arg9[%parallel_loop3A_232], %parallel_loop3A_231 {strides = array<i32>} : memref<10000xf32, #tpu.memory_space<vmem>>, vector<16xf32>,
      %parallel_loop3A_234 = arith.index_cast %parallel_loop3A_226 : i32 to index
      %parallel_loop3A_235 = tpu.vector_load %arg10[%parallel_loop3A_234] {strides = array<i32>} : memref<10000xf32, #tpu.memory_space<vmem>>, vector<16xf32>,
      %parallel_loop3A_236 = arith.index_cast %parallel_loop3A_226 : i32 to index
      %parallel_loop3A_237 = tpu.vector_load %arg8[%parallel_loop3A_236] {strides = array<i32>} : memref<10000xf32, #tpu.memory_space<vmem>>, vector<16xf32>,
      %parallel_loop3A_238 = arith.mulf %parallel_loop3A_235, %parallel_loop3A_237 : vector<16xf32>
      %parallel_loop3A_239 = arith.index_cast %parallel_loop3A_226 : i32 to index
      %parallel_loop3A_240 = tpu.vector_load %arg10[%parallel_loop3A_239] {strides = array<i32>} : memref<10000xf32, #tpu.memory_space<vmem>>, vector<16xf32>,
      tpu.vector_store %arg10[%parallel_loop3A_239], %parallel_loop3A_238 {strides = array<i32>} : memref<10000xf32, #tpu.memory_space<vmem>>, vector<16xf32>,
      %parallel_loop3A_241 = vector.broadcast %convert_element_type3A_123 : f32 to vector<16xf32>
      %parallel_loop3A_242 = arith.mulf %parallel_loop3A_231, %parallel_loop3A_241 : vector<16xf32>
      %parallel_loop3A_243 = arith.index_cast %parallel_loop3A_226 : i32 to index
      %parallel_loop3A_244 = tpu.vector_load %arg11[%parallel_loop3A_243] {strides = array<i32>} : memref<10000xf32, #tpu.memory_space<vmem>>, vector<16xf32>,
      tpu.vector_store %arg11[%parallel_loop3A_243], %parallel_loop3A_242 {strides = array<i32>} : memref<10000xf32, #tpu.memory_space<vmem>>, vector<16xf32>,
      %parallel_loop3A_245 = arith.constant 0.000000e+00 : f32
      %parallel_loop3A_246 = vector.broadcast %parallel_loop3A_245 : f32 to vector<16xf32>
      %parallel_loop3A_247 = arith.index_cast %parallel_loop3A_226 : i32 to index
      %parallel_loop3A_248 = tpu.vector_load %arg12[%parallel_loop3A_247] {strides = array<i32>} : memref<10000xf32, #tpu.memory_space<vmem>>, vector<16xf32>,
      tpu.vector_store %arg12[%parallel_loop3A_247], %parallel_loop3A_246 {strides = array<i32>} : memref<10000xf32, #tpu.memory_space<vmem>>, vector<16xf32>,
    } {sc.loop_unroll_factor = 4 : i64, sc.parallel_access}
    %gt3A = arith.constant 0 : i32
    %gt3A_127 = arith.cmpi sgt, %select_n3A_76, %gt3A : i32
    %add3A_128 = arith.constant 0 : i32
    %add3A_129 = arith.addi %select_n3A_65, %add3A_128 : i32
    %sub3A_130 = arith.constant 0 : i32
    %sub3A_131 = arith.subi %sub3A_130, %select_n3A_76 : i32
    %mul3A_132 = arith.constant 4000 : i32
    %mul3A_133 = arith.muli %sub3A_131, %mul3A_132 : i32
    %add3A_134 = arith.constant 0 : i32
    %add3A_135 = arith.addi %add3A_134, %mul3A_133 : i32
    %select_n3A_136 = arith.select %gt3A_127, %add3A_129, %add3A_135 : i32
    %dma_start3A_137 = tpu.memref_slice %arg3[%select_n3A_136] : memref<160000xi32, #tpu.memory_space<hbm>> -> memref<4000xi32, #tpu.memory_space<hbm>>
    %dma_start3A_138 = tpu.memref_slice %arg3[%select_n3A_136] : memref<160000xi32, #tpu.memory_space<hbm>> -> memref<4000xi32, #tpu.memory_space<hbm>>
    tpu.enqueue_dma source(%dma_start3A_138 : memref<4000xi32, #tpu.memory_space<hbm>>) target(%arg13 : memref<4000xi32, #tpu.memory_space<vmem>>) target_semaphore(%arg18 : memref<!tpu.dma_semaphore, #tpu.memory_space<semaphore_mem>>)
    %gt3A_139 = arith.constant 0 : i32
    %gt3A_140 = arith.cmpi sgt, %select_n3A_76, %gt3A_139 : i32
    %add3A_141 = arith.constant 0 : i32
    %add3A_142 = arith.addi %select_n3A_65, %add3A_141 : i32
    %sub3A_143 = arith.constant 0 : i32
    %sub3A_144 = arith.subi %sub3A_143, %select_n3A_76 : i32
    %mul3A_145 = arith.constant 4000 : i32
    %mul3A_146 = arith.muli %sub3A_144, %mul3A_145 : i32
    %add3A_147 = arith.constant 0 : i32
    %add3A_148 = arith.addi %add3A_147, %mul3A_146 : i32
    %select_n3A_149 = arith.select %gt3A_140, %add3A_142, %add3A_148 : i32
    %dma_start3A_150 = tpu.memref_slice %arg4[%select_n3A_149] : memref<160000xi32, #tpu.memory_space<hbm>> -> memref<4000xi32, #tpu.memory_space<hbm>>
    %dma_start3A_151 = tpu.memref_slice %arg4[%select_n3A_149] : memref<160000xi32, #tpu.memory_space<hbm>> -> memref<4000xi32, #tpu.memory_space<hbm>>
    tpu.enqueue_dma source(%dma_start3A_151 : memref<4000xi32, #tpu.memory_space<hbm>>) target(%arg15 : memref<4000xi32, #tpu.memory_space<vmem>>) target_semaphore(%arg20 : memref<!tpu.dma_semaphore, #tpu.memory_space<semaphore_mem>>)
    %scan3A_152 = arith.constant 0 : i32
    %scan3A_153 = arith.constant 0 : i32
    %scan3A_154 = arith.constant 0 : i32
    %scan3A_155 = arith.constant 15 : i32
    %scan3A_156 = arith.addi %scan3A_154, %scan3A_155 : i32
    %scan3A_157 = arith.constant 1 : i32
    %scan3A_158 = scf.for %scan3A_226 = %scan3A_154 to %scan3A_156 step %scan3A_157 iter_args(%scan3A_227 = %scan3A_153) -> (i32)  : i32 {
      %mul3A_228 = arith.constant 2 : i32
      %mul3A_229 = arith.muli %scan3A_226, %mul3A_228 : i32
      %add3A_230 = arith.constant 0 : i32
      %add3A_231 = arith.addi %mul3A_229, %add3A_230 : i32
      %add3A_232 = arith.constant 1 : i32
      %add3A_233 = arith.addi %add3A_231, %add3A_232 : i32
      %lt3A_234 = arith.constant 30 : i32
      %lt3A_235 = arith.cmpi slt, %add3A_233, %lt3A_234 : i32
      %convert_element_type3A_236 = arith.extui %lt3A_235 : i1 to i32
      %cond3A_237 = arith.constant 0 : i32
      %cond3A_238 = arith.cmpi ne, %convert_element_type3A_236, %cond3A_237 : i32
      scf.if %cond3A_238 {
        %lt3A_310 = arith.cmpi slt, %add3A_233, %select_n3A_76 : i32
        %mul3A_311 = arith.constant 4000 : i32
        %mul3A_312 = arith.muli %add3A_233, %mul3A_311 : i32
        %add3A_313 = arith.addi %select_n3A_65, %mul3A_312 : i32
        %sub3A_314 = arith.subi %add3A_233, %select_n3A_76 : i32
        %mul3A_315 = arith.constant 4000 : i32
        %mul3A_316 = arith.muli %sub3A_314, %mul3A_315 : i32
        %add3A_317 = arith.addi %scan3A_152, %mul3A_316 : i32
        %select_n3A_318 = arith.select %lt3A_310, %add3A_313, %add3A_317 : i32
        %dma_start3A_319 = tpu.memref_slice %arg3[%select_n3A_318] : memref<160000xi32, #tpu.memory_space<hbm>> -> memref<4000xi32, #tpu.memory_space<hbm>>
        %dma_start3A_320 = tpu.memref_slice %arg3[%select_n3A_318] : memref<160000xi32, #tpu.memory_space<hbm>> -> memref<4000xi32, #tpu.memory_space<hbm>>
        tpu.enqueue_dma source(%dma_start3A_320 : memref<4000xi32, #tpu.memory_space<hbm>>) target(%arg14 : memref<4000xi32, #tpu.memory_space<vmem>>) target_semaphore(%arg19 : memref<!tpu.dma_semaphore, #tpu.memory_space<semaphore_mem>>)
        %lt3A_321 = arith.cmpi slt, %add3A_233, %select_n3A_76 : i32
        %mul3A_322 = arith.constant 4000 : i32
        %mul3A_323 = arith.muli %add3A_233, %mul3A_322 : i32
        %add3A_324 = arith.addi %select_n3A_65, %mul3A_323 : i32
        %sub3A_325 = arith.subi %add3A_233, %select_n3A_76 : i32
        %mul3A_326 = arith.constant 4000 : i32
        %mul3A_327 = arith.muli %sub3A_325, %mul3A_326 : i32
        %add3A_328 = arith.addi %scan3A_152, %mul3A_327 : i32
        %select_n3A_329 = arith.select %lt3A_321, %add3A_324, %add3A_328 : i32
        %dma_start3A_330 = tpu.memref_slice %arg4[%select_n3A_329] : memref<160000xi32, #tpu.memory_space<hbm>> -> memref<4000xi32, #tpu.memory_space<hbm>>
        %dma_start3A_331 = tpu.memref_slice %arg4[%select_n3A_329] : memref<160000xi32, #tpu.memory_space<hbm>> -> memref<4000xi32, #tpu.memory_space<hbm>>
        tpu.enqueue_dma source(%dma_start3A_331 : memref<4000xi32, #tpu.memory_space<hbm>>) target(%arg16 : memref<4000xi32, #tpu.memory_space<vmem>>) target_semaphore(%arg21 : memref<!tpu.dma_semaphore, #tpu.memory_space<semaphore_mem>>)
      } else {
      }
      %lt3A_239 = arith.cmpi slt, %add3A_231, %select_n3A_76 : i32
      %mul3A_240 = arith.constant 4000 : i32
      %mul3A_241 = arith.muli %add3A_231, %mul3A_240 : i32
      %add3A_242 = arith.addi %select_n3A_65, %mul3A_241 : i32
      %sub3A_243 = arith.subi %add3A_231, %select_n3A_76 : i32
      %mul3A_244 = arith.constant 4000 : i32
      %mul3A_245 = arith.muli %sub3A_243, %mul3A_244 : i32
      %add3A_246 = arith.addi %scan3A_152, %mul3A_245 : i32
      %select_n3A_247 = arith.select %lt3A_239, %add3A_242, %add3A_246 : i32
      %dma_wait3A_248 = tpu.memref_slice %arg3[%select_n3A_247] : memref<160000xi32, #tpu.memory_space<hbm>> -> memref<4000xi32, #tpu.memory_space<hbm>>
      %dma_wait3A_249 = tpu.memref_slice %arg3[%select_n3A_247] : memref<160000xi32, #tpu.memory_space<hbm>> -> memref<4000xi32, #tpu.memory_space<hbm>>
      tpu.wait_dma2 semaphore(%arg18 : memref<!tpu.dma_semaphore, #tpu.memory_space<semaphore_mem>>) src(%dma_wait3A_249 : memref<4000xi32, #tpu.memory_space<hbm>>) dst(%arg13 : memref<4000xi32, #tpu.memory_space<vmem>>)
      %lt3A_250 = arith.cmpi slt, %add3A_231, %select_n3A_76 : i32
      %mul3A_251 = arith.constant 4000 : i32
      %mul3A_252 = arith.muli %add3A_231, %mul3A_251 : i32
      %add3A_253 = arith.addi %select_n3A_65, %mul3A_252 : i32
      %sub3A_254 = arith.subi %add3A_231, %select_n3A_76 : i32
      %mul3A_255 = arith.constant 4000 : i32
      %mul3A_256 = arith.muli %sub3A_254, %mul3A_255 : i32
      %add3A_257 = arith.addi %scan3A_152, %mul3A_256 : i32
      %select_n3A_258 = arith.select %lt3A_250, %add3A_253, %add3A_257 : i32
      %dma_wait3A_259 = tpu.memref_slice %arg4[%select_n3A_258] : memref<160000xi32, #tpu.memory_space<hbm>> -> memref<4000xi32, #tpu.memory_space<hbm>>
      %dma_wait3A_260 = tpu.memref_slice %arg4[%select_n3A_258] : memref<160000xi32, #tpu.memory_space<hbm>> -> memref<4000xi32, #tpu.memory_space<hbm>>
      tpu.wait_dma2 semaphore(%arg20 : memref<!tpu.dma_semaphore, #tpu.memory_space<semaphore_mem>>) src(%dma_wait3A_260 : memref<4000xi32, #tpu.memory_space<hbm>>) dst(%arg15 : memref<4000xi32, #tpu.memory_space<vmem>>)
      %lt3A_261 = arith.cmpi slt, %add3A_231, %select_n3A_76 : i32
      %convert_element_type3A_262 = arith.extui %lt3A_261 : i1 to i32
      %cond3A_263 = arith.constant 0 : i32
      %cond3A_264 = arith.cmpi ne, %convert_element_type3A_262, %cond3A_263 : i32
      scf.if %cond3A_264 {
        %parallel_loop3A_310 = arith.constant 0 : i32
        %parallel_loop3A_311 = arith.constant 4000 : i32
        %parallel_loop3A_312 = arith.constant 16 : i32
        scf.for %parallel_loop3A_313 = %parallel_loop3A_310 to %parallel_loop3A_311 step %parallel_loop3A_312  : i32 {
          %parallel_loop3A_314 = arith.index_cast %parallel_loop3A_313 : i32 to index
          %parallel_loop3A_315 = tpu.vector_load %arg13[%parallel_loop3A_314] {strides = array<i32>} : memref<4000xi32, #tpu.memory_space<vmem>>, vector<16xi32>,
          %parallel_loop3A_316 = arith.index_cast %parallel_loop3A_313 : i32 to index
          %parallel_loop3A_317 = tpu.vector_load %arg15[%parallel_loop3A_316] {strides = array<i32>} : memref<4000xi32, #tpu.memory_space<vmem>>, vector<16xi32>,
          %parallel_loop3A_318 = tpu.vector_load_idx %arg9[%parallel_loop3A_315] : memref<10000xf32, #tpu.memory_space<vmem>>[vector<16xi32>], vector<16xf32>,
          tpu.vector_store_idx %arg11[%parallel_loop3A_317], %parallel_loop3A_318 {add = true} : memref<10000xf32, #tpu.memory_space<vmem>>[vector<16xi32>], vector<16xf32>,
        } {sc.loop_unroll_factor = 5 : i64, sc.parallel_access}
      } else {
      }
      %ge3A = arith.cmpi sge, %add3A_231, %select_n3A_76 : i32
      %convert_element_type3A_265 = arith.extui %ge3A : i1 to i32
      %cond3A_266 = arith.constant 0 : i32
      %cond3A_267 = arith.cmpi ne, %convert_element_type3A_265, %cond3A_266 : i32
      scf.if %cond3A_267 {
        %parallel_loop3A_310 = arith.constant 0 : i32
        %parallel_loop3A_311 = arith.constant 4000 : i32
        %parallel_loop3A_312 = arith.constant 16 : i32
        scf.for %parallel_loop3A_313 = %parallel_loop3A_310 to %parallel_loop3A_311 step %parallel_loop3A_312  : i32 {
          %parallel_loop3A_314 = arith.index_cast %parallel_loop3A_313 : i32 to index
          %parallel_loop3A_315 = tpu.vector_load %arg13[%parallel_loop3A_314] {strides = array<i32>} : memref<4000xi32, #tpu.memory_space<vmem>>, vector<16xi32>,
          %parallel_loop3A_316 = arith.index_cast %parallel_loop3A_313 : i32 to index
          %parallel_loop3A_317 = tpu.vector_load %arg15[%parallel_loop3A_316] {strides = array<i32>} : memref<4000xi32, #tpu.memory_space<vmem>>, vector<16xi32>,
          %parallel_loop3A_318 = tpu.vector_load_idx %arg10[%parallel_loop3A_315] : memref<10000xf32, #tpu.memory_space<vmem>>[vector<16xi32>], vector<16xf32>,
          tpu.vector_store_idx %arg12[%parallel_loop3A_317], %parallel_loop3A_318 {add = true} : memref<10000xf32, #tpu.memory_space<vmem>>[vector<16xi32>], vector<16xf32>,
        } {sc.loop_unroll_factor = 5 : i64, sc.parallel_access}
      } else {
      }
      %mul3A_268 = arith.constant 2 : i32
      %mul3A_269 = arith.muli %scan3A_226, %mul3A_268 : i32
      %add3A_270 = arith.constant 1 : i32
      %add3A_271 = arith.addi %mul3A_269, %add3A_270 : i32
      %add3A_272 = arith.constant 1 : i32
      %add3A_273 = arith.addi %add3A_271, %add3A_272 : i32
      %lt3A_274 = arith.constant 30 : i32
      %lt3A_275 = arith.cmpi slt, %add3A_273, %lt3A_274 : i32
      %convert_element_type3A_276 = arith.extui %lt3A_275 : i1 to i32
      %cond3A_277 = arith.constant 0 : i32
      %cond3A_278 = arith.cmpi ne, %convert_element_type3A_276, %cond3A_277 : i32
      scf.if %cond3A_278 {
        %lt3A_310 = arith.cmpi slt, %add3A_273, %select_n3A_76 : i32
        %mul3A_311 = arith.constant 4000 : i32
        %mul3A_312 = arith.muli %add3A_273, %mul3A_311 : i32
        %add3A_313 = arith.addi %select_n3A_65, %mul3A_312 : i32
        %sub3A_314 = arith.subi %add3A_273, %select_n3A_76 : i32
        %mul3A_315 = arith.constant 4000 : i32
        %mul3A_316 = arith.muli %sub3A_314, %mul3A_315 : i32
        %add3A_317 = arith.addi %scan3A_152, %mul3A_316 : i32
        %select_n3A_318 = arith.select %lt3A_310, %add3A_313, %add3A_317 : i32
        %dma_start3A_319 = tpu.memref_slice %arg3[%select_n3A_318] : memref<160000xi32, #tpu.memory_space<hbm>> -> memref<4000xi32, #tpu.memory_space<hbm>>
        %dma_start3A_320 = tpu.memref_slice %arg3[%select_n3A_318] : memref<160000xi32, #tpu.memory_space<hbm>> -> memref<4000xi32, #tpu.memory_space<hbm>>
        tpu.enqueue_dma source(%dma_start3A_320 : memref<4000xi32, #tpu.memory_space<hbm>>) target(%arg13 : memref<4000xi32, #tpu.memory_space<vmem>>) target_semaphore(%arg18 : memref<!tpu.dma_semaphore, #tpu.memory_space<semaphore_mem>>)
        %lt3A_321 = arith.cmpi slt, %add3A_273, %select_n3A_76 : i32
        %mul3A_322 = arith.constant 4000 : i32
        %mul3A_323 = arith.muli %add3A_273, %mul3A_322 : i32
        %add3A_324 = arith.addi %select_n3A_65, %mul3A_323 : i32
        %sub3A_325 = arith.subi %add3A_273, %select_n3A_76 : i32
        %mul3A_326 = arith.constant 4000 : i32
        %mul3A_327 = arith.muli %sub3A_325, %mul3A_326 : i32
        %add3A_328 = arith.addi %scan3A_152, %mul3A_327 : i32
        %select_n3A_329 = arith.select %lt3A_321, %add3A_324, %add3A_328 : i32
        %dma_start3A_330 = tpu.memref_slice %arg4[%select_n3A_329] : memref<160000xi32, #tpu.memory_space<hbm>> -> memref<4000xi32, #tpu.memory_space<hbm>>
        %dma_start3A_331 = tpu.memref_slice %arg4[%select_n3A_329] : memref<160000xi32, #tpu.memory_space<hbm>> -> memref<4000xi32, #tpu.memory_space<hbm>>
        tpu.enqueue_dma source(%dma_start3A_331 : memref<4000xi32, #tpu.memory_space<hbm>>) target(%arg15 : memref<4000xi32, #tpu.memory_space<vmem>>) target_semaphore(%arg20 : memref<!tpu.dma_semaphore, #tpu.memory_space<semaphore_mem>>)
      } else {
      }
      %lt3A_279 = arith.cmpi slt, %add3A_271, %select_n3A_76 : i32
      %mul3A_280 = arith.constant 4000 : i32
      %mul3A_281 = arith.muli %add3A_271, %mul3A_280 : i32
      %add3A_282 = arith.addi %select_n3A_65, %mul3A_281 : i32
      %sub3A_283 = arith.subi %add3A_271, %select_n3A_76 : i32
      %mul3A_284 = arith.constant 4000 : i32
      %mul3A_285 = arith.muli %sub3A_283, %mul3A_284 : i32
      %add3A_286 = arith.addi %scan3A_152, %mul3A_285 : i32
      %select_n3A_287 = arith.select %lt3A_279, %add3A_282, %add3A_286 : i32
      %dma_wait3A_288 = tpu.memref_slice %arg3[%select_n3A_287] : memref<160000xi32, #tpu.memory_space<hbm>> -> memref<4000xi32, #tpu.memory_space<hbm>>
      %dma_wait3A_289 = tpu.memref_slice %arg3[%select_n3A_287] : memref<160000xi32, #tpu.memory_space<hbm>> -> memref<4000xi32, #tpu.memory_space<hbm>>
      tpu.wait_dma2 semaphore(%arg19 : memref<!tpu.dma_semaphore, #tpu.memory_space<semaphore_mem>>) src(%dma_wait3A_289 : memref<4000xi32, #tpu.memory_space<hbm>>) dst(%arg14 : memref<4000xi32, #tpu.memory_space<vmem>>)
      %lt3A_290 = arith.cmpi slt, %add3A_271, %select_n3A_76 : i32
      %mul3A_291 = arith.constant 4000 : i32
      %mul3A_292 = arith.muli %add3A_271, %mul3A_291 : i32
      %add3A_293 = arith.addi %select_n3A_65, %mul3A_292 : i32
      %sub3A_294 = arith.subi %add3A_271, %select_n3A_76 : i32
      %mul3A_295 = arith.constant 4000 : i32
      %mul3A_296 = arith.muli %sub3A_294, %mul3A_295 : i32
      %add3A_297 = arith.addi %scan3A_152, %mul3A_296 : i32
      %select_n3A_298 = arith.select %lt3A_290, %add3A_293, %add3A_297 : i32
      %dma_wait3A_299 = tpu.memref_slice %arg4[%select_n3A_298] : memref<160000xi32, #tpu.memory_space<hbm>> -> memref<4000xi32, #tpu.memory_space<hbm>>
      %dma_wait3A_300 = tpu.memref_slice %arg4[%select_n3A_298] : memref<160000xi32, #tpu.memory_space<hbm>> -> memref<4000xi32, #tpu.memory_space<hbm>>
      tpu.wait_dma2 semaphore(%arg21 : memref<!tpu.dma_semaphore, #tpu.memory_space<semaphore_mem>>) src(%dma_wait3A_300 : memref<4000xi32, #tpu.memory_space<hbm>>) dst(%arg16 : memref<4000xi32, #tpu.memory_space<vmem>>)
      %lt3A_301 = arith.cmpi slt, %add3A_271, %select_n3A_76 : i32
      %convert_element_type3A_302 = arith.extui %lt3A_301 : i1 to i32
      %cond3A_303 = arith.constant 0 : i32
      %cond3A_304 = arith.cmpi ne, %convert_element_type3A_302, %cond3A_303 : i32
      scf.if %cond3A_304 {
        %parallel_loop3A_310 = arith.constant 0 : i32
        %parallel_loop3A_311 = arith.constant 4000 : i32
        %parallel_loop3A_312 = arith.constant 16 : i32
        scf.for %parallel_loop3A_313 = %parallel_loop3A_310 to %parallel_loop3A_311 step %parallel_loop3A_312  : i32 {
          %parallel_loop3A_314 = arith.index_cast %parallel_loop3A_313 : i32 to index
          %parallel_loop3A_315 = tpu.vector_load %arg14[%parallel_loop3A_314] {strides = array<i32>} : memref<4000xi32, #tpu.memory_space<vmem>>, vector<16xi32>,
          %parallel_loop3A_316 = arith.index_cast %parallel_loop3A_313 : i32 to index
          %parallel_loop3A_317 = tpu.vector_load %arg16[%parallel_loop3A_316] {strides = array<i32>} : memref<4000xi32, #tpu.memory_space<vmem>>, vector<16xi32>,
          %parallel_loop3A_318 = tpu.vector_load_idx %arg9[%parallel_loop3A_315] : memref<10000xf32, #tpu.memory_space<vmem>>[vector<16xi32>], vector<16xf32>,
          tpu.vector_store_idx %arg11[%parallel_loop3A_317], %parallel_loop3A_318 {add = true} : memref<10000xf32, #tpu.memory_space<vmem>>[vector<16xi32>], vector<16xf32>,
        } {sc.loop_unroll_factor = 5 : i64, sc.parallel_access}
      } else {
      }
      %ge3A_305 = arith.cmpi sge, %add3A_271, %select_n3A_76 : i32
      %convert_element_type3A_306 = arith.extui %ge3A_305 : i1 to i32
      %cond3A_307 = arith.constant 0 : i32
      %cond3A_308 = arith.cmpi ne, %convert_element_type3A_306, %cond3A_307 : i32
      scf.if %cond3A_308 {
        %parallel_loop3A_310 = arith.constant 0 : i32
        %parallel_loop3A_311 = arith.constant 4000 : i32
        %parallel_loop3A_312 = arith.constant 16 : i32
        scf.for %parallel_loop3A_313 = %parallel_loop3A_310 to %parallel_loop3A_311 step %parallel_loop3A_312  : i32 {
          %parallel_loop3A_314 = arith.index_cast %parallel_loop3A_313 : i32 to index
          %parallel_loop3A_315 = tpu.vector_load %arg14[%parallel_loop3A_314] {strides = array<i32>} : memref<4000xi32, #tpu.memory_space<vmem>>, vector<16xi32>,
          %parallel_loop3A_316 = arith.index_cast %parallel_loop3A_313 : i32 to index
          %parallel_loop3A_317 = tpu.vector_load %arg16[%parallel_loop3A_316] {strides = array<i32>} : memref<4000xi32, #tpu.memory_space<vmem>>, vector<16xi32>,
          %parallel_loop3A_318 = tpu.vector_load_idx %arg10[%parallel_loop3A_315] : memref<10000xf32, #tpu.memory_space<vmem>>[vector<16xi32>], vector<16xf32>,
          tpu.vector_store_idx %arg12[%parallel_loop3A_317], %parallel_loop3A_318 {add = true} : memref<10000xf32, #tpu.memory_space<vmem>>[vector<16xi32>], vector<16xf32>,
        } {sc.loop_unroll_factor = 5 : i64, sc.parallel_access}
      } else {
      }
      %scan3A_309 = arith.constant 0 : i32
      scf.yield %scan3A_309 : i32
    }
    %scan3A_159 = arith.constant 15 : i32
    %eq3A_160 = arith.constant 1 : i32
    %eq3A_161 = arith.cmpi eq, %select_n3A_28, %eq3A_160 : i32
    %convert_element_type3A_162 = arith.extui %eq3A_161 : i1 to i32
    %cond3A = arith.constant 0 : i32
    %cond3A_163 = arith.cmpi ne, %convert_element_type3A_162, %cond3A : i32
    scf.if %cond3A_163 {
      %mul3A_226 = arith.constant 12 : i32
      %mul3A_227 = arith.muli %mul3A_226, %arg0 : i32
      %mul3A_228 = arith.constant 3 : i32
      %mul3A_229 = arith.muli %mul3A_228, %select_n3A : i32
      %add3A_230 = arith.addi %mul3A_227, %mul3A_229 : i32
      "tpu.region"() ({
        %run_scoped3A = tpu.sem_alloc : memref<!tpu.dma_semaphore, #tpu.memory_space<semaphore_mem>>
        %dma_start3A_238 = arith.constant 0 : i32
        %dma_start3A_239 = tpu.memref_slice %arg7[%add3A_230, %dma_start3A_238] : memref<24x10000xf32, #tpu.memory_space<hbm>> -> memref<1x10000xf32, #tpu.memory_space<hbm>>
        %dma_start3A_240 = tpu.memref_squeeze %dma_start3A_239 : memref<1x10000xf32, #tpu.memory_space<hbm>> -> memref<10000xf32, #tpu.memory_space<hbm>>
        %dma_start3A_241 = arith.constant 0 : i32
        %dma_start3A_242 = tpu.memref_slice %arg7[%add3A_230, %dma_start3A_241] : memref<24x10000xf32, #tpu.memory_space<hbm>> -> memref<1x10000xf32, #tpu.memory_space<hbm>>
        %dma_start3A_243 = tpu.memref_squeeze %dma_start3A_242 : memref<1x10000xf32, #tpu.memory_space<hbm>> -> memref<10000xf32, #tpu.memory_space<hbm>>
        tpu.enqueue_dma source(%arg11 : memref<10000xf32, #tpu.memory_space<vmem>>) target(%dma_start3A_243 : memref<10000xf32, #tpu.memory_space<hbm>>) target_semaphore(%run_scoped3A : memref<!tpu.dma_semaphore, #tpu.memory_space<semaphore_mem>>)
        %dma_wait3A_244 = arith.constant 0 : i32
        %dma_wait3A_245 = tpu.memref_slice %arg7[%add3A_230, %dma_wait3A_244] : memref<24x10000xf32, #tpu.memory_space<hbm>> -> memref<1x10000xf32, #tpu.memory_space<hbm>>
        %dma_wait3A_246 = tpu.memref_squeeze %dma_wait3A_245 : memref<1x10000xf32, #tpu.memory_space<hbm>> -> memref<10000xf32, #tpu.memory_space<hbm>>
        %dma_wait3A_247 = arith.constant 0 : i32
        %dma_wait3A_248 = tpu.memref_slice %arg7[%add3A_230, %dma_wait3A_247] : memref<24x10000xf32, #tpu.memory_space<hbm>> -> memref<1x10000xf32, #tpu.memory_space<hbm>>
        %dma_wait3A_249 = tpu.memref_squeeze %dma_wait3A_248 : memref<1x10000xf32, #tpu.memory_space<hbm>> -> memref<10000xf32, #tpu.memory_space<hbm>>
        tpu.wait_dma2 semaphore(%run_scoped3A : memref<!tpu.dma_semaphore, #tpu.memory_space<semaphore_mem>>) src(%arg11 : memref<10000xf32, #tpu.memory_space<vmem>>) dst(%dma_wait3A_249 : memref<10000xf32, #tpu.memory_space<hbm>>)
        tpu.yield
      }) : () -> ()
      %mul3A_231 = arith.constant 12 : i32
      %mul3A_232 = arith.muli %mul3A_231, %arg0 : i32
      %mul3A_233 = arith.constant 3 : i32
      %mul3A_234 = arith.muli %mul3A_233, %select_n3A : i32
      %add3A_235 = arith.addi %mul3A_232, %mul3A_234 : i32
      %add3A_236 = arith.constant 1 : i32
      %add3A_237 = arith.addi %add3A_235, %add3A_236 : i32
      "tpu.region"() ({
        %run_scoped3A = tpu.sem_alloc : memref<!tpu.dma_semaphore, #tpu.memory_space<semaphore_mem>>
        %dma_start3A_238 = arith.constant 0 : i32
        %dma_start3A_239 = tpu.memref_slice %arg7[%add3A_237, %dma_start3A_238] : memref<24x10000xf32, #tpu.memory_space<hbm>> -> memref<1x10000xf32, #tpu.memory_space<hbm>>
        %dma_start3A_240 = tpu.memref_squeeze %dma_start3A_239 : memref<1x10000xf32, #tpu.memory_space<hbm>> -> memref<10000xf32, #tpu.memory_space<hbm>>
        %dma_start3A_241 = arith.constant 0 : i32
        %dma_start3A_242 = tpu.memref_slice %arg7[%add3A_237, %dma_start3A_241] : memref<24x10000xf32, #tpu.memory_space<hbm>> -> memref<1x10000xf32, #tpu.memory_space<hbm>>
        %dma_start3A_243 = tpu.memref_squeeze %dma_start3A_242 : memref<1x10000xf32, #tpu.memory_space<hbm>> -> memref<10000xf32, #tpu.memory_space<hbm>>
        tpu.enqueue_dma source(%arg12 : memref<10000xf32, #tpu.memory_space<vmem>>) target(%dma_start3A_243 : memref<10000xf32, #tpu.memory_space<hbm>>) target_semaphore(%run_scoped3A : memref<!tpu.dma_semaphore, #tpu.memory_space<semaphore_mem>>)
        %dma_wait3A_244 = arith.constant 0 : i32
        %dma_wait3A_245 = tpu.memref_slice %arg7[%add3A_237, %dma_wait3A_244] : memref<24x10000xf32, #tpu.memory_space<hbm>> -> memref<1x10000xf32, #tpu.memory_space<hbm>>
        %dma_wait3A_246 = tpu.memref_squeeze %dma_wait3A_245 : memref<1x10000xf32, #tpu.memory_space<hbm>> -> memref<10000xf32, #tpu.memory_space<hbm>>
        %dma_wait3A_247 = arith.constant 0 : i32
        %dma_wait3A_248 = tpu.memref_slice %arg7[%add3A_237, %dma_wait3A_247] : memref<24x10000xf32, #tpu.memory_space<hbm>> -> memref<1x10000xf32, #tpu.memory_space<hbm>>
        %dma_wait3A_249 = tpu.memref_squeeze %dma_wait3A_248 : memref<1x10000xf32, #tpu.memory_space<hbm>> -> memref<10000xf32, #tpu.memory_space<hbm>>
        tpu.wait_dma2 semaphore(%run_scoped3A : memref<!tpu.dma_semaphore, #tpu.memory_space<semaphore_mem>>) src(%arg12 : memref<10000xf32, #tpu.memory_space<vmem>>) dst(%dma_wait3A_249 : memref<10000xf32, #tpu.memory_space<hbm>>)
        tpu.yield
      }) : () -> ()
    } else {
    }
    %eq3A_164 = arith.constant 2 : i32
    %eq3A_165 = arith.cmpi eq, %select_n3A_28, %eq3A_164 : i32
    %convert_element_type3A_166 = arith.extui %eq3A_165 : i1 to i32
    %cond3A_167 = arith.constant 0 : i32
    %cond3A_168 = arith.cmpi ne, %convert_element_type3A_166, %cond3A_167 : i32
    scf.if %cond3A_168 {
      %mul3A_226 = arith.constant 12 : i32
      %mul3A_227 = arith.muli %mul3A_226, %arg0 : i32
      %mul3A_228 = arith.constant 3 : i32
      %mul3A_229 = arith.muli %mul3A_228, %select_n3A : i32
      %add3A_230 = arith.addi %mul3A_227, %mul3A_229 : i32
      %add3A_231 = arith.constant 2 : i32
      %add3A_232 = arith.addi %add3A_230, %add3A_231 : i32
      "tpu.region"() ({
        %run_scoped3A = tpu.sem_alloc : memref<!tpu.dma_semaphore, #tpu.memory_space<semaphore_mem>>
        %dma_start3A_233 = arith.constant 0 : i32
        %dma_start3A_234 = tpu.memref_slice %arg7[%add3A_232, %dma_start3A_233] : memref<24x10000xf32, #tpu.memory_space<hbm>> -> memref<1x10000xf32, #tpu.memory_space<hbm>>
        %dma_start3A_235 = tpu.memref_squeeze %dma_start3A_234 : memref<1x10000xf32, #tpu.memory_space<hbm>> -> memref<10000xf32, #tpu.memory_space<hbm>>
        %dma_start3A_236 = arith.constant 0 : i32
        %dma_start3A_237 = tpu.memref_slice %arg7[%add3A_232, %dma_start3A_236] : memref<24x10000xf32, #tpu.memory_space<hbm>> -> memref<1x10000xf32, #tpu.memory_space<hbm>>
        %dma_start3A_238 = tpu.memref_squeeze %dma_start3A_237 : memref<1x10000xf32, #tpu.memory_space<hbm>> -> memref<10000xf32, #tpu.memory_space<hbm>>
        tpu.enqueue_dma source(%arg12 : memref<10000xf32, #tpu.memory_space<vmem>>) target(%dma_start3A_238 : memref<10000xf32, #tpu.memory_space<hbm>>) target_semaphore(%run_scoped3A : memref<!tpu.dma_semaphore, #tpu.memory_space<semaphore_mem>>)
        %dma_wait3A_239 = arith.constant 0 : i32
        %dma_wait3A_240 = tpu.memref_slice %arg7[%add3A_232, %dma_wait3A_239] : memref<24x10000xf32, #tpu.memory_space<hbm>> -> memref<1x10000xf32, #tpu.memory_space<hbm>>
        %dma_wait3A_241 = tpu.memref_squeeze %dma_wait3A_240 : memref<1x10000xf32, #tpu.memory_space<hbm>> -> memref<10000xf32, #tpu.memory_space<hbm>>
        %dma_wait3A_242 = arith.constant 0 : i32
        %dma_wait3A_243 = tpu.memref_slice %arg7[%add3A_232, %dma_wait3A_242] : memref<24x10000xf32, #tpu.memory_space<hbm>> -> memref<1x10000xf32, #tpu.memory_space<hbm>>
        %dma_wait3A_244 = tpu.memref_squeeze %dma_wait3A_243 : memref<1x10000xf32, #tpu.memory_space<hbm>> -> memref<10000xf32, #tpu.memory_space<hbm>>
        tpu.wait_dma2 semaphore(%run_scoped3A : memref<!tpu.dma_semaphore, #tpu.memory_space<semaphore_mem>>) src(%arg12 : memref<10000xf32, #tpu.memory_space<vmem>>) dst(%dma_wait3A_244 : memref<10000xf32, #tpu.memory_space<hbm>>)
        tpu.yield
      }) : () -> ()
    } else {
    }
    %barrier3A = arith.constant 0 : index
    tpu.barrier barrier_id(%barrier3A)
    %broadcast_in_dim3A_169 = vector.broadcast %add3A_81 : i32 to vector<16xi32>
    %gather3A = tpu.vector_load_idx %arg17[%broadcast_in_dim3A_169] : memref<32xf32, #tpu.memory_space<vmem>>[vector<16xi32>], vector<16xf32>,
    %convert_element_type3A_170 = arith.extui %ne3A_78 : i1 to i32
    %cond3A_171 = arith.constant 0 : i32
    %cond3A_172 = arith.cmpi ne, %convert_element_type3A_170, %cond3A_171 : i32
    scf.if %cond3A_172 {
      "tpu.region"() ({
        %run_scoped3A = tpu.sem_alloc : memref<!tpu.dma_semaphore, #tpu.memory_space<semaphore_mem>>
        %dma_start3A_229 = arith.constant 0 : i32
        %dma_start3A_230 = tpu.memref_slice %arg7[%add3A_81, %dma_start3A_229] : memref<24x10000xf32, #tpu.memory_space<hbm>> -> memref<1x10000xf32, #tpu.memory_space<hbm>>
        %dma_start3A_231 = tpu.memref_squeeze %dma_start3A_230 : memref<1x10000xf32, #tpu.memory_space<hbm>> -> memref<10000xf32, #tpu.memory_space<hbm>>
        %dma_start3A_232 = arith.constant 0 : i32
        %dma_start3A_233 = tpu.memref_slice %arg7[%add3A_81, %dma_start3A_232] : memref<24x10000xf32, #tpu.memory_space<hbm>> -> memref<1x10000xf32, #tpu.memory_space<hbm>>
        %dma_start3A_234 = tpu.memref_squeeze %dma_start3A_233 : memref<1x10000xf32, #tpu.memory_space<hbm>> -> memref<10000xf32, #tpu.memory_space<hbm>>
        tpu.enqueue_dma source(%dma_start3A_234 : memref<10000xf32, #tpu.memory_space<hbm>>) target(%arg12 : memref<10000xf32, #tpu.memory_space<vmem>>) target_semaphore(%run_scoped3A : memref<!tpu.dma_semaphore, #tpu.memory_space<semaphore_mem>>)
        %dma_wait3A_235 = arith.constant 0 : i32
        %dma_wait3A_236 = tpu.memref_slice %arg7[%add3A_81, %dma_wait3A_235] : memref<24x10000xf32, #tpu.memory_space<hbm>> -> memref<1x10000xf32, #tpu.memory_space<hbm>>
        %dma_wait3A_237 = tpu.memref_squeeze %dma_wait3A_236 : memref<1x10000xf32, #tpu.memory_space<hbm>> -> memref<10000xf32, #tpu.memory_space<hbm>>
        %dma_wait3A_238 = arith.constant 0 : i32
        %dma_wait3A_239 = tpu.memref_slice %arg7[%add3A_81, %dma_wait3A_238] : memref<24x10000xf32, #tpu.memory_space<hbm>> -> memref<1x10000xf32, #tpu.memory_space<hbm>>
        %dma_wait3A_240 = tpu.memref_squeeze %dma_wait3A_239 : memref<1x10000xf32, #tpu.memory_space<hbm>> -> memref<10000xf32, #tpu.memory_space<hbm>>
        tpu.wait_dma2 semaphore(%run_scoped3A : memref<!tpu.dma_semaphore, #tpu.memory_space<semaphore_mem>>) src(%dma_wait3A_240 : memref<10000xf32, #tpu.memory_space<hbm>>) dst(%arg12 : memref<10000xf32, #tpu.memory_space<vmem>>)
        tpu.yield
      }) : () -> ()
      %parallel_loop3A_226 = arith.constant 0 : i32
      %parallel_loop3A_227 = arith.constant 10000 : i32
      %parallel_loop3A_228 = arith.constant 16 : i32
      scf.for %parallel_loop3A_229 = %parallel_loop3A_226 to %parallel_loop3A_227 step %parallel_loop3A_228  : i32 {
        %parallel_loop3A_230 = arith.index_cast %parallel_loop3A_229 : i32 to index
        %parallel_loop3A_231 = tpu.vector_load %arg11[%parallel_loop3A_230] {strides = array<i32>} : memref<10000xf32, #tpu.memory_space<vmem>>, vector<16xf32>,
        %parallel_loop3A_232 = arith.index_cast %parallel_loop3A_229 : i32 to index
        %parallel_loop3A_233 = tpu.vector_load %arg12[%parallel_loop3A_232] {strides = array<i32>} : memref<10000xf32, #tpu.memory_space<vmem>>, vector<16xf32>,
        %parallel_loop3A_234 = arith.addf %parallel_loop3A_231, %parallel_loop3A_233 : vector<16xf32>
        %parallel_loop3A_235 = arith.index_cast %parallel_loop3A_229 : i32 to index
        %parallel_loop3A_236 = tpu.vector_load %arg8[%parallel_loop3A_235] {strides = array<i32>} : memref<10000xf32, #tpu.memory_space<vmem>>, vector<16xf32>,
        %parallel_loop3A_237 = arith.mulf %parallel_loop3A_234, %parallel_loop3A_236 : vector<16xf32>
        %parallel_loop3A_238 = arith.addf %parallel_loop3A_237, %gather3A : vector<16xf32>
        %parallel_loop3A_239 = arith.constant 0.000000e+00 : f32
        %parallel_loop3A_240 = vector.broadcast %parallel_loop3A_239 : f32 to vector<16xf32>
        %parallel_loop3A_241 = arith.maximumf %parallel_loop3A_238, %parallel_loop3A_240 : vector<16xf32>
        %parallel_loop3A_242 = arith.index_cast %parallel_loop3A_229 : i32 to index
        %parallel_loop3A_243 = tpu.vector_load %arg11[%parallel_loop3A_242] {strides = array<i32>} : memref<10000xf32, #tpu.memory_space<vmem>>, vector<16xf32>,
        tpu.vector_store %arg11[%parallel_loop3A_242], %parallel_loop3A_241 {strides = array<i32>} : memref<10000xf32, #tpu.memory_space<vmem>>, vector<16xf32>,
      } {sc.loop_unroll_factor = 4 : i64, sc.parallel_access}
      "tpu.region"() ({
        %run_scoped3A = tpu.sem_alloc : memref<!tpu.dma_semaphore, #tpu.memory_space<semaphore_mem>>
        %dma_start3A_229 = arith.constant 0 : i32
        %dma_start3A_230 = tpu.memref_slice %arg7[%add3A_81, %dma_start3A_229] : memref<24x10000xf32, #tpu.memory_space<hbm>> -> memref<1x10000xf32, #tpu.memory_space<hbm>>
        %dma_start3A_231 = tpu.memref_squeeze %dma_start3A_230 : memref<1x10000xf32, #tpu.memory_space<hbm>> -> memref<10000xf32, #tpu.memory_space<hbm>>
        %dma_start3A_232 = arith.constant 0 : i32
        %dma_start3A_233 = tpu.memref_slice %arg7[%add3A_81, %dma_start3A_232] : memref<24x10000xf32, #tpu.memory_space<hbm>> -> memref<1x10000xf32, #tpu.memory_space<hbm>>
        %dma_start3A_234 = tpu.memref_squeeze %dma_start3A_233 : memref<1x10000xf32, #tpu.memory_space<hbm>> -> memref<10000xf32, #tpu.memory_space<hbm>>
        tpu.enqueue_dma source(%arg11 : memref<10000xf32, #tpu.memory_space<vmem>>) target(%dma_start3A_234 : memref<10000xf32, #tpu.memory_space<hbm>>) target_semaphore(%run_scoped3A : memref<!tpu.dma_semaphore, #tpu.memory_space<semaphore_mem>>)
        %dma_wait3A_235 = arith.constant 0 : i32
        %dma_wait3A_236 = tpu.memref_slice %arg7[%add3A_81, %dma_wait3A_235] : memref<24x10000xf32, #tpu.memory_space<hbm>> -> memref<1x10000xf32, #tpu.memory_space<hbm>>
        %dma_wait3A_237 = tpu.memref_squeeze %dma_wait3A_236 : memref<1x10000xf32, #tpu.memory_space<hbm>> -> memref<10000xf32, #tpu.memory_space<hbm>>
        %dma_wait3A_238 = arith.constant 0 : i32
        %dma_wait3A_239 = tpu.memref_slice %arg7[%add3A_81, %dma_wait3A_238] : memref<24x10000xf32, #tpu.memory_space<hbm>> -> memref<1x10000xf32, #tpu.memory_space<hbm>>
        %dma_wait3A_240 = tpu.memref_squeeze %dma_wait3A_239 : memref<1x10000xf32, #tpu.memory_space<hbm>> -> memref<10000xf32, #tpu.memory_space<hbm>>
        tpu.wait_dma2 semaphore(%run_scoped3A : memref<!tpu.dma_semaphore, #tpu.memory_space<semaphore_mem>>) src(%arg11 : memref<10000xf32, #tpu.memory_space<vmem>>) dst(%dma_wait3A_240 : memref<10000xf32, #tpu.memory_space<hbm>>)
        tpu.yield
      }) : () -> ()
    } else {
    }
    %barrier3A_173 = arith.constant 0 : index
    tpu.barrier barrier_id(%barrier3A_173)
    "tpu.region"() ({
      %run_scoped3A = tpu.sem_alloc : memref<!tpu.dma_semaphore, #tpu.memory_space<semaphore_mem>>
      %dma_start3A_226 = arith.constant 0 : i32
      %dma_start3A_227 = tpu.memref_slice %arg7[%add3A_81, %dma_start3A_226] : memref<24x10000xf32, #tpu.memory_space<hbm>> -> memref<1x10000xf32, #tpu.memory_space<hbm>>
      %dma_start3A_228 = tpu.memref_squeeze %dma_start3A_227 : memref<1x10000xf32, #tpu.memory_space<hbm>> -> memref<10000xf32, #tpu.memory_space<hbm>>
      %dma_start3A_229 = arith.constant 0 : i32
      %dma_start3A_230 = tpu.memref_slice %arg7[%add3A_81, %dma_start3A_229] : memref<24x10000xf32, #tpu.memory_space<hbm>> -> memref<1x10000xf32, #tpu.memory_space<hbm>>
      %dma_start3A_231 = tpu.memref_squeeze %dma_start3A_230 : memref<1x10000xf32, #tpu.memory_space<hbm>> -> memref<10000xf32, #tpu.memory_space<hbm>>
      tpu.enqueue_dma source(%dma_start3A_231 : memref<10000xf32, #tpu.memory_space<hbm>>) target(%arg9 : memref<10000xf32, #tpu.memory_space<vmem>>) target_semaphore(%run_scoped3A : memref<!tpu.dma_semaphore, #tpu.memory_space<semaphore_mem>>)
      %dma_wait3A_232 = arith.constant 0 : i32
      %dma_wait3A_233 = tpu.memref_slice %arg7[%add3A_81, %dma_wait3A_232] : memref<24x10000xf32, #tpu.memory_space<hbm>> -> memref<1x10000xf32, #tpu.memory_space<hbm>>
      %dma_wait3A_234 = tpu.memref_squeeze %dma_wait3A_233 : memref<1x10000xf32, #tpu.memory_space<hbm>> -> memref<10000xf32, #tpu.memory_space<hbm>>
      %dma_wait3A_235 = arith.constant 0 : i32
      %dma_wait3A_236 = tpu.memref_slice %arg7[%add3A_81, %dma_wait3A_235] : memref<24x10000xf32, #tpu.memory_space<hbm>> -> memref<1x10000xf32, #tpu.memory_space<hbm>>
      %dma_wait3A_237 = tpu.memref_squeeze %dma_wait3A_236 : memref<1x10000xf32, #tpu.memory_space<hbm>> -> memref<10000xf32, #tpu.memory_space<hbm>>
      tpu.wait_dma2 semaphore(%run_scoped3A : memref<!tpu.dma_semaphore, #tpu.memory_space<semaphore_mem>>) src(%dma_wait3A_237 : memref<10000xf32, #tpu.memory_space<hbm>>) dst(%arg9 : memref<10000xf32, #tpu.memory_space<vmem>>)
      tpu.yield
    }) : () -> ()
    "tpu.region"() ({
      %run_scoped3A = tpu.sem_alloc : memref<!tpu.dma_semaphore, #tpu.memory_space<semaphore_mem>>
      %dma_start3A_226 = arith.constant 0 : i32
      %dma_start3A_227 = tpu.memref_slice %arg7[%add3A_84, %dma_start3A_226] : memref<24x10000xf32, #tpu.memory_space<hbm>> -> memref<1x10000xf32, #tpu.memory_space<hbm>>
      %dma_start3A_228 = tpu.memref_squeeze %dma_start3A_227 : memref<1x10000xf32, #tpu.memory_space<hbm>> -> memref<10000xf32, #tpu.memory_space<hbm>>
      %dma_start3A_229 = arith.constant 0 : i32
      %dma_start3A_230 = tpu.memref_slice %arg7[%add3A_84, %dma_start3A_229] : memref<24x10000xf32, #tpu.memory_space<hbm>> -> memref<1x10000xf32, #tpu.memory_space<hbm>>
      %dma_start3A_231 = tpu.memref_squeeze %dma_start3A_230 : memref<1x10000xf32, #tpu.memory_space<hbm>> -> memref<10000xf32, #tpu.memory_space<hbm>>
      tpu.enqueue_dma source(%dma_start3A_231 : memref<10000xf32, #tpu.memory_space<hbm>>) target(%arg10 : memref<10000xf32, #tpu.memory_space<vmem>>) target_semaphore(%run_scoped3A : memref<!tpu.dma_semaphore, #tpu.memory_space<semaphore_mem>>)
      %dma_wait3A_232 = arith.constant 0 : i32
      %dma_wait3A_233 = tpu.memref_slice %arg7[%add3A_84, %dma_wait3A_232] : memref<24x10000xf32, #tpu.memory_space<hbm>> -> memref<1x10000xf32, #tpu.memory_space<hbm>>
      %dma_wait3A_234 = tpu.memref_squeeze %dma_wait3A_233 : memref<1x10000xf32, #tpu.memory_space<hbm>> -> memref<10000xf32, #tpu.memory_space<hbm>>
      %dma_wait3A_235 = arith.constant 0 : i32
      %dma_wait3A_236 = tpu.memref_slice %arg7[%add3A_84, %dma_wait3A_235] : memref<24x10000xf32, #tpu.memory_space<hbm>> -> memref<1x10000xf32, #tpu.memory_space<hbm>>
      %dma_wait3A_237 = tpu.memref_squeeze %dma_wait3A_236 : memref<1x10000xf32, #tpu.memory_space<hbm>> -> memref<10000xf32, #tpu.memory_space<hbm>>
      tpu.wait_dma2 semaphore(%run_scoped3A : memref<!tpu.dma_semaphore, #tpu.memory_space<semaphore_mem>>) src(%dma_wait3A_237 : memref<10000xf32, #tpu.memory_space<hbm>>) dst(%arg10 : memref<10000xf32, #tpu.memory_space<vmem>>)
      tpu.yield
    }) : () -> ()
    %barrier3A_174 = arith.constant 0 : index
    tpu.barrier barrier_id(%barrier3A_174)
    %parallel_loop3A_175 = arith.constant 0 : i32
    %parallel_loop3A_176 = arith.constant 10000 : i32
    %parallel_loop3A_177 = arith.constant 16 : i32
    scf.for %parallel_loop3A_226 = %parallel_loop3A_175 to %parallel_loop3A_176 step %parallel_loop3A_177  : i32 {
      %parallel_loop3A_227 = arith.index_cast %parallel_loop3A_226 : i32 to index
      %parallel_loop3A_228 = tpu.vector_load %arg9[%parallel_loop3A_227] {strides = array<i32>} : memref<10000xf32, #tpu.memory_space<vmem>>, vector<16xf32>,
      %parallel_loop3A_229 = arith.index_cast %parallel_loop3A_226 : i32 to index
      %parallel_loop3A_230 = tpu.vector_load %arg8[%parallel_loop3A_229] {strides = array<i32>} : memref<10000xf32, #tpu.memory_space<vmem>>, vector<16xf32>,
      %parallel_loop3A_231 = arith.mulf %parallel_loop3A_228, %parallel_loop3A_230 : vector<16xf32>
      %parallel_loop3A_232 = arith.index_cast %parallel_loop3A_226 : i32 to index
      %parallel_loop3A_233 = tpu.vector_load %arg9[%parallel_loop3A_232] {strides = array<i32>} : memref<10000xf32, #tpu.memory_space<vmem>>, vector<16xf32>,
      tpu.vector_store %arg9[%parallel_loop3A_232], %parallel_loop3A_231 {strides = array<i32>} : memref<10000xf32, #tpu.memory_space<vmem>>, vector<16xf32>,
      %parallel_loop3A_234 = arith.index_cast %parallel_loop3A_226 : i32 to index
      %parallel_loop3A_235 = tpu.vector_load %arg10[%parallel_loop3A_234] {strides = array<i32>} : memref<10000xf32, #tpu.memory_space<vmem>>, vector<16xf32>,
      %parallel_loop3A_236 = arith.index_cast %parallel_loop3A_226 : i32 to index
      %parallel_loop3A_237 = tpu.vector_load %arg8[%parallel_loop3A_236] {strides = array<i32>} : memref<10000xf32, #tpu.memory_space<vmem>>, vector<16xf32>,
      %parallel_loop3A_238 = arith.mulf %parallel_loop3A_235, %parallel_loop3A_237 : vector<16xf32>
      %parallel_loop3A_239 = arith.index_cast %parallel_loop3A_226 : i32 to index
      %parallel_loop3A_240 = tpu.vector_load %arg10[%parallel_loop3A_239] {strides = array<i32>} : memref<10000xf32, #tpu.memory_space<vmem>>, vector<16xf32>,
      tpu.vector_store %arg10[%parallel_loop3A_239], %parallel_loop3A_238 {strides = array<i32>} : memref<10000xf32, #tpu.memory_space<vmem>>, vector<16xf32>,
      %parallel_loop3A_241 = vector.broadcast %convert_element_type3A_123 : f32 to vector<16xf32>
      %parallel_loop3A_242 = arith.mulf %parallel_loop3A_231, %parallel_loop3A_241 : vector<16xf32>
      %parallel_loop3A_243 = arith.index_cast %parallel_loop3A_226 : i32 to index
      %parallel_loop3A_244 = tpu.vector_load %arg11[%parallel_loop3A_243] {strides = array<i32>} : memref<10000xf32, #tpu.memory_space<vmem>>, vector<16xf32>,
      tpu.vector_store %arg11[%parallel_loop3A_243], %parallel_loop3A_242 {strides = array<i32>} : memref<10000xf32, #tpu.memory_space<vmem>>, vector<16xf32>,
      %parallel_loop3A_245 = arith.constant 0.000000e+00 : f32
      %parallel_loop3A_246 = vector.broadcast %parallel_loop3A_245 : f32 to vector<16xf32>
      %parallel_loop3A_247 = arith.index_cast %parallel_loop3A_226 : i32 to index
      %parallel_loop3A_248 = tpu.vector_load %arg12[%parallel_loop3A_247] {strides = array<i32>} : memref<10000xf32, #tpu.memory_space<vmem>>, vector<16xf32>,
      tpu.vector_store %arg12[%parallel_loop3A_247], %parallel_loop3A_246 {strides = array<i32>} : memref<10000xf32, #tpu.memory_space<vmem>>, vector<16xf32>,
    } {sc.loop_unroll_factor = 4 : i64, sc.parallel_access}
    %gt3A_178 = arith.constant 0 : i32
    %gt3A_179 = arith.cmpi sgt, %select_n3A_76, %gt3A_178 : i32
    %add3A_180 = arith.constant 0 : i32
    %add3A_181 = arith.addi %select_n3A_65, %add3A_180 : i32
    %sub3A_182 = arith.constant 0 : i32
    %sub3A_183 = arith.subi %sub3A_182, %select_n3A_76 : i32
    %mul3A_184 = arith.constant 4000 : i32
    %mul3A_185 = arith.muli %sub3A_183, %mul3A_184 : i32
    %add3A_186 = arith.constant 0 : i32
    %add3A_187 = arith.addi %add3A_186, %mul3A_185 : i32
    %select_n3A_188 = arith.select %gt3A_179, %add3A_181, %add3A_187 : i32
    %dma_start3A_189 = tpu.memref_slice %arg3[%select_n3A_188] : memref<160000xi32, #tpu.memory_space<hbm>> -> memref<4000xi32, #tpu.memory_space<hbm>>
    %dma_start3A_190 = tpu.memref_slice %arg3[%select_n3A_188] : memref<160000xi32, #tpu.memory_space<hbm>> -> memref<4000xi32, #tpu.memory_space<hbm>>
    tpu.enqueue_dma source(%dma_start3A_190 : memref<4000xi32, #tpu.memory_space<hbm>>) target(%arg13 : memref<4000xi32, #tpu.memory_space<vmem>>) target_semaphore(%arg18 : memref<!tpu.dma_semaphore, #tpu.memory_space<semaphore_mem>>)
    %gt3A_191 = arith.constant 0 : i32
    %gt3A_192 = arith.cmpi sgt, %select_n3A_76, %gt3A_191 : i32
    %add3A_193 = arith.constant 0 : i32
    %add3A_194 = arith.addi %select_n3A_65, %add3A_193 : i32
    %sub3A_195 = arith.constant 0 : i32
    %sub3A_196 = arith.subi %sub3A_195, %select_n3A_76 : i32
    %mul3A_197 = arith.constant 4000 : i32
    %mul3A_198 = arith.muli %sub3A_196, %mul3A_197 : i32
    %add3A_199 = arith.constant 0 : i32
    %add3A_200 = arith.addi %add3A_199, %mul3A_198 : i32
    %select_n3A_201 = arith.select %gt3A_192, %add3A_194, %add3A_200 : i32
    %dma_start3A_202 = tpu.memref_slice %arg4[%select_n3A_201] : memref<160000xi32, #tpu.memory_space<hbm>> -> memref<4000xi32, #tpu.memory_space<hbm>>
    %dma_start3A_203 = tpu.memref_slice %arg4[%select_n3A_201] : memref<160000xi32, #tpu.memory_space<hbm>> -> memref<4000xi32, #tpu.memory_space<hbm>>
    tpu.enqueue_dma source(%dma_start3A_203 : memref<4000xi32, #tpu.memory_space<hbm>>) target(%arg15 : memref<4000xi32, #tpu.memory_space<vmem>>) target_semaphore(%arg20 : memref<!tpu.dma_semaphore, #tpu.memory_space<semaphore_mem>>)
    %scan3A_204 = arith.constant 0 : i32
    %scan3A_205 = arith.constant 0 : i32
    %scan3A_206 = arith.constant 0 : i32
    %scan3A_207 = arith.constant 15 : i32
    %scan3A_208 = arith.addi %scan3A_206, %scan3A_207 : i32
    %scan3A_209 = arith.constant 1 : i32
    %scan3A_210 = scf.for %scan3A_226 = %scan3A_206 to %scan3A_208 step %scan3A_209 iter_args(%scan3A_227 = %scan3A_205) -> (i32)  : i32 {
      %mul3A_228 = arith.constant 2 : i32
      %mul3A_229 = arith.muli %scan3A_226, %mul3A_228 : i32
      %add3A_230 = arith.constant 0 : i32
      %add3A_231 = arith.addi %mul3A_229, %add3A_230 : i32
      %add3A_232 = arith.constant 1 : i32
      %add3A_233 = arith.addi %add3A_231, %add3A_232 : i32
      %lt3A_234 = arith.constant 30 : i32
      %lt3A_235 = arith.cmpi slt, %add3A_233, %lt3A_234 : i32
      %convert_element_type3A_236 = arith.extui %lt3A_235 : i1 to i32
      %cond3A_237 = arith.constant 0 : i32
      %cond3A_238 = arith.cmpi ne, %convert_element_type3A_236, %cond3A_237 : i32
      scf.if %cond3A_238 {
        %lt3A_310 = arith.cmpi slt, %add3A_233, %select_n3A_76 : i32
        %mul3A_311 = arith.constant 4000 : i32
        %mul3A_312 = arith.muli %add3A_233, %mul3A_311 : i32
        %add3A_313 = arith.addi %select_n3A_65, %mul3A_312 : i32
        %sub3A_314 = arith.subi %add3A_233, %select_n3A_76 : i32
        %mul3A_315 = arith.constant 4000 : i32
        %mul3A_316 = arith.muli %sub3A_314, %mul3A_315 : i32
        %add3A_317 = arith.addi %scan3A_204, %mul3A_316 : i32
        %select_n3A_318 = arith.select %lt3A_310, %add3A_313, %add3A_317 : i32
        %dma_start3A_319 = tpu.memref_slice %arg3[%select_n3A_318] : memref<160000xi32, #tpu.memory_space<hbm>> -> memref<4000xi32, #tpu.memory_space<hbm>>
        %dma_start3A_320 = tpu.memref_slice %arg3[%select_n3A_318] : memref<160000xi32, #tpu.memory_space<hbm>> -> memref<4000xi32, #tpu.memory_space<hbm>>
        tpu.enqueue_dma source(%dma_start3A_320 : memref<4000xi32, #tpu.memory_space<hbm>>) target(%arg14 : memref<4000xi32, #tpu.memory_space<vmem>>) target_semaphore(%arg19 : memref<!tpu.dma_semaphore, #tpu.memory_space<semaphore_mem>>)
        %lt3A_321 = arith.cmpi slt, %add3A_233, %select_n3A_76 : i32
        %mul3A_322 = arith.constant 4000 : i32
        %mul3A_323 = arith.muli %add3A_233, %mul3A_322 : i32
        %add3A_324 = arith.addi %select_n3A_65, %mul3A_323 : i32
        %sub3A_325 = arith.subi %add3A_233, %select_n3A_76 : i32
        %mul3A_326 = arith.constant 4000 : i32
        %mul3A_327 = arith.muli %sub3A_325, %mul3A_326 : i32
        %add3A_328 = arith.addi %scan3A_204, %mul3A_327 : i32
        %select_n3A_329 = arith.select %lt3A_321, %add3A_324, %add3A_328 : i32
        %dma_start3A_330 = tpu.memref_slice %arg4[%select_n3A_329] : memref<160000xi32, #tpu.memory_space<hbm>> -> memref<4000xi32, #tpu.memory_space<hbm>>
        %dma_start3A_331 = tpu.memref_slice %arg4[%select_n3A_329] : memref<160000xi32, #tpu.memory_space<hbm>> -> memref<4000xi32, #tpu.memory_space<hbm>>
        tpu.enqueue_dma source(%dma_start3A_331 : memref<4000xi32, #tpu.memory_space<hbm>>) target(%arg16 : memref<4000xi32, #tpu.memory_space<vmem>>) target_semaphore(%arg21 : memref<!tpu.dma_semaphore, #tpu.memory_space<semaphore_mem>>)
      } else {
      }
      %lt3A_239 = arith.cmpi slt, %add3A_231, %select_n3A_76 : i32
      %mul3A_240 = arith.constant 4000 : i32
      %mul3A_241 = arith.muli %add3A_231, %mul3A_240 : i32
      %add3A_242 = arith.addi %select_n3A_65, %mul3A_241 : i32
      %sub3A_243 = arith.subi %add3A_231, %select_n3A_76 : i32
      %mul3A_244 = arith.constant 4000 : i32
      %mul3A_245 = arith.muli %sub3A_243, %mul3A_244 : i32
      %add3A_246 = arith.addi %scan3A_204, %mul3A_245 : i32
      %select_n3A_247 = arith.select %lt3A_239, %add3A_242, %add3A_246 : i32
      %dma_wait3A_248 = tpu.memref_slice %arg3[%select_n3A_247] : memref<160000xi32, #tpu.memory_space<hbm>> -> memref<4000xi32, #tpu.memory_space<hbm>>
      %dma_wait3A_249 = tpu.memref_slice %arg3[%select_n3A_247] : memref<160000xi32, #tpu.memory_space<hbm>> -> memref<4000xi32, #tpu.memory_space<hbm>>
      tpu.wait_dma2 semaphore(%arg18 : memref<!tpu.dma_semaphore, #tpu.memory_space<semaphore_mem>>) src(%dma_wait3A_249 : memref<4000xi32, #tpu.memory_space<hbm>>) dst(%arg13 : memref<4000xi32, #tpu.memory_space<vmem>>)
      %lt3A_250 = arith.cmpi slt, %add3A_231, %select_n3A_76 : i32
      %mul3A_251 = arith.constant 4000 : i32
      %mul3A_252 = arith.muli %add3A_231, %mul3A_251 : i32
      %add3A_253 = arith.addi %select_n3A_65, %mul3A_252 : i32
      %sub3A_254 = arith.subi %add3A_231, %select_n3A_76 : i32
      %mul3A_255 = arith.constant 4000 : i32
      %mul3A_256 = arith.muli %sub3A_254, %mul3A_255 : i32
      %add3A_257 = arith.addi %scan3A_204, %mul3A_256 : i32
      %select_n3A_258 = arith.select %lt3A_250, %add3A_253, %add3A_257 : i32
      %dma_wait3A_259 = tpu.memref_slice %arg4[%select_n3A_258] : memref<160000xi32, #tpu.memory_space<hbm>> -> memref<4000xi32, #tpu.memory_space<hbm>>
      %dma_wait3A_260 = tpu.memref_slice %arg4[%select_n3A_258] : memref<160000xi32, #tpu.memory_space<hbm>> -> memref<4000xi32, #tpu.memory_space<hbm>>
      tpu.wait_dma2 semaphore(%arg20 : memref<!tpu.dma_semaphore, #tpu.memory_space<semaphore_mem>>) src(%dma_wait3A_260 : memref<4000xi32, #tpu.memory_space<hbm>>) dst(%arg15 : memref<4000xi32, #tpu.memory_space<vmem>>)
      %lt3A_261 = arith.cmpi slt, %add3A_231, %select_n3A_76 : i32
      %convert_element_type3A_262 = arith.extui %lt3A_261 : i1 to i32
      %cond3A_263 = arith.constant 0 : i32
      %cond3A_264 = arith.cmpi ne, %convert_element_type3A_262, %cond3A_263 : i32
      scf.if %cond3A_264 {
        %parallel_loop3A_310 = arith.constant 0 : i32
        %parallel_loop3A_311 = arith.constant 4000 : i32
        %parallel_loop3A_312 = arith.constant 16 : i32
        scf.for %parallel_loop3A_313 = %parallel_loop3A_310 to %parallel_loop3A_311 step %parallel_loop3A_312  : i32 {
          %parallel_loop3A_314 = arith.index_cast %parallel_loop3A_313 : i32 to index
          %parallel_loop3A_315 = tpu.vector_load %arg13[%parallel_loop3A_314] {strides = array<i32>} : memref<4000xi32, #tpu.memory_space<vmem>>, vector<16xi32>,
          %parallel_loop3A_316 = arith.index_cast %parallel_loop3A_313 : i32 to index
          %parallel_loop3A_317 = tpu.vector_load %arg15[%parallel_loop3A_316] {strides = array<i32>} : memref<4000xi32, #tpu.memory_space<vmem>>, vector<16xi32>,
          %parallel_loop3A_318 = tpu.vector_load_idx %arg9[%parallel_loop3A_315] : memref<10000xf32, #tpu.memory_space<vmem>>[vector<16xi32>], vector<16xf32>,
          tpu.vector_store_idx %arg11[%parallel_loop3A_317], %parallel_loop3A_318 {add = true} : memref<10000xf32, #tpu.memory_space<vmem>>[vector<16xi32>], vector<16xf32>,
        } {sc.loop_unroll_factor = 5 : i64, sc.parallel_access}
      } else {
      }
      %ge3A = arith.cmpi sge, %add3A_231, %select_n3A_76 : i32
      %convert_element_type3A_265 = arith.extui %ge3A : i1 to i32
      %cond3A_266 = arith.constant 0 : i32
      %cond3A_267 = arith.cmpi ne, %convert_element_type3A_265, %cond3A_266 : i32
      scf.if %cond3A_267 {
        %parallel_loop3A_310 = arith.constant 0 : i32
        %parallel_loop3A_311 = arith.constant 4000 : i32
        %parallel_loop3A_312 = arith.constant 16 : i32
        scf.for %parallel_loop3A_313 = %parallel_loop3A_310 to %parallel_loop3A_311 step %parallel_loop3A_312  : i32 {
          %parallel_loop3A_314 = arith.index_cast %parallel_loop3A_313 : i32 to index
          %parallel_loop3A_315 = tpu.vector_load %arg13[%parallel_loop3A_314] {strides = array<i32>} : memref<4000xi32, #tpu.memory_space<vmem>>, vector<16xi32>,
          %parallel_loop3A_316 = arith.index_cast %parallel_loop3A_313 : i32 to index
          %parallel_loop3A_317 = tpu.vector_load %arg15[%parallel_loop3A_316] {strides = array<i32>} : memref<4000xi32, #tpu.memory_space<vmem>>, vector<16xi32>,
          %parallel_loop3A_318 = tpu.vector_load_idx %arg10[%parallel_loop3A_315] : memref<10000xf32, #tpu.memory_space<vmem>>[vector<16xi32>], vector<16xf32>,
          tpu.vector_store_idx %arg12[%parallel_loop3A_317], %parallel_loop3A_318 {add = true} : memref<10000xf32, #tpu.memory_space<vmem>>[vector<16xi32>], vector<16xf32>,
        } {sc.loop_unroll_factor = 5 : i64, sc.parallel_access}
      } else {
      }
      %mul3A_268 = arith.constant 2 : i32
      %mul3A_269 = arith.muli %scan3A_226, %mul3A_268 : i32
      %add3A_270 = arith.constant 1 : i32
      %add3A_271 = arith.addi %mul3A_269, %add3A_270 : i32
      %add3A_272 = arith.constant 1 : i32
      %add3A_273 = arith.addi %add3A_271, %add3A_272 : i32
      %lt3A_274 = arith.constant 30 : i32
      %lt3A_275 = arith.cmpi slt, %add3A_273, %lt3A_274 : i32
      %convert_element_type3A_276 = arith.extui %lt3A_275 : i1 to i32
      %cond3A_277 = arith.constant 0 : i32
      %cond3A_278 = arith.cmpi ne, %convert_element_type3A_276, %cond3A_277 : i32
      scf.if %cond3A_278 {
        %lt3A_310 = arith.cmpi slt, %add3A_273, %select_n3A_76 : i32
        %mul3A_311 = arith.constant 4000 : i32
        %mul3A_312 = arith.muli %add3A_273, %mul3A_311 : i32
        %add3A_313 = arith.addi %select_n3A_65, %mul3A_312 : i32
        %sub3A_314 = arith.subi %add3A_273, %select_n3A_76 : i32
        %mul3A_315 = arith.constant 4000 : i32
        %mul3A_316 = arith.muli %sub3A_314, %mul3A_315 : i32
        %add3A_317 = arith.addi %scan3A_204, %mul3A_316 : i32
        %select_n3A_318 = arith.select %lt3A_310, %add3A_313, %add3A_317 : i32
        %dma_start3A_319 = tpu.memref_slice %arg3[%select_n3A_318] : memref<160000xi32, #tpu.memory_space<hbm>> -> memref<4000xi32, #tpu.memory_space<hbm>>
        %dma_start3A_320 = tpu.memref_slice %arg3[%select_n3A_318] : memref<160000xi32, #tpu.memory_space<hbm>> -> memref<4000xi32, #tpu.memory_space<hbm>>
        tpu.enqueue_dma source(%dma_start3A_320 : memref<4000xi32, #tpu.memory_space<hbm>>) target(%arg13 : memref<4000xi32, #tpu.memory_space<vmem>>) target_semaphore(%arg18 : memref<!tpu.dma_semaphore, #tpu.memory_space<semaphore_mem>>)
        %lt3A_321 = arith.cmpi slt, %add3A_273, %select_n3A_76 : i32
        %mul3A_322 = arith.constant 4000 : i32
        %mul3A_323 = arith.muli %add3A_273, %mul3A_322 : i32
        %add3A_324 = arith.addi %select_n3A_65, %mul3A_323 : i32
        %sub3A_325 = arith.subi %add3A_273, %select_n3A_76 : i32
        %mul3A_326 = arith.constant 4000 : i32
        %mul3A_327 = arith.muli %sub3A_325, %mul3A_326 : i32
        %add3A_328 = arith.addi %scan3A_204, %mul3A_327 : i32
        %select_n3A_329 = arith.select %lt3A_321, %add3A_324, %add3A_328 : i32
        %dma_start3A_330 = tpu.memref_slice %arg4[%select_n3A_329] : memref<160000xi32, #tpu.memory_space<hbm>> -> memref<4000xi32, #tpu.memory_space<hbm>>
        %dma_start3A_331 = tpu.memref_slice %arg4[%select_n3A_329] : memref<160000xi32, #tpu.memory_space<hbm>> -> memref<4000xi32, #tpu.memory_space<hbm>>
        tpu.enqueue_dma source(%dma_start3A_331 : memref<4000xi32, #tpu.memory_space<hbm>>) target(%arg15 : memref<4000xi32, #tpu.memory_space<vmem>>) target_semaphore(%arg20 : memref<!tpu.dma_semaphore, #tpu.memory_space<semaphore_mem>>)
      } else {
      }
      %lt3A_279 = arith.cmpi slt, %add3A_271, %select_n3A_76 : i32
      %mul3A_280 = arith.constant 4000 : i32
      %mul3A_281 = arith.muli %add3A_271, %mul3A_280 : i32
      %add3A_282 = arith.addi %select_n3A_65, %mul3A_281 : i32
      %sub3A_283 = arith.subi %add3A_271, %select_n3A_76 : i32
      %mul3A_284 = arith.constant 4000 : i32
      %mul3A_285 = arith.muli %sub3A_283, %mul3A_284 : i32
      %add3A_286 = arith.addi %scan3A_204, %mul3A_285 : i32
      %select_n3A_287 = arith.select %lt3A_279, %add3A_282, %add3A_286 : i32
      %dma_wait3A_288 = tpu.memref_slice %arg3[%select_n3A_287] : memref<160000xi32, #tpu.memory_space<hbm>> -> memref<4000xi32, #tpu.memory_space<hbm>>
      %dma_wait3A_289 = tpu.memref_slice %arg3[%select_n3A_287] : memref<160000xi32, #tpu.memory_space<hbm>> -> memref<4000xi32, #tpu.memory_space<hbm>>
      tpu.wait_dma2 semaphore(%arg19 : memref<!tpu.dma_semaphore, #tpu.memory_space<semaphore_mem>>) src(%dma_wait3A_289 : memref<4000xi32, #tpu.memory_space<hbm>>) dst(%arg14 : memref<4000xi32, #tpu.memory_space<vmem>>)
      %lt3A_290 = arith.cmpi slt, %add3A_271, %select_n3A_76 : i32
      %mul3A_291 = arith.constant 4000 : i32
      %mul3A_292 = arith.muli %add3A_271, %mul3A_291 : i32
      %add3A_293 = arith.addi %select_n3A_65, %mul3A_292 : i32
      %sub3A_294 = arith.subi %add3A_271, %select_n3A_76 : i32
      %mul3A_295 = arith.constant 4000 : i32
      %mul3A_296 = arith.muli %sub3A_294, %mul3A_295 : i32
      %add3A_297 = arith.addi %scan3A_204, %mul3A_296 : i32
      %select_n3A_298 = arith.select %lt3A_290, %add3A_293, %add3A_297 : i32
      %dma_wait3A_299 = tpu.memref_slice %arg4[%select_n3A_298] : memref<160000xi32, #tpu.memory_space<hbm>> -> memref<4000xi32, #tpu.memory_space<hbm>>
      %dma_wait3A_300 = tpu.memref_slice %arg4[%select_n3A_298] : memref<160000xi32, #tpu.memory_space<hbm>> -> memref<4000xi32, #tpu.memory_space<hbm>>
      tpu.wait_dma2 semaphore(%arg21 : memref<!tpu.dma_semaphore, #tpu.memory_space<semaphore_mem>>) src(%dma_wait3A_300 : memref<4000xi32, #tpu.memory_space<hbm>>) dst(%arg16 : memref<4000xi32, #tpu.memory_space<vmem>>)
      %lt3A_301 = arith.cmpi slt, %add3A_271, %select_n3A_76 : i32
      %convert_element_type3A_302 = arith.extui %lt3A_301 : i1 to i32
      %cond3A_303 = arith.constant 0 : i32
      %cond3A_304 = arith.cmpi ne, %convert_element_type3A_302, %cond3A_303 : i32
      scf.if %cond3A_304 {
        %parallel_loop3A_310 = arith.constant 0 : i32
        %parallel_loop3A_311 = arith.constant 4000 : i32
        %parallel_loop3A_312 = arith.constant 16 : i32
        scf.for %parallel_loop3A_313 = %parallel_loop3A_310 to %parallel_loop3A_311 step %parallel_loop3A_312  : i32 {
          %parallel_loop3A_314 = arith.index_cast %parallel_loop3A_313 : i32 to index
          %parallel_loop3A_315 = tpu.vector_load %arg14[%parallel_loop3A_314] {strides = array<i32>} : memref<4000xi32, #tpu.memory_space<vmem>>, vector<16xi32>,
          %parallel_loop3A_316 = arith.index_cast %parallel_loop3A_313 : i32 to index
          %parallel_loop3A_317 = tpu.vector_load %arg16[%parallel_loop3A_316] {strides = array<i32>} : memref<4000xi32, #tpu.memory_space<vmem>>, vector<16xi32>,
          %parallel_loop3A_318 = tpu.vector_load_idx %arg9[%parallel_loop3A_315] : memref<10000xf32, #tpu.memory_space<vmem>>[vector<16xi32>], vector<16xf32>,
          tpu.vector_store_idx %arg11[%parallel_loop3A_317], %parallel_loop3A_318 {add = true} : memref<10000xf32, #tpu.memory_space<vmem>>[vector<16xi32>], vector<16xf32>,
        } {sc.loop_unroll_factor = 5 : i64, sc.parallel_access}
      } else {
      }
      %ge3A_305 = arith.cmpi sge, %add3A_271, %select_n3A_76 : i32
      %convert_element_type3A_306 = arith.extui %ge3A_305 : i1 to i32
      %cond3A_307 = arith.constant 0 : i32
      %cond3A_308 = arith.cmpi ne, %convert_element_type3A_306, %cond3A_307 : i32
      scf.if %cond3A_308 {
        %parallel_loop3A_310 = arith.constant 0 : i32
        %parallel_loop3A_311 = arith.constant 4000 : i32
        %parallel_loop3A_312 = arith.constant 16 : i32
        scf.for %parallel_loop3A_313 = %parallel_loop3A_310 to %parallel_loop3A_311 step %parallel_loop3A_312  : i32 {
          %parallel_loop3A_314 = arith.index_cast %parallel_loop3A_313 : i32 to index
          %parallel_loop3A_315 = tpu.vector_load %arg14[%parallel_loop3A_314] {strides = array<i32>} : memref<4000xi32, #tpu.memory_space<vmem>>, vector<16xi32>,
          %parallel_loop3A_316 = arith.index_cast %parallel_loop3A_313 : i32 to index
          %parallel_loop3A_317 = tpu.vector_load %arg16[%parallel_loop3A_316] {strides = array<i32>} : memref<4000xi32, #tpu.memory_space<vmem>>, vector<16xi32>,
          %parallel_loop3A_318 = tpu.vector_load_idx %arg10[%parallel_loop3A_315] : memref<10000xf32, #tpu.memory_space<vmem>>[vector<16xi32>], vector<16xf32>,
          tpu.vector_store_idx %arg12[%parallel_loop3A_317], %parallel_loop3A_318 {add = true} : memref<10000xf32, #tpu.memory_space<vmem>>[vector<16xi32>], vector<16xf32>,
        } {sc.loop_unroll_factor = 5 : i64, sc.parallel_access}
      } else {
      }
      %scan3A_309 = arith.constant 0 : i32
      scf.yield %scan3A_309 : i32
    }
    %scan3A_211 = arith.constant 15 : i32
    %eq3A_212 = arith.constant 1 : i32
    %eq3A_213 = arith.cmpi eq, %select_n3A_28, %eq3A_212 : i32
    %convert_element_type3A_214 = arith.extui %eq3A_213 : i1 to i32
    %cond3A_215 = arith.constant 0 : i32
    %cond3A_216 = arith.cmpi ne, %convert_element_type3A_214, %cond3A_215 : i32
    scf.if %cond3A_216 {
      %mul3A_226 = arith.constant 12 : i32
      %mul3A_227 = arith.muli %mul3A_226, %arg0 : i32
      %mul3A_228 = arith.constant 3 : i32
      %mul3A_229 = arith.muli %mul3A_228, %select_n3A : i32
      %add3A_230 = arith.addi %mul3A_227, %mul3A_229 : i32
      "tpu.region"() ({
        %run_scoped3A = tpu.sem_alloc : memref<!tpu.dma_semaphore, #tpu.memory_space<semaphore_mem>>
        %dma_start3A_238 = arith.constant 0 : i32
        %dma_start3A_239 = tpu.memref_slice %arg7[%add3A_230, %dma_start3A_238] : memref<24x10000xf32, #tpu.memory_space<hbm>> -> memref<1x10000xf32, #tpu.memory_space<hbm>>
        %dma_start3A_240 = tpu.memref_squeeze %dma_start3A_239 : memref<1x10000xf32, #tpu.memory_space<hbm>> -> memref<10000xf32, #tpu.memory_space<hbm>>
        %dma_start3A_241 = arith.constant 0 : i32
        %dma_start3A_242 = tpu.memref_slice %arg7[%add3A_230, %dma_start3A_241] : memref<24x10000xf32, #tpu.memory_space<hbm>> -> memref<1x10000xf32, #tpu.memory_space<hbm>>
        %dma_start3A_243 = tpu.memref_squeeze %dma_start3A_242 : memref<1x10000xf32, #tpu.memory_space<hbm>> -> memref<10000xf32, #tpu.memory_space<hbm>>
        tpu.enqueue_dma source(%arg11 : memref<10000xf32, #tpu.memory_space<vmem>>) target(%dma_start3A_243 : memref<10000xf32, #tpu.memory_space<hbm>>) target_semaphore(%run_scoped3A : memref<!tpu.dma_semaphore, #tpu.memory_space<semaphore_mem>>)
        %dma_wait3A_244 = arith.constant 0 : i32
        %dma_wait3A_245 = tpu.memref_slice %arg7[%add3A_230, %dma_wait3A_244] : memref<24x10000xf32, #tpu.memory_space<hbm>> -> memref<1x10000xf32, #tpu.memory_space<hbm>>
        %dma_wait3A_246 = tpu.memref_squeeze %dma_wait3A_245 : memref<1x10000xf32, #tpu.memory_space<hbm>> -> memref<10000xf32, #tpu.memory_space<hbm>>
        %dma_wait3A_247 = arith.constant 0 : i32
        %dma_wait3A_248 = tpu.memref_slice %arg7[%add3A_230, %dma_wait3A_247] : memref<24x10000xf32, #tpu.memory_space<hbm>> -> memref<1x10000xf32, #tpu.memory_space<hbm>>
        %dma_wait3A_249 = tpu.memref_squeeze %dma_wait3A_248 : memref<1x10000xf32, #tpu.memory_space<hbm>> -> memref<10000xf32, #tpu.memory_space<hbm>>
        tpu.wait_dma2 semaphore(%run_scoped3A : memref<!tpu.dma_semaphore, #tpu.memory_space<semaphore_mem>>) src(%arg11 : memref<10000xf32, #tpu.memory_space<vmem>>) dst(%dma_wait3A_249 : memref<10000xf32, #tpu.memory_space<hbm>>)
        tpu.yield
      }) : () -> ()
      %mul3A_231 = arith.constant 12 : i32
      %mul3A_232 = arith.muli %mul3A_231, %arg0 : i32
      %mul3A_233 = arith.constant 3 : i32
      %mul3A_234 = arith.muli %mul3A_233, %select_n3A : i32
      %add3A_235 = arith.addi %mul3A_232, %mul3A_234 : i32
      %add3A_236 = arith.constant 1 : i32
      %add3A_237 = arith.addi %add3A_235, %add3A_236 : i32
      "tpu.region"() ({
        %run_scoped3A = tpu.sem_alloc : memref<!tpu.dma_semaphore, #tpu.memory_space<semaphore_mem>>
        %dma_start3A_238 = arith.constant 0 : i32
        %dma_start3A_239 = tpu.memref_slice %arg7[%add3A_237, %dma_start3A_238] : memref<24x10000xf32, #tpu.memory_space<hbm>> -> memref<1x10000xf32, #tpu.memory_space<hbm>>
        %dma_start3A_240 = tpu.memref_squeeze %dma_start3A_239 : memref<1x10000xf32, #tpu.memory_space<hbm>> -> memref<10000xf32, #tpu.memory_space<hbm>>
        %dma_start3A_241 = arith.constant 0 : i32
        %dma_start3A_242 = tpu.memref_slice %arg7[%add3A_237, %dma_start3A_241] : memref<24x10000xf32, #tpu.memory_space<hbm>> -> memref<1x10000xf32, #tpu.memory_space<hbm>>
        %dma_start3A_243 = tpu.memref_squeeze %dma_start3A_242 : memref<1x10000xf32, #tpu.memory_space<hbm>> -> memref<10000xf32, #tpu.memory_space<hbm>>
        tpu.enqueue_dma source(%arg12 : memref<10000xf32, #tpu.memory_space<vmem>>) target(%dma_start3A_243 : memref<10000xf32, #tpu.memory_space<hbm>>) target_semaphore(%run_scoped3A : memref<!tpu.dma_semaphore, #tpu.memory_space<semaphore_mem>>)
        %dma_wait3A_244 = arith.constant 0 : i32
        %dma_wait3A_245 = tpu.memref_slice %arg7[%add3A_237, %dma_wait3A_244] : memref<24x10000xf32, #tpu.memory_space<hbm>> -> memref<1x10000xf32, #tpu.memory_space<hbm>>
        %dma_wait3A_246 = tpu.memref_squeeze %dma_wait3A_245 : memref<1x10000xf32, #tpu.memory_space<hbm>> -> memref<10000xf32, #tpu.memory_space<hbm>>
        %dma_wait3A_247 = arith.constant 0 : i32
        %dma_wait3A_248 = tpu.memref_slice %arg7[%add3A_237, %dma_wait3A_247] : memref<24x10000xf32, #tpu.memory_space<hbm>> -> memref<1x10000xf32, #tpu.memory_space<hbm>>
        %dma_wait3A_249 = tpu.memref_squeeze %dma_wait3A_248 : memref<1x10000xf32, #tpu.memory_space<hbm>> -> memref<10000xf32, #tpu.memory_space<hbm>>
        tpu.wait_dma2 semaphore(%run_scoped3A : memref<!tpu.dma_semaphore, #tpu.memory_space<semaphore_mem>>) src(%arg12 : memref<10000xf32, #tpu.memory_space<vmem>>) dst(%dma_wait3A_249 : memref<10000xf32, #tpu.memory_space<hbm>>)
        tpu.yield
      }) : () -> ()
    } else {
    }
    %eq3A_217 = arith.constant 2 : i32
    %eq3A_218 = arith.cmpi eq, %select_n3A_28, %eq3A_217 : i32
    %convert_element_type3A_219 = arith.extui %eq3A_218 : i1 to i32
    %cond3A_220 = arith.constant 0 : i32
    %cond3A_221 = arith.cmpi ne, %convert_element_type3A_219, %cond3A_220 : i32
    scf.if %cond3A_221 {
      %mul3A_226 = arith.constant 12 : i32
      %mul3A_227 = arith.muli %mul3A_226, %arg0 : i32
      %mul3A_228 = arith.constant 3 : i32
      %mul3A_229 = arith.muli %mul3A_228, %select_n3A : i32
      %add3A_230 = arith.addi %mul3A_227, %mul3A_229 : i32
      %add3A_231 = arith.constant 2 : i32
      %add3A_232 = arith.addi %add3A_230, %add3A_231 : i32
      "tpu.region"() ({
        %run_scoped3A = tpu.sem_alloc : memref<!tpu.dma_semaphore, #tpu.memory_space<semaphore_mem>>
        %dma_start3A_233 = arith.constant 0 : i32
        %dma_start3A_234 = tpu.memref_slice %arg7[%add3A_232, %dma_start3A_233] : memref<24x10000xf32, #tpu.memory_space<hbm>> -> memref<1x10000xf32, #tpu.memory_space<hbm>>
        %dma_start3A_235 = tpu.memref_squeeze %dma_start3A_234 : memref<1x10000xf32, #tpu.memory_space<hbm>> -> memref<10000xf32, #tpu.memory_space<hbm>>
        %dma_start3A_236 = arith.constant 0 : i32
        %dma_start3A_237 = tpu.memref_slice %arg7[%add3A_232, %dma_start3A_236] : memref<24x10000xf32, #tpu.memory_space<hbm>> -> memref<1x10000xf32, #tpu.memory_space<hbm>>
        %dma_start3A_238 = tpu.memref_squeeze %dma_start3A_237 : memref<1x10000xf32, #tpu.memory_space<hbm>> -> memref<10000xf32, #tpu.memory_space<hbm>>
        tpu.enqueue_dma source(%arg12 : memref<10000xf32, #tpu.memory_space<vmem>>) target(%dma_start3A_238 : memref<10000xf32, #tpu.memory_space<hbm>>) target_semaphore(%run_scoped3A : memref<!tpu.dma_semaphore, #tpu.memory_space<semaphore_mem>>)
        %dma_wait3A_239 = arith.constant 0 : i32
        %dma_wait3A_240 = tpu.memref_slice %arg7[%add3A_232, %dma_wait3A_239] : memref<24x10000xf32, #tpu.memory_space<hbm>> -> memref<1x10000xf32, #tpu.memory_space<hbm>>
        %dma_wait3A_241 = tpu.memref_squeeze %dma_wait3A_240 : memref<1x10000xf32, #tpu.memory_space<hbm>> -> memref<10000xf32, #tpu.memory_space<hbm>>
        %dma_wait3A_242 = arith.constant 0 : i32
        %dma_wait3A_243 = tpu.memref_slice %arg7[%add3A_232, %dma_wait3A_242] : memref<24x10000xf32, #tpu.memory_space<hbm>> -> memref<1x10000xf32, #tpu.memory_space<hbm>>
        %dma_wait3A_244 = tpu.memref_squeeze %dma_wait3A_243 : memref<1x10000xf32, #tpu.memory_space<hbm>> -> memref<10000xf32, #tpu.memory_space<hbm>>
        tpu.wait_dma2 semaphore(%run_scoped3A : memref<!tpu.dma_semaphore, #tpu.memory_space<semaphore_mem>>) src(%arg12 : memref<10000xf32, #tpu.memory_space<vmem>>) dst(%dma_wait3A_244 : memref<10000xf32, #tpu.memory_space<hbm>>)
        tpu.yield
      }) : () -> ()
    } else {
    }
    %barrier3A_222 = arith.constant 0 : index
    tpu.barrier barrier_id(%barrier3A_222)
    %convert_element_type3A_223 = arith.extui %ne3A_78 : i1 to i32
    %cond3A_224 = arith.constant 0 : i32
    %cond3A_225 = arith.cmpi ne, %convert_element_type3A_223, %cond3A_224 : i32
    scf.if %cond3A_225 {
      "tpu.region"() ({
        %run_scoped3A = tpu.sem_alloc : memref<!tpu.dma_semaphore, #tpu.memory_space<semaphore_mem>>
        %dma_start3A_229 = arith.constant 0 : i32
        %dma_start3A_230 = tpu.memref_slice %arg7[%add3A_81, %dma_start3A_229] : memref<24x10000xf32, #tpu.memory_space<hbm>> -> memref<1x10000xf32, #tpu.memory_space<hbm>>
        %dma_start3A_231 = tpu.memref_squeeze %dma_start3A_230 : memref<1x10000xf32, #tpu.memory_space<hbm>> -> memref<10000xf32, #tpu.memory_space<hbm>>
        %dma_start3A_232 = arith.constant 0 : i32
        %dma_start3A_233 = tpu.memref_slice %arg7[%add3A_81, %dma_start3A_232] : memref<24x10000xf32, #tpu.memory_space<hbm>> -> memref<1x10000xf32, #tpu.memory_space<hbm>>
        %dma_start3A_234 = tpu.memref_squeeze %dma_start3A_233 : memref<1x10000xf32, #tpu.memory_space<hbm>> -> memref<10000xf32, #tpu.memory_space<hbm>>
        tpu.enqueue_dma source(%dma_start3A_234 : memref<10000xf32, #tpu.memory_space<hbm>>) target(%arg12 : memref<10000xf32, #tpu.memory_space<vmem>>) target_semaphore(%run_scoped3A : memref<!tpu.dma_semaphore, #tpu.memory_space<semaphore_mem>>)
        %dma_wait3A_235 = arith.constant 0 : i32
        %dma_wait3A_236 = tpu.memref_slice %arg7[%add3A_81, %dma_wait3A_235] : memref<24x10000xf32, #tpu.memory_space<hbm>> -> memref<1x10000xf32, #tpu.memory_space<hbm>>
        %dma_wait3A_237 = tpu.memref_squeeze %dma_wait3A_236 : memref<1x10000xf32, #tpu.memory_space<hbm>> -> memref<10000xf32, #tpu.memory_space<hbm>>
        %dma_wait3A_238 = arith.constant 0 : i32
        %dma_wait3A_239 = tpu.memref_slice %arg7[%add3A_81, %dma_wait3A_238] : memref<24x10000xf32, #tpu.memory_space<hbm>> -> memref<1x10000xf32, #tpu.memory_space<hbm>>
        %dma_wait3A_240 = tpu.memref_squeeze %dma_wait3A_239 : memref<1x10000xf32, #tpu.memory_space<hbm>> -> memref<10000xf32, #tpu.memory_space<hbm>>
        tpu.wait_dma2 semaphore(%run_scoped3A : memref<!tpu.dma_semaphore, #tpu.memory_space<semaphore_mem>>) src(%dma_wait3A_240 : memref<10000xf32, #tpu.memory_space<hbm>>) dst(%arg12 : memref<10000xf32, #tpu.memory_space<vmem>>)
        tpu.yield
      }) : () -> ()
      %parallel_loop3A_226 = arith.constant 0 : i32
      %parallel_loop3A_227 = arith.constant 10000 : i32
      %parallel_loop3A_228 = arith.constant 16 : i32
      scf.for %parallel_loop3A_229 = %parallel_loop3A_226 to %parallel_loop3A_227 step %parallel_loop3A_228  : i32 {
        %parallel_loop3A_230 = arith.index_cast %parallel_loop3A_229 : i32 to index
        %parallel_loop3A_231 = tpu.vector_load %arg11[%parallel_loop3A_230] {strides = array<i32>} : memref<10000xf32, #tpu.memory_space<vmem>>, vector<16xf32>,
        %parallel_loop3A_232 = arith.index_cast %parallel_loop3A_229 : i32 to index
        %parallel_loop3A_233 = tpu.vector_load %arg12[%parallel_loop3A_232] {strides = array<i32>} : memref<10000xf32, #tpu.memory_space<vmem>>, vector<16xf32>,
        %parallel_loop3A_234 = arith.addf %parallel_loop3A_231, %parallel_loop3A_233 : vector<16xf32>
        %parallel_loop3A_235 = arith.index_cast %parallel_loop3A_229 : i32 to index
        %parallel_loop3A_236 = tpu.vector_load %arg8[%parallel_loop3A_235] {strides = array<i32>} : memref<10000xf32, #tpu.memory_space<vmem>>, vector<16xf32>,
        %parallel_loop3A_237 = arith.mulf %parallel_loop3A_234, %parallel_loop3A_236 : vector<16xf32>
        %parallel_loop3A_238 = arith.index_cast %parallel_loop3A_229 : i32 to index
        %parallel_loop3A_239 = tpu.vector_load %arg11[%parallel_loop3A_238] {strides = array<i32>} : memref<10000xf32, #tpu.memory_space<vmem>>, vector<16xf32>,
        tpu.vector_store %arg11[%parallel_loop3A_238], %parallel_loop3A_237 {strides = array<i32>} : memref<10000xf32, #tpu.memory_space<vmem>>, vector<16xf32>,
      } {sc.loop_unroll_factor = 4 : i64, sc.parallel_access}
      "tpu.region"() ({
        %run_scoped3A = tpu.sem_alloc : memref<!tpu.dma_semaphore, #tpu.memory_space<semaphore_mem>>
        %dma_start3A_229 = arith.constant 0 : i32
        %dma_start3A_230 = tpu.memref_slice %arg6[%add3A_81, %dma_start3A_229] : memref<24x10000xf32, #tpu.memory_space<hbm>> -> memref<1x10000xf32, #tpu.memory_space<hbm>>
        %dma_start3A_231 = tpu.memref_squeeze %dma_start3A_230 : memref<1x10000xf32, #tpu.memory_space<hbm>> -> memref<10000xf32, #tpu.memory_space<hbm>>
        %dma_start3A_232 = arith.constant 0 : i32
        %dma_start3A_233 = tpu.memref_slice %arg6[%add3A_81, %dma_start3A_232] : memref<24x10000xf32, #tpu.memory_space<hbm>> -> memref<1x10000xf32, #tpu.memory_space<hbm>>
        %dma_start3A_234 = tpu.memref_squeeze %dma_start3A_233 : memref<1x10000xf32, #tpu.memory_space<hbm>> -> memref<10000xf32, #tpu.memory_space<hbm>>
        tpu.enqueue_dma source(%arg11 : memref<10000xf32, #tpu.memory_space<vmem>>) target(%dma_start3A_234 : memref<10000xf32, #tpu.memory_space<hbm>>) target_semaphore(%run_scoped3A : memref<!tpu.dma_semaphore, #tpu.memory_space<semaphore_mem>>)
        %dma_wait3A_235 = arith.constant 0 : i32
        %dma_wait3A_236 = tpu.memref_slice %arg6[%add3A_81, %dma_wait3A_235] : memref<24x10000xf32, #tpu.memory_space<hbm>> -> memref<1x10000xf32, #tpu.memory_space<hbm>>
        %dma_wait3A_237 = tpu.memref_squeeze %dma_wait3A_236 : memref<1x10000xf32, #tpu.memory_space<hbm>> -> memref<10000xf32, #tpu.memory_space<hbm>>
        %dma_wait3A_238 = arith.constant 0 : i32
        %dma_wait3A_239 = tpu.memref_slice %arg6[%add3A_81, %dma_wait3A_238] : memref<24x10000xf32, #tpu.memory_space<hbm>> -> memref<1x10000xf32, #tpu.memory_space<hbm>>
        %dma_wait3A_240 = tpu.memref_squeeze %dma_wait3A_239 : memref<1x10000xf32, #tpu.memory_space<hbm>> -> memref<10000xf32, #tpu.memory_space<hbm>>
        tpu.wait_dma2 semaphore(%run_scoped3A : memref<!tpu.dma_semaphore, #tpu.memory_space<semaphore_mem>>) src(%arg11 : memref<10000xf32, #tpu.memory_space<vmem>>) dst(%dma_wait3A_240 : memref<10000xf32, #tpu.memory_space<hbm>>)
        tpu.yield
      }) : () -> ()
    } else {
    }
    return
  }
}

module attributes {stable_mosaic.version = 14 : i64} {
  func.func @_mm_body(%arg0: memref<10000x256xf32, #tpu.memory_space<vmem>>, %arg1: memref<256x24xf32, #tpu.memory_space<vmem>>, %arg2: memref<10000x24xf32, #tpu.memory_space<vmem>>) attributes {dimension_semantics = [], scalar_prefetch = 0 : i64, scratch_operands = 0 : i64, tpu.core_type = #tpu.core_type<tc>} {
    %get3A = arith.constant 0 : index
    %get3A_0 = arith.constant 0 : index
    %get3A_1 = vector.load %arg0[%get3A, %get3A_0] : memref<10000x256xf32, #tpu.memory_space<vmem>>, vector<10000x256xf32>
    %get3A_2 = arith.constant 0 : index
    %get3A_3 = arith.constant 0 : index
    %get3A_4 = vector.load %arg1[%get3A_2, %get3A_3] : memref<256x24xf32, #tpu.memory_space<vmem>>, vector<256x24xf32>
    %dot_general3A = arith.constant dense<0.000000e+00> : vector<10000x24xf32>
    %dot_general3A_5 = tpu.matmul %get3A_1, %get3A_4, %dot_general3A {dimension_numbers = #tpu.dot_dimension_numbers<[1], [0], [0], [1], [0, 0, 1, 1], [], []>, transpose_lhs_hint = false} : vector<10000x256xf32>, vector<256x24xf32>, vector<10000x24xf32> -> vector<10000x24xf32>
    %swap3A = arith.constant 0 : index
    %swap3A_6 = arith.constant 0 : index
    %swap3A_7 = vector.load %arg2[%swap3A, %swap3A_6] : memref<10000x24xf32, #tpu.memory_space<vmem>>, vector<10000x24xf32>
    tpu.vector_store %arg2[%swap3A, %swap3A_6], %dot_general3A_5 {strides = array<i32>} : memref<10000x24xf32, #tpu.memory_space<vmem>>, vector<10000x24xf32>,
    return
  }
}

module attributes {stable_mosaic.version = 14 : i64} {
  func.func @_tail_body(%arg0: memref<10000x24xf32, #tpu.memory_space<vmem>>, %arg1: memref<24x16xf32, #tpu.memory_space<vmem>>, %arg2: memref<1x16xf32, #tpu.memory_space<vmem>>, %arg3: memref<16x40xf32, #tpu.memory_space<vmem>>, %arg4: memref<1x40xf32, #tpu.memory_space<vmem>>, %arg5: memref<10000x40xf32, #tpu.memory_space<vmem>>) attributes {dimension_semantics = [], scalar_prefetch = 0 : i64, scratch_operands = 0 : i64, tpu.core_type = #tpu.core_type<tc>} {
    %get3A = arith.constant 0 : index
    %get3A_0 = arith.constant 0 : index
    %get3A_1 = vector.load %arg0[%get3A, %get3A_0] : memref<10000x24xf32, #tpu.memory_space<vmem>>, vector<10000x24xf32>
    %get3A_2 = arith.constant 0 : index
    %get3A_3 = arith.constant 0 : index
    %get3A_4 = vector.load %arg1[%get3A_2, %get3A_3] : memref<24x16xf32, #tpu.memory_space<vmem>>, vector<24x16xf32>
    %dot_general3A = arith.constant dense<0.000000e+00> : vector<10000x16xf32>
    %dot_general3A_5 = tpu.matmul %get3A_1, %get3A_4, %dot_general3A {dimension_numbers = #tpu.dot_dimension_numbers<[1], [0], [0], [1], [0, 0, 1, 1], [], []>, transpose_lhs_hint = false} : vector<10000x24xf32>, vector<24x16xf32>, vector<10000x16xf32> -> vector<10000x16xf32>
    %get3A_6 = arith.constant 0 : index
    %get3A_7 = arith.constant 0 : index
    %get3A_8 = vector.load %arg2[%get3A_6, %get3A_7] : memref<1x16xf32, #tpu.memory_space<vmem>>, vector<1x16xf32>
    %add3A = vector.broadcast %get3A_8 : vector<1x16xf32> to vector<10000x16xf32>
    %add3A_9 = arith.addf %dot_general3A_5, %add3A : vector<10000x16xf32>
    %max3A = arith.constant 0.000000e+00 : f32
    %max3A_10 = vector.broadcast %max3A : f32 to vector<10000x16xf32>
    %max3A_11 = arith.maximumf %add3A_9, %max3A_10 : vector<10000x16xf32>
    %get3A_12 = arith.constant 0 : index
    %get3A_13 = arith.constant 0 : index
    %get3A_14 = vector.load %arg3[%get3A_12, %get3A_13] : memref<16x40xf32, #tpu.memory_space<vmem>>, vector<16x40xf32>
    %dot_general3A_15 = arith.constant dense<0.000000e+00> : vector<10000x40xf32>
    %dot_general3A_16 = tpu.matmul %max3A_11, %get3A_14, %dot_general3A_15 {dimension_numbers = #tpu.dot_dimension_numbers<[1], [0], [0], [1], [0, 0, 1, 1], [], []>, transpose_lhs_hint = false} : vector<10000x16xf32>, vector<16x40xf32>, vector<10000x40xf32> -> vector<10000x40xf32>
    %get3A_17 = arith.constant 0 : index
    %get3A_18 = arith.constant 0 : index
    %get3A_19 = vector.load %arg4[%get3A_17, %get3A_18] : memref<1x40xf32, #tpu.memory_space<vmem>>, vector<1x40xf32>
    %add3A_20 = vector.broadcast %get3A_19 : vector<1x40xf32> to vector<10000x40xf32>
    %add3A_21 = arith.addf %dot_general3A_16, %add3A_20 : vector<10000x40xf32>
    %max3A_22 = arith.constant 0.000000e+00 : f32
    %max3A_23 = vector.broadcast %max3A_22 : f32 to vector<10000x40xf32>
    %max3A_24 = arith.maximumf %add3A_21, %max3A_23 : vector<10000x40xf32>
    %swap3A = arith.constant 0 : index
    %swap3A_25 = arith.constant 0 : index
    %swap3A_26 = vector.load %arg5[%swap3A, %swap3A_25] : memref<10000x40xf32, #tpu.memory_space<vmem>>, vector<10000x40xf32>
    tpu.vector_store %arg5[%swap3A, %swap3A_25], %max3A_24 {strides = array<i32>} : memref<10000x40xf32, #tpu.memory_space<vmem>>, vector<10000x40xf32>,
    return
  }
}

</mosaic_0001>

<sc_bundles>
// kernel: kernel.5.cloned.1.call-start
scs
__scs_entry_jumppad:
0x0: {  	(pc) =	sbr.rel $0x88, $3  }
0x1: {  	(tag) =	ssettag $0x0;
	lr =	simm.s32 $0x1  }
0x2: {  	[smem:$0x3F99] =	sst lr;
	_ =	strace $0xD0000000  }
0x3: {  	_ = 	snop  }
0x4: {  	_ = 	snop  }
0x5: {  	_ = 	snop  }
0x6: {  	_ = 	snop  }
0x7: {  	_ = 	snop  }
__scs_overlays_trampoline_lowered:
0x8: {  	[smem:$0x3FA8] =	sst s0  }
0x9: {  	[smem:$0x3FA9] =	sst s1  }
0xa: {  	[smem:$0x3FAA] =	sst s2  }
0xb: {  	[smem:$0x3FAB] =	sst s3  }
0xc: {  	[smem:$0x3FAC] =	sst s4  }
0xd: {  	[smem:$0x3FAD] =	sst s5  }
0xe: {  	[smem:$0x3FAE] =	sst s6  }
0xf: {  	[smem:$0x3FAF] =	sst s7  }
0x10: {  	[smem:$0x3FB0] =	sst s8  }
0x11: {  	[smem:$0x3FB1] =	sst s9;
	s0 =	simm.s32 @!p0 $0x0  }
0x12: {  	s1 =	sld [smem:$0x3F97];
	s0 =	simm.s32 @p0 $0x1  }
0x13: {  	[smem:$0x3FB2] =	sst s0;
	s0 =	simm.s32 @!p1 $0x0  }
0x14: {  	s2 =	sld [smem:$0x3F96];
	s0 =	simm.s32 @p1 $0x1  }
0x15: {  	[smem:$0x3FB3] =	sst s0;
	s0 =	simm.s32 @!p2 $0x0  }
0x16: {  	s3 =	sld [smem:$0x3FDB];
	s0 =	simm.s32 @p2 $0x1  }
0x17: {  	s4 =	simm.s32 $0x1BF5;
	[smem:$0x3FB5] =	sst s0  }
0x18: {  	s0 =	sld [smem:$0x3F98];
	_ =	swait.ge [sflag:s4], $0x0  }
0x19: {  	s7 =	sld [smem:$0x3F99]  }
0x1a: {  	s8 =	sadd.s32 $0xFFFFE003, lr  }
0x1b: {  	s9 =	sadd.s32 $0xFFFFFEF7, lr;
	s5 =	simm.s32 $0xFFFFFFFF;
	p2 =	slt.u32 s8, $0xFFFFF086  }
0x1c: {  	p1 =	slt.u32 s9, $0xF7A;
	s5 =	simm.s32 @!p2 $0x0  }
0x1d: {  	s5 =	simm.s32 @p1 $0x1;
	p0 =	seq.s32 s7, s2  }
0x1e: {  	s7 =	smul.u32 @!p0 $0xF7A, s2;
	p2 =	seq.s32 @!p0 s5, $0x0  }
0x1f: {  	s9 =	smul.u32 $0xF7A, s1;
	s8 =	simm.s32 @!p0 $0x1BF5;
	p2 =	por !p2, p0  }
0x20: {  	[sflag:s8] =	ssyncset.s32 @!p0 $0xFFFFF086;
	s6 =	sadd.s32 @!p0 s3, s7;
	s7 =	simm.s32 @!p0 $0x108  }
0x21: {  	s3 =	sadd.s32 s3, s9;
	s6 =	sadd.s32 @!p0 $0x88, s6;
	s7 =	simm.s32 @p2 $0x1082  }
0x22: {  	[simem:s7], [sflag:s8] =	dma.local @!p0 [hbm:s6], $0xF7A  }
0x23: {  	s9 =	sor.u32 $0xD0000000, s2;
	s6 =	simm.s32 $0x108;
	_ =	swait.ge @!p0 [sflag:s8], $0x0  }
0x24: {  	s3 =	sadd.s32 $0x88, s3;
	s6 =	simm.s32 @!p1 $0x1082;
	[sflag:s4] =	ssyncset.s32 $0xFFFFF086  }
0x25: {  	[simem:s6], [sflag:s4] =	dma.local [hbm:s3], $0xF7A  }
0x26: {  	[smem:$0x3F99] =	sst s1;
	(tag) =	ssettag s2;
	_ =	strace s9  }
0x27: {  	s1 =	sld [smem:$0x3FA9]  }
0x28: {  	s2 =	sld [smem:$0x3FAA]  }
0x29: {  	s4 =	sld [smem:$0x3FAC]  }
0x2a: {  	p0 =	seq.s32 s5, $0x0;
	s5 =	sld [smem:$0x3FAD]  }
0x2b: {  	s6 =	sld [smem:$0x3FAE]  }
0x2c: {  	s7 =	sld [smem:$0x3FAF]  }
0x2d: {  	s3 =	simm.s32 $0x108;
	s8 =	sld [smem:$0x3FB0]  }
0x2e: {  	s3 =	simm.s32 @!p0 $0x1082;
	s9 =	sld [smem:$0x3FB1]  }
0x2f: {  	lr =	sadd.s32 s0, s3;
	s0 =	sld [smem:$0x3FA8]  }
0x30: {  	s3 =	sld [smem:$0x3FAB]  }
0x31: {  	[smem:$0x3FB4] =	sst s10  }
0x32: {  	s10 =	sld [smem:$0x3FB2];
	_ =	sdelay $0x3  }
0x33: {  	p0 =	seq.s32 s10, $0x1;
	s10 =	sld [smem:$0x3FB4];
	_ =	sdelay $0x3  }
0x34: {  	[smem:$0x3FB4] =	sst s10  }
0x35: {  	s10 =	sld [smem:$0x3FB3];
	_ =	sdelay $0x3  }
0x36: {  	p1 =	seq.s32 s10, $0x1;
	s10 =	sld [smem:$0x3FB4];
	_ =	sdelay $0x3  }
0x37: {  	[smem:$0x3FB4] =	sst s10  }
0x38: {  	s10 =	sld [smem:$0x3FB5]  }
0x39: {  	_ = 	snop;
	(pc) =	sbr.ind lr, $3  }
0x3a: {  	_ = 	snop  }
0x3b: {  	_ = 	snop  }
0x3c: {  	p2 =	seq.s32 s10, $0x1;
	s10 =	sld [smem:$0x3FB4]  }
0x3d: {  	_ =	shalt  }
0x3e: {  	_ =	shalt  }
0x3f: {  	_ =	shalt  }
0x40: {  	_ =	shalt  }
0x41: {  	_ =	shalt  }
0x42: {  	_ =	shalt  }
0x43: {  	_ =	shalt  }
0x44: {  	_ =	shalt  }
0x45: {  	_ =	shalt  }
0x46: {  	_ =	shalt  }
0x47: {  	_ =	shalt  }
0x48: {  	_ =	shalt  }
0x49: {  	_ =	shalt  }
0x4a: {  	_ =	shalt  }
0x4b: {  	_ =	shalt  }
0x4c: {  	_ =	shalt  }
0x4d: {  	_ =	shalt  }
0x4e: {  	_ =	shalt  }
0x4f: {  	_ =	shalt  }
0x50: {  	_ =	shalt  }
0x51: {  	_ =	shalt  }
0x52: {  	_ =	shalt  }
0x53: {  	_ =	shalt  }
0x54: {  	_ =	shalt  }
0x55: {  	_ =	shalt  }
0x56: {  	_ =	shalt  }
0x57: {  	_ =	shalt  }
0x58: {  	_ =	shalt  }
0x59: {  	_ =	shalt  }
0x5a: {  	_ =	shalt  }
0x5b: {  	_ =	shalt  }
0x5c: {  	_ =	shalt  }
0x5d: {  	_ =	shalt  }
0x5e: {  	_ =	shalt  }
0x5f: {  	_ =	shalt  }
0x60: {  	_ =	shalt  }
0x61: {  	_ =	shalt  }
0x62: {  	_ =	shalt  }
0x63: {  	_ =	shalt  }
0x64: {  	_ =	shalt  }
0x65: {  	_ =	shalt  }
0x66: {  	_ =	shalt  }
0x67: {  	_ =	shalt  }
0x68: {  	_ =	shalt  }
0x69: {  	_ =	shalt  }
0x6a: {  	_ =	shalt  }
0x6b: {  	_ =	shalt  }
0x6c: {  	_ =	shalt  }
0x6d: {  	_ =	shalt  }
0x6e: {  	_ =	shalt  }
0x6f: {  	_ =	shalt  }
0x70: {  	_ =	shalt  }
0x71: {  	_ =	shalt  }
0x72: {  	_ =	shalt  }
0x73: {  	_ =	shalt  }
0x74: {  	_ =	shalt  }
0x75: {  	_ =	shalt  }
0x76: {  	_ =	shalt  }
0x77: {  	_ =	shalt  }
0x78: {  	_ =	shalt  }
0x79: {  	_ =	shalt  }
0x7a: {  	_ =	shalt  }
0x7b: {  	_ =	shalt  }
0x7c: {  	_ =	shalt  }
0x7d: {  	_ =	shalt  }
0x7e: {  	_ =	shalt  }
0x7f: {  	_ =	shalt  }
0x80: {  	_ =	shalt  }
0x81: {  	_ =	shalt  }
0x82: {  	_ =	shalt  }
0x83: {  	_ =	shalt  }
0x84: {  	_ =	shalt  }
0x85: {  	_ =	shalt  }
0x86: {  	_ =	shalt  }
0x87: {  	_ =	shalt  }
.Lfunc_end0:
.L_simem_size_0:
called_computation_lowered:
.L_overlay_start_0:
0x88: {  	s2 =	sld [smem:$0x3FD9]  }
0x89: {  	s3 =	sld [smem:$0x3FFE];
	_ =	sdelay $0x1  }
0x8a: {  	s1 =	srdreg.scid  }
0x8b: {  	s0 =	sand.u32 $0x1, s1  }
0x8c: {  	s17 =	sshll.u32 s0, $0xA;
	s2 =	sadd.s32 s3, s2  }
0x8d: {  	s2 =	sadd.s32 s2, s17  }
0x8e: {  	[smem:$0x3FC0] =	sst s2  }
0x8f: {  	_ = 	snop  }
0x90: {  	s2 =	sld [smem:$0x3FD0];
	(tm) =	ssettm $0x1  }
0x91: {  	s18 =	sld [smem:$0x3FFB];
	_ =	sdelay $0x3  }
0x92: {  	_ =	strace s18  }
0x93: {  	s3 =	sld [smem:$0x3FFC];
	_ =	sdelay $0x3  }
0x94: {  	_ =	strace s3  }
0x95: {  	s3 =	sld [smem:$0x3FFD];
	_ =	sdelay $0x3  }
0x96: {  	_ =	strace s3  }
0x97: {  	_ =	strace $0x8FFFFFFF  }
0x98: {  	s19 =	sld [smem:$0x3FDB];
	_ =	sdelay $0x1  }
0x99: {  	s4 =	simm.s32 $_scs_section_size  }
0x9a: {  	s5 =	simm.s32 $_size__tile_overlayer_lowered;
	s6 =	simm.s32 $_tile_overlayer_lowered  }
0x9b: {  	s22 =	simm.s32 $0x1BFF;
	s21 =	sshll.u32 s6, $0x1;
	s3 =	sadd.s32 s4, s19  }
0x9c: {  	s7 =	simm.s32 $0x0;
	s20 =	sshll.u32 s5, $0x1;
	s5 =	sadd.s32 s21, s3  }
0x9d: {  	[timem:s7], [sflag:s22] =	dma.local [hbm:s5], s20  }
0x9e: {  	_ =	swait.ge [sflag:s22], s20  }
0x9f: {  	s4 =	ssub.s32 $0x0, s20;
	[sflag:s22] =	ssyncset.done $0x0  }
0xa0: {  	[sflag:s22] =	ssyncadd.s32 s4;
	_ =	sdelay $0x1  }
0xa1: {  	s23 =	simm.s32 $0x1B8B  }
0xa2: {  	_ =	swait.ge [sflag:s23], $0x1  }
0xa3: {  	[sflag:s23] =	ssyncset.done $0x0  }
0xa4: {  	s25 =	simm.s32 $0x1B8E;
	s24 =	sld [smem:$0x3FFE];
	[sflag:s23] =	ssyncadd.s32 $0xFFFFFFFF  }
0xa5: {  	s26 =	simm.s32 $execute0_lowered;
	[smem:$0x3FD2] =	sst s25  }
0xa6: {  	s5 =	sshll.u32 s26, $0x1;
	_ =	strace $0x80000046;
	[dreg:$0x1] =	wrdreg $0xFFFFFFFF  }
0xa7: {  	s28 =	simm.s32 $_size_execute0_lowered;
	s3 =	sadd.s32 s3, s5;
	[dreg:$0x0] =	wrdreg $0x0  }
0xa8: {  	s5 =	sshll.u32 s28, $0x1;
	[dreg:$0x2] =	wrdreg s3  }
0xa9: {  	[dreg:$0x3] =	wrdreg s5  }
0xaa: {  	[dreg:$0x4] =	wrdreg $0xC0  }
0xab: {  	_ =	task [dreg:s7], $0x5FFFF  }
0xac: {  	[dreg:$0x1] =	wrdreg $0xFFFFFFFF  }
0xad: {  	[dreg:$0x0] =	wrdreg $0x60  }
0xae: {  	[dreg:$0x2] =	wrdreg s2  }
0xaf: {  	[dreg:$0x3] =	wrdreg s24  }
0xb0: {  	[dreg:$0x4] =	wrdreg $0x9  }
0xb1: {  	_ =	task.clear_ibuf [dreg:s7], $0x5FFFF;
	_ =	strace $0x90000046  }
0xb2: {  	s29 =	simm.s32 $0x9;
	_ =	strace $0x80000048  }
0xb3: {  	_ =	swait.ge [sflag:s29], $0x1  }
0xb4: {  	[sflag:s29] =	ssyncadd.s32 $0xFFFFFFFF  }
0xb5: {  	_ =	strace $0x90000048  }
0xb6: {  	_ =	sfence  }
0xb7: {  	s30 =	sld [smem:$0x0];
	_ =	sdelay $0x2  }
0xb8: {  	s31 =	sshll.u32 s1, $0xD;
	s1 =	sshrl.u32 s1, $0x2  }
0xb9: {  	s3 =	sand.u32 $0x4000, s31;
	s1 =	sadd.s32 s1, s30  }
0xba: {  	s0 =	sor.u32 s3, s0;
	s1 =	sshll.u32 s1, $0x11  }
0xbb: {  	s0 =	sor.u32 s1, s0  }
0xbc: {  	s0 =	sadd.s32 $0x8F2B, s0  }
0xbd: {  	[sflag:s0] =	ssyncadd.remote.s32 $0x1  }
0xbe: {  	_ =	sfence.sel $0xFFFF  }
0xbf: {  	[dreg:$0x0] =	wrdreg $0xFFFFFFFF;
	(pc) =	sbr.abs _section_cstart, $3  }
0xc0: {  	[dreg:$0x1] =	wrdreg $0xFFFFFFFF  }
0xc1: {  	_ =	task.clear_ibuf [dreg:s7], $0x2FFFF;
	_ =	strace $0x9FFFFFFF  }
0xc2: {  	(tm) =	ssettm $0x7FFFFFFF  }
0xc3: {  	_ =	shalt  }
tec
execute0_lowered:
.L_overlay_start_1:
0x0: {  	(tag) =	ssettag $0x1  }
0x1: {  	s0 =	srdreg.scid;
	s11 =	rddreg [dreg:$0x0]  }
0x2: {  	s2 =	stileid.u32;
	s7 =	rddreg [dreg:$0x1]  }
0x3: {  	s28 =	simm.s32 $0xF580;
	s29 =	simm.s32 $0x3;
	s30 =	simm.s32 $0x4  }
0x4: {  	s5 =	sand.u32 $0x1, s0;
	s1 =	sand.u32 $0x3, s2;
	s24 =	sshrl.u32 s2, $0x2  }
0x5: {  	s2 =	simm.s32 $0x1;
	s25 =	sadd.s32 $0xAC00, s7;
	s15 =	sadd.s32 $0xAE00, s7  }
0x6: {  	p1 =	seq.s32 s1, $0x2;
	s9 =	smul.u32 $0x3, s24;
	p0 =	slt.u32 s1, $0x2  }
0x7: {  	s10 =	smul.u32 $0xC, s5;
	s5 =	ssub.s32 $0x2, s5;
	s2 =	simm.s32 @!p1 $0x2  }
0x8: {  	p2 =	seq.s32 s1, $0x3;
	s16 =	sshrl.u32 s5, $0x1;
	s2 =	simm.s32 @p0 $0x0  }
0x9: {  	p0 =	seq.s32 s1, $0x1;
	s5 =	ssub.s32 s5, s16;
	s8 =	sadd.s32 s9, s2  }
0xa: {  	s2 =	simm.s32 $0x0;
	s5 =	smax.u32 s5, $0x1;
	s0 =	sadd.s32 s10, s8  }
0xb: {  	[smem:$0x7FF] =	sst s2;
	s3 =	sshrl.u32 s0, $0x3;
	s4 =	sshll.u32 s0, $0x7  }
0xc: {  	_ =	strace $0x80000047;
	[dreg:$0x3] =	wrdreg s25;
	s3 =	smul.u32 $0x13C00, s3  }
0xd: {  	s14 =	sadd.s32 $0x1, s9;
	[dreg:$0xd] =	wrdreg s5;
	s4 =	sand.u32 $0x380, s4  }
0xe: {  	s5 =	simm.s32 $0x0;
	s6 =	sor.u32 s4, s3;
	s3 =	sadd.s32 $0x5C00, s7  }
0xf: {  	s4 =	sadd.s32 $0xC00, s7;
	s12 =	sshrl.u32 s6, $0x3;
	s6 =	simm.s32 $0x1  }
0x10: {  	s13 =	sadd.s32 s12, s7;
	s7 =	sadd.s32 $0x2, s9;
	s31 =	sadd.s32 s11, s12  }
0x11: {  	s9 =	sadd.s32 s10, s9;
	s8 =	smov.u32 @p1 s7;
	s7 =	simm.s32 $0x13880  }
0x12: {  	[dreg:$0x4] =	wrdreg s31;
	s18 =	sadd.s32 $0x2, s9;
	s21 =	sshrl.u32 s9, $0x3  }
0x13: {  	s31 =	sadd.s32 $0x12600, s13;
	s8 =	smov.u32 @p0 s14;
	s7 =	simm.s32 @!p1 $0x9C40  }
0x14: {  	p1 =	seq.s32 s1, $0x0;
	s19 =	sshrl.u32 s18, $0x3;
	s22 =	smul.u32 $0x13C00, s21  }
0x15: {  	[dreg:$0xc] =	wrdreg s31;
	s21 =	simm.s32 $0x400;
	s14 =	sadd.s32 s10, s8  }
0x16: {  	s7 =	simm.s32 @p0 $0x1D4C0;
	s8 =	simm.s32 $0xA;
	s26 =	sshrl.u32 s14, $0x3  }
0x17: {  	s10 =	simm.f32 $1.000000000e+00;
	s14 =	sshll.u32 s14, $0x7;
	s16 =	smul.u32 $0x13C00, s26  }
0x18: {  	s20 =	smul.u32 $0x13C00, s19;
	s8 =	simm.s32 @!p0 $0x14;
	s14 =	sand.u32 $0x380, s14  }
0x19: {  	s7 =	simm.s32 @p1 $0x0;
	s8 =	simm.s32 @p2 $0x1E;
	s14 =	sor.u32 s14, s16  }
0x1a: {  	s8 =	simm.s32 @p1 $0x1E;
	p1 =	sne.s32 s1, $0x1;
	s16 =	sshrl.u32 s14, $0x3  }
0x1b: {  	s10 =	simm.s32 @!p1 $0x0;
	s14 =	sshrl.u32 s7, $0x3;
	s11 =	sadd.s32 s11, s16  }
0x1c: {  	p1 =	sne.s32 s1, $0x2;
	s17 =	sadd.s32 s3, s14;
	[dreg:$0x5] =	wrdreg s11  }
0x1d: {  	s26 =	sadd.s32 s15, s16;
	s16 =	simm.s32 $0x7680;
	[dreg:$0x6] =	wrdreg s17  }
0x1e: {  	s11 =	sadd.s32 s4, s14;
	s14 =	sshll.u32 s18, $0x7;
	[dreg:$0xb] =	wrdreg s26  }
0x1f: {  	s18 =	sadd.s32 $0x1, s9;
	s9 =	sshll.u32 s9, $0x7;
	[dreg:$0x7] =	wrdreg s11  }
0x20: {  	s14 =	sand.u32 $0x380, s14;
	s23 =	sshrl.u32 s18, $0x3;
	s18 =	sshll.u32 s18, $0x7  }
0x21: {  	s9 =	sand.u32 $0x380, s9;
	s11 =	sor.u32 s14, s20;
	s17 =	smul.u32 $0x13C00, s23  }
0x22: {  	s18 =	sand.u32 $0x380, s18;
	s9 =	sor.u32 s9, s22;
	s14 =	sadd.s32 s15, s12  }
0x23: {  	s20 =	simm.s32 $0x80;
	s22 =	simm.s32 $0x2780;
	s23 =	simm.s32 $0x4F00  }
.Ltmp0:
0x24: {  	s11 =	sshrl.u32 s11, $0x3;
	s9 =	sshrl.u32 s9, $0x3;
	(pc) =	sbr.rel .LBB2_1-.Ltmp0, $4  }
0x25: {  	s11 =	sadd.s32 s15, s11;
	s24 =	sor.u32 s18, s17;
	s9 =	sadd.s32 s15, s9  }
0x26: {  	s18 =	simm.s32 $0x2;
	[dreg:$0x8] =	wrdreg s11;
	s11 =	sshrl.u32 s24, $0x3  }
0x27: {  	v2 =	vimm.f32 $1.000000000e+00;
	[dreg:$0x9] =	wrdreg s9;
	s24 =	simm.s32 $0x9E00;
	s25 =	sadd.s32 s15, s11  }
0x28: {  	v3 =	vimm.f32 $0.0e+00;
	v1 =	vmov s0;
	v0 =	vmov s10;
	s15 =	simm.s32 $0xD580;
	[dreg:$0xa] =	wrdreg s25;
	s25 =	simm.s32 $0x7  }
.LBB2_58:
0x29: {  	s0 =	rddreg [dreg:$0x9]  }
0x2a: {  	[hbm4b:s0+s20] =	stream.strided.scatter [tilespmem:s16], [sflag:$0x7], $0x2780, s21, s20, $0x38;
	[tilespmem:$0x10600] =	vst v63  }
0x2b: {  	_ =	swait.ge [sflag:s25], $0x2780  }
0x2c: {  	[sflag:s25] =	ssyncset.done $0x0  }
0x2d: {  	s31 =	rddreg [dreg:$0xa];
	[sflag:s25] =	ssyncadd.s32 $0xFFFFD880  }
0x2e: {  	[hbm4b:s31+s20] =	stream.strided.scatter [tilespmem:s24], [sflag:$0x7], $0x2780, s21, s20, $0x38;
	[tilespmem:$0x10600] =	vst v63  }
0x2f: {  	_ =	swait.ge [sflag:s25], $0x2780  }
0x30: {  	[sflag:s25] =	ssyncset.done $0x0  }
0x31: {  	[sflag:s25] =	ssyncadd.s32 $0xFFFFD880  }
0x32: {  	[bflag:$0x0] =	sbarrier.arrive $0xFFFF  }
.LBB2_55:
0x33: {  	s5 =	sadd.s32 $0x1, s5;
	s0 =	rddreg [dreg:$0xd]  }
0x34: {  	p2 =	sne.s32 s5, s0  }
.Ltmp1:
0x35: {  	_ = 	snop;
	(pc) =	sbr.rel @!p2 .LBB2_56-.Ltmp1, $1  }
0x36: {  	_ =	sdelay $0x3  }
.LBB2_1:
0x37: {  	s0 =	rddreg [dreg:$0x4]  }
0x38: {  	[tilespmem:s22], [sflag:$0x5] =	stream.strided.gather [hbm4b:s0+s20], $0x2780, s21, s20, $0x38;
	[tilespmem:$0x10600] =	vst v63  }
0x39: {  	s26 =	rddreg [dreg:$0x5]  }
0x3a: {  	[tilespmem:s23], [sflag:$0x6] =	stream.strided.gather [hbm4b:s26+s20], $0x2780, s21, s20, $0x38;
	[tilespmem:$0x10600] =	vst v63  }
0x3b: {  	s31 =	rddreg [dreg:$0x3];
	s1 =	simm.s32 $0x10580  }
0x3c: {  	[tilespmem:s1], [sflag:$0x7] =	stream.linear.gather [hbm4b:s31+s2], $0x80, $0x38;
	[tilespmem:$0x10600] =	vst v63  }
0x3d: {  	_ =	swait.ge [sflag:s25], $0x80  }
0x3e: {  	[sflag:s25] =	ssyncset.done $0x0  }
0x3f: {  	s0 =	simm.s32 $0x20;
	[sflag:s25] =	ssyncadd.s32 $0xFFFFFF80  }
0x40: {  	[tilespmem:s0+$0xFFFFFFE0] =	vst v2  }
0x41: {  	[tilespmem:s0+$0x10] =	vst v2  }
0x42: {  	s1 =	simm.s32 $0x0;
	[tilespmem:s0+$0x0] =	vst v2  }
.LBB2_2:
0x43: {  	s1 =	sadd.s32 $0x40, s1  }
0x44: {  	[tilespmem:s0+$0xFFFFFFF0] =	vst v2;
	s0 =	sadd.s32 $0x40, s0;
	p2 =	slt.u32 s1, $0x26C0  }
.Ltmp2:
0x45: {  	[tilespmem:s0+$0xFFFFFFE0] =	vst v2;
	(pc) =	sbr.rel @p2 .LBB2_2-.Ltmp2, $3  }
0x46: {  	_ =	sdelay $0x1  }
0x47: {  	[tilespmem:s0+$0x10] =	vst v2  }
0x48: {  	[tilespmem:s0+$0x0] =	vst v2  }
0x49: {  	[tilespmem:s0+$0xFFFFFFF0] =	vst v2  }
0x4a: {  	s0 =	simm.s32 $0x0;
	s1 =	simm.s32 $0xE580;
	[tilespmem:$0x2700] =	vst v2  }
0x4b: {  	[tilespmem:s1], [sflag:$0x3] =	stream.linear.gather [hbm4b:s4+s0], $0xFA0, $0x38;
	[tilespmem:$0x10600] =	vst v63  }
.LBB2_4:
0x4c: {  	s1 =	smul.u32 $0x1F40, s0;
	_ =	sdelay $0x1  }
0x4d: {  	s9 =	sshrl.u32 s1, $0x3  }
0x4e: {  	s9 =	sadd.s32 s4, s9  }
0x4f: {  	s9 =	sadd.s32 $0x1F4, s9  }
0x50: {  	[tilespmem:s28], [sflag:$0x4] =	stream.linear.gather [hbm4b:s9+s2], $0xFA0, $0x38;
	[tilespmem:$0x10600] =	vst v63  }
0x51: {  	_ =	swait.ge [sflag:s29], $0xFA0  }
0x52: {  	[sflag:s29] =	ssyncset.done $0x0  }
0x53: {  	s31 =	simm.s32 $0xE5A0;
	[sflag:s29] =	ssyncadd.s32 $0xFFFFF060  }
0x54: {  	v7 =	vld [tilespmem:s31+$0x20]  }
0x55: {  	v8 =	vld [tilespmem:s31+$0xFFFFFFF0];
	_ =	sdelay $0x3  }
0x56: {  	v4 =	vld [tilespmem:s31+$0x0]  }
0x57: {  	v5 =	vld [tilespmem:s31+$0x10]  }
0x58: {  	v6 =	vld [tilespmem:s31+$0xFFFFFFE0]  }
0x59: {  	[tilespmem:v7+s2+$0x0] =	vst.idx.add.f32.msk $0xffff, v2  }
0x5a: {  	s10 =	simm.s32 $0xE5F0;
	s9 =	simm.s32 $0x0;
	[tilespmem:v8+s2+$0x0] =	vst.idx.add.f32.msk $0xffff, v2  }
.LBB2_5:
0x5b: {  	v7 =	vld [tilespmem:s10+$0x20];
	s9 =	sadd.s32 $0x50, s9  }
0x5c: {  	v8 =	vld [tilespmem:s10+$0xFFFFFFF0];
	p2 =	slt.u32 s9, $0xF50  }
0x5d: {  	v9 =	vld [tilespmem:s10+$0x0]  }
0x5e: {  	v10 =	vld [tilespmem:s10+$0x10]  }
0x5f: {  	v11 =	vld [tilespmem:s10+$0xFFFFFFE0]  }
.Ltmp3:
0x60: {  	[tilespmem:v6+s2+$0x0] =	vst.idx.add.f32.msk $0xffff, v2;
	(pc) =	sbr.rel @p2 .LBB2_5-.Ltmp3, $4  }
0x61: {  	[tilespmem:v4+s2+$0x0] =	vst.idx.add.f32.msk $0xffff, v2  }
0x62: {  	[tilespmem:v5+s2+$0x0] =	vst.idx.add.f32.msk $0xffff, v2;
	v4 =	vmov v9  }
0x63: {  	[tilespmem:v7+s2+$0x0] =	vst.idx.add.f32.msk $0xffff, v2;
	v5 =	vmov v10  }
0x64: {  	s10 =	sadd.s32 $0x50, s10;
	[tilespmem:v8+s2+$0x0] =	vst.idx.add.f32.msk $0xffff, v2;
	v6 =	vmov v11  }
0x65: {  	_ =	sdelay $0x2  }
0x66: {  	p2 =	seq.s32 s0, $0x13  }
0x67: {  	[tilespmem:v6+s2+$0x0] =	vst.idx.add.f32.msk $0xffff, v2;
	s1 =	sshrl.u32 @!p2 s1, $0x3  }
0x68: {  	[tilespmem:v4+s2+$0x0] =	vst.idx.add.f32.msk $0xffff, v2;
	s1 =	sadd.s32 @!p2 s4, s1  }
0x69: {  	[tilespmem:v5+s2+$0x0] =	vst.idx.add.f32.msk $0xffff, v2;
	s9 =	simm.s32 @!p2 $0x0;
	s10 =	simm.s32 @!p2 $0xE580;
	s1 =	sadd.s32 @!p2 $0x3E8, s1  }
0x6a: {  	[tilespmem:s10], [sflag:$0x3] =	stream.linear.gather @!p2 [hbm4b:s1+s9], $0xFA0, $0x38;
	[tilespmem:$0x10600] =	vst v63  }
0x6b: {  	_ =	swait.ge [sflag:s30], $0xFA0  }
0x6c: {  	[sflag:s30] =	ssyncset.done $0x0  }
0x6d: {  	s31 =	simm.s32 $0xF5A0;
	[sflag:s30] =	ssyncadd.s32 $0xFFFFF060  }
0x6e: {  	v7 =	vld [tilespmem:s31+$0x20]  }
0x6f: {  	v8 =	vld [tilespmem:s31+$0xFFFFFFF0];
	_ =	sdelay $0x3  }
0x70: {  	v4 =	vld [tilespmem:s31+$0x0]  }
0x71: {  	v5 =	vld [tilespmem:s31+$0x10]  }
0x72: {  	v6 =	vld [tilespmem:s31+$0xFFFFFFE0]  }
0x73: {  	[tilespmem:v7+s2+$0x0] =	vst.idx.add.f32.msk $0xffff, v2  }
0x74: {  	s1 =	simm.s32 $0x0;
	s9 =	simm.s32 $0xF5F0;
	[tilespmem:v8+s2+$0x0] =	vst.idx.add.f32.msk $0xffff, v2  }
.LBB2_7:
0x75: {  	v7 =	vld [tilespmem:s9+$0x20];
	s1 =	sadd.s32 $0x50, s1  }
0x76: {  	v8 =	vld [tilespmem:s9+$0xFFFFFFF0];
	p2 =	slt.u32 s1, $0xF50  }
0x77: {  	v9 =	vld [tilespmem:s9+$0x0]  }
0x78: {  	v10 =	vld [tilespmem:s9+$0x10]  }
0x79: {  	v11 =	vld [tilespmem:s9+$0xFFFFFFE0]  }
.Ltmp4:
0x7a: {  	[tilespmem:v6+s2+$0x0] =	vst.idx.add.f32.msk $0xffff, v2;
	(pc) =	sbr.rel @p2 .LBB2_7-.Ltmp4, $4  }
0x7b: {  	[tilespmem:v4+s2+$0x0] =	vst.idx.add.f32.msk $0xffff, v2  }
0x7c: {  	[tilespmem:v5+s2+$0x0] =	vst.idx.add.f32.msk $0xffff, v2;
	v4 =	vmov v9  }
0x7d: {  	[tilespmem:v7+s2+$0x0] =	vst.idx.add.f32.msk $0xffff, v2;
	v5 =	vmov v10  }
0x7e: {  	s9 =	sadd.s32 $0x50, s9;
	[tilespmem:v8+s2+$0x0] =	vst.idx.add.f32.msk $0xffff, v2;
	v6 =	vmov v11  }
0x7f: {  	s0 =	sadd.s32 $0x1, s0  }
0x80: {  	p2 =	sne.s32 s0, $0x14  }
.Ltmp5:
0x81: {  	_ = 	snop;
	(pc) =	sbr.rel @p2 .LBB2_4-.Ltmp5, $4  }
0x82: {  	_ = 	snop  }
0x83: {  	[tilespmem:v6+s2+$0x0] =	vst.idx.add.f32.msk $0xffff, v2  }
0x84: {  	[tilespmem:v4+s2+$0x0] =	vst.idx.add.f32.msk $0xffff, v2  }
0x85: {  	[tilespmem:v5+s2+$0x0] =	vst.idx.add.f32.msk $0xffff, v2  }
0x86: {  	s10 =	simm.s32 $0x20  }
0x87: {  	v4 =	vld [tilespmem:s10+$0x10];
	_ =	sdelay $0x1  }
0x88: {  	v5 =	vld [tilespmem:s10+$0x0]  }
0x89: {  	v7 =	vld [tilespmem:s10+$0xFFFFFFE0];
	_ =	sdelay $0x1  }
0x8a: {  	v9 =	vld [tilespmem:s10+$0xFFFFFFF0];
	v6 =	vshrl.u32 v4, $0x1;
	v4 =	vmul.f32 $5.000000000e-01, v4  }
0x8b: {  	v6 =	vsub.s32 $0x5F3759DF, v6  }
0x8c: {  	v11 =	vmul.f32 $5.000000000e-01, v5;
	v5 =	vshrl.u32 v5, $0x1;
	v8 =	vmul.f32 v6, v4  }
0x8d: {  	v10 =	vshrl.u32 v7, $0x1;
	v13 =	vmul.f32 $5.000000000e-01, v7;
	v5 =	vsub.s32 $0x5F3759DF, v5  }
0x8e: {  	v7 =	vsub.s32 $0x5F3759DF, v10;
	v10 =	vmul.f32 v5, v11;
	v8 =	vmul.f32 v6, v8  }
0x8f: {  	s9 =	simm.s32 $0x60;
	v14 =	vshrl.u32 v9, $0x1  }
0x90: {  	v12 =	vld [tilespmem:s9+$0x10];
	v15 =	vmul.f32 $5.000000000e-01, v9;
	v9 =	vmul.f32 v5, v10;
	v8 =	vsub.f32 $1.500000000e+00, v8;
	_ =	sdelay $0x1  }
0x91: {  	v10 =	vsub.s32 $0x5F3759DF, v14;
	v9 =	vsub.f32 $1.500000000e+00, v9;
	v6 =	vmul.f32 v6, v8  }
0x92: {  	v17 =	vld [tilespmem:s9+$0x0];
	v14 =	vmul.f32 v10, v15  }
0x93: {  	v9 =	vmul.f32 v5, v9;
	v16 =	vmul.f32 v6, v4  }
0x94: {  	v18 =	vshrl.u32 v12, $0x1;
	v12 =	vmul.f32 $5.000000000e-01, v12;
	v14 =	vmul.f32 v10, v14  }
0x95: {  	s0 =	simm.s32 $0xA0;
	v19 =	vld [tilespmem:s9+$0xFFFFFFE0];
	v18 =	vsub.s32 $0x5F3759DF, v18;
	v20 =	vmul.f32 v9, v11;
	v16 =	vmul.f32 v16, v6  }
0x96: {  	v29 =	vld [tilespmem:s0+$0x0];
	v8 =	vmul.f32 v7, v13;
	v5 =	vmul.f32 v18, v12  }
0x97: {  	v22 =	vmul.f32 $5.000000000e-01, v17;
	v20 =	vmul.f32 v20, v9;
	v16 =	vsub.f32 $1.500000000e+00, v16  }
0x98: {  	v21 =	vld [tilespmem:s9+$0xFFFFFFF0];
	v14 =	vsub.f32 $1.500000000e+00, v14;
	v8 =	vmul.f32 v7, v8;
	v5 =	vmul.f32 v18, v5  }
0x99: {  	v20 =	vsub.f32 $1.500000000e+00, v20;
	v6 =	vmul.f32 v16, v6;
	v16 =	vshrl.u32 v17, $0x1  }
0x9a: {  	v17 =	vmul.f32 v10, v14;
	v14 =	vsub.f32 $1.500000000e+00, v5;
	v5 =	vmul.f32 $5.000000000e-01, v19  }
0x9b: {  	v20 =	vmul.f32 v20, v9;
	v9 =	vmul.f32 $5.000000000e-01, v29;
	v10 =	vsub.s32 $0x5F3759DF, v16  }
0x9c: {  	v16 =	vshrl.u32 v19, $0x1;
	v19 =	vmul.f32 v10, v22;
	v23 =	vmul.f32 v6, v4  }
0x9d: {  	v16 =	vsub.s32 $0x5F3759DF, v16;
	v14 =	vmul.f32 v18, v14;
	v4 =	vmul.f32 $5.000000000e-01, v21  }
0x9e: {  	v18 =	vshrl.u32 v21, $0x1;
	v11 =	vmul.f32 v20, v11;
	v21 =	vmul.f32 v16, v5  }
0x9f: {  	v18 =	vsub.s32 $0x5F3759DF, v18;
	v19 =	vmul.f32 v10, v19;
	v24 =	vmul.f32 v14, v12  }
0xa0: {  	v27 =	vsub.f32 $1.500000000e+00, v8;
	v25 =	vmul.f32 v18, v4;
	v21 =	vmul.f32 v16, v21  }
0xa1: {  	v23 =	vmul.f32 v23, v6;
	v34 =	vmul.f32 v11, v20;
	v19 =	vsub.f32 $1.500000000e+00, v19  }
0xa2: {  	v26 =	vld [tilespmem:s0+$0x10];
	v24 =	vmul.f32 v24, v14;
	v8 =	vmul.f32 v18, v25;
	v21 =	vsub.f32 $1.500000000e+00, v21  }
0xa3: {  	v25 =	vld [tilespmem:s0+$0xFFFFFFE0];
	v28 =	vmul.f32 v10, v19;
	v10 =	vmul.f32 v17, v15;
	v19 =	vsub.f32 $1.500000000e+00, v23  }
0xa4: {  	v23 =	vsub.f32 $1.500000000e+00, v24;
	v8 =	vsub.f32 $1.500000000e+00, v8;
	v21 =	vmul.f32 v16, v21  }
0xa5: {  	v24 =	vmul.f32 v28, v22;
	v30 =	vmul.f32 v19, v6  }
0xa6: {  	v19 =	vmul.f32 v23, v14;
	v8 =	vmul.f32 v18, v8  }
0xa7: {  	v14 =	vshrl.u32 v26, $0x1;
	v18 =	vmul.f32 $5.000000000e-01, v26;
	v23 =	vmul.f32 v10, v17  }
0xa8: {  	v6 =	vmul.f32 $5.000000000e-01, v25;
	v14 =	vsub.s32 $0x5F3759DF, v14;
	v10 =	vshrl.u32 v25, $0x1  }
0xa9: {  	v25 =	vmul.f32 v7, v27;
	v27 =	vshrl.u32 v29, $0x1;
	v56 =	vmul.f32 v21, v5  }
0xaa: {  	v26 =	vmul.f32 v14, v18;
	v10 =	vsub.s32 $0x5F3759DF, v10;
	v12 =	vmul.f32 v19, v12  }
0xab: {  	v7 =	vld [tilespmem:s0+$0xFFFFFFF0];
	v27 =	vsub.s32 $0x5F3759DF, v27;
	v24 =	vmul.f32 v24, v28;
	v29 =	vmul.f32 v25, v13  }
0xac: {  	v23 =	vsub.f32 $1.500000000e+00, v23;
	v31 =	vmul.f32 v10, v6;
	v32 =	vmul.f32 v27, v9  }
0xad: {  	v58 =	vmul.f32 v56, v21;
	v26 =	vmul.f32 v14, v26  }
0xae: {  	v12 =	vmul.f32 v12, v19;
	v38 =	vmul.f32 v23, v17  }
0xaf: {  	s17 =	simm.s32 $0xE0;
	v29 =	vmul.f32 v29, v25;
	v31 =	vmul.f32 v10, v31  }
0xb0: {  	v35 =	vld [tilespmem:s17+$0xFFFFFFE0];
	v61 =	vsub.f32 $1.500000000e+00, v58;
	v26 =	vsub.f32 $1.500000000e+00, v26;
	v33 =	vshrl.u32 v7, $0x1  }
0xb1: {  	v7 =	vmul.f32 $5.000000000e-01, v7;
	v40 =	vmul.f32 v38, v15;
	v33 =	vsub.s32 $0x5F3759DF, v33  }
0xb2: {  	v29 =	vsub.f32 $1.500000000e+00, v29;
	v21 =	vmul.f32 v61, v21;
	v26 =	vmul.f32 v14, v26  }
0xb3: {  	v12 =	vsub.f32 $1.500000000e+00, v12;
	v14 =	vmul.f32 v27, v32;
	v53 =	vmul.f32 v33, v7  }
0xb4: {  	v25 =	vmul.f32 v29, v25;
	v29 =	vld [tilespmem:s17+$0x10];
	v11 =	vmul.f32 v26, v18  }
0xb5: {  	v37 =	vmul.f32 v12, v19;
	v12 =	vmul.f32 $5.000000000e-01, v35;
	v14 =	vsub.f32 $1.500000000e+00, v14  }
0xb6: {  	v13 =	vmul.f32 v25, v13;
	v11 =	vmul.f32 v11, v26  }
0xb7: {  	v24 =	vsub.f32 $1.500000000e+00, v24;
	v32 =	vmul.f32 v33, v53;
	v14 =	vmul.f32 v27, v14  }
0xb8: {  	v27 =	vmul.f32 v8, v4;
	v55 =	vmul.f32 v13, v25;
	v11 =	vsub.f32 $1.500000000e+00, v11  }
0xb9: {  	v32 =	vsub.f32 $1.500000000e+00, v32;
	v36 =	vmul.f32 v14, v9;
	v17 =	vmul.f32 $5.000000000e-01, v29  }
0xba: {  	v15 =	vsub.f32 $1.500000000e+00, v55;
	v19 =	vmul.f32 v11, v26;
	v26 =	vshrl.u32 v29, $0x1  }
0xbb: {  	v23 =	vld [tilespmem:s17+$0x0];
	v27 =	vmul.f32 v27, v8;
	v11 =	vmul.f32 v33, v32;
	v26 =	vsub.s32 $0x5F3759DF, v26  }
0xbc: {  	v29 =	vsub.f32 $1.500000000e+00, v34;
	v59 =	vmul.f32 v15, v25;
	v16 =	vmul.f32 v26, v17  }
0xbd: {  	v54 =	vmul.f32 v19, v18;
	v18 =	vmul.f32 v24, v28  }
0xbe: {  	v13 =	vshrl.u32 v35, $0x1;
	v28 =	vld [tilespmem:s17+$0xFFFFFFF0];
	v29 =	vmul.f32 v29, v20;
	v24 =	vmul.f32 v26, v16  }
0xbf: {  	v20 =	vsub.f32 $1.500000000e+00, v31;
	v31 =	vmul.f32 v40, v38;
	v16 =	vsub.s32 $0x5F3759DF, v13  }
0xc0: {  	v13 =	vmul.f32 $5.000000000e-01, v23;
	v23 =	vshrl.u32 v23, $0x1;
	v39 =	vsub.f32 $1.500000000e+00, v24  }
0xc1: {  	v57 =	vmul.f32 v18, v22;
	v32 =	vmul.f32 v54, v19;
	v24 =	vsub.s32 $0x5F3759DF, v23  }
0xc2: {  	v62 =	vsub.f32 $1.500000000e+00, v31;
	v23 =	vmul.f32 v26, v39;
	v26 =	vmul.f32 v24, v13  }
0xc3: {  	v22 =	vmul.f32 v16, v12;
	v15 =	vmul.f32 $5.000000000e-01, v28;
	v25 =	vshrl.u32 v28, $0x1  }
0xc4: {  	[tilespmem:s10+$0x10] =	vst v30;
	v28 =	vmul.f32 v36, v14;
	v25 =	vsub.s32 $0x5F3759DF, v25;
	v60 =	vmul.f32 v24, v26  }
0xc5: {  	[tilespmem:s10+$0x0] =	vst v29;
	v29 =	vsub.f32 $1.500000000e+00, v27;
	v30 =	vmul.f32 v25, v15;
	v63 =	vmul.f32 v23, v17  }
0xc6: {  	[tilespmem:s9+$0x10] =	vst v37;
	v27 =	vmul.f32 v62, v38;
	v26 =	vmul.f32 v57, v18;
	v31 =	vsub.f32 $1.500000000e+00, v60  }
0xc7: {  	s19 =	simm.s32 $0xC0;
	s13 =	simm.s32 $0x120;
	[tilespmem:s10+$0xFFFFFFE0] =	vst v59;
	v28 =	vsub.f32 $1.500000000e+00, v28;
	v30 =	vmul.f32 v25, v30;
	v33 =	vmul.f32 v63, v23  }
.LBB2_10:
0xc8: {  	v34 =	vld [tilespmem:s13+$0xFFFFFFE0];
	s19 =	sadd.s32 $0x40, s19;
	v24 =	vmul.f32 v24, v31;
	v31 =	vmul.f32 v11, v7;
	v32 =	vsub.f32 $1.500000000e+00, v32;
	[tilespmem:s10+$0xFFFFFFF0] =	vst v27;
	s10 =	smov.u32 s9;
	s9 =	smov.u32 s0  }
0xc9: {  	v22 =	vmul.f32 v16, v22;
	s0 =	smov.u32 s17;
	s17 =	smov.u32 s13;
	v27 =	vld [tilespmem:s13+$0x10];
	p2 =	slt.u32 s19, $0x26C0;
	v33 =	vsub.f32 $1.500000000e+00, v33;
	v35 =	vmul.f32 v21, v5;
	v5 =	vmovc v6;
	v6 =	vmovc v12  }
0xca: {  	v12 =	vsub.f32 $1.500000000e+00, v30;
	v36 =	vld [tilespmem:s13+$0x0];
	v30 =	vmul.f32 v24, v13;
	v32 =	vmul.f32 v32, v19  }
0xcb: {  	v22 =	vsub.f32 $1.500000000e+00, v22;
	v19 =	vmul.f32 v33, v23;
	v33 =	vmul.f32 v29, v8;
	v8 =	vmovc v11  }
0xcc: {  	v11 =	vmul.f32 v25, v12;
	v23 =	vsub.f32 $1.500000000e+00, v26;
	v29 =	vmul.f32 v31, v8;
	[tilespmem:s9+$0x10] =	vst v32  }
0xcd: {  	v25 =	vshrl.u32 v34, $0x1;
	v12 =	vmul.f32 $5.000000000e-01, v34;
	v34 =	vmul.f32 v10, v20;
	v20 =	vmovc v22;
	v10 =	vmovc v16  }
0xce: {  	v26 =	vmul.f32 v35, v21;
	v32 =	vmul.f32 v19, v17;
	v16 =	vsub.s32 $0x5F3759DF, v25;
	v25 =	vld [tilespmem:s13+$0xFFFFFFF0]  }
0xcf: {  	v22 =	vshrl.u32 v27, $0x1;
	v17 =	vmul.f32 $5.000000000e-01, v27;
	v27 =	vmul.f32 v28, v14;
	v14 =	vmovc v24  }
0xd0: {  	v28 =	vmul.f32 $5.000000000e-01, v36;
	v31 =	vsub.s32 $0x5F3759DF, v22;
	v35 =	vmul.f32 v34, v5  }
0xd1: {  	v24 =	vshrl.u32 v36, $0x1;
	v36 =	vmul.f32 v31, v17;
	v37 =	vmul.f32 v27, v9;
	v9 =	vmovc v13  }
0xd2: {  	v38 =	vmul.f32 v33, v4;
	v4 =	vmovc v7;
	v22 =	vmul.f32 v16, v12;
	v24 =	vsub.s32 $0x5F3759DF, v24;
	v13 =	vmovc v28  }
0xd3: {  	v23 =	vmul.f32 v23, v18;
	v7 =	vmovc v15;
	v18 =	vmovc v27;
	v36 =	vmul.f32 v31, v36;
	v28 =	vshrl.u32 v25, $0x1  }
0xd4: {  	v26 =	vsub.f32 $1.500000000e+00, v26;
	v35 =	vmul.f32 v35, v34;
	v27 =	vmul.f32 v24, v13  }
0xd5: {  	v39 =	vmul.f32 v30, v14;
	v15 =	vmul.f32 $5.000000000e-01, v25;
	v36 =	vsub.f32 $1.500000000e+00, v36;
	[tilespmem:s10+$0x0] =	vst v23  }
0xd6: {  	v30 =	vmul.f32 v38, v33;
	v35 =	vsub.f32 $1.500000000e+00, v35;
	v27 =	vmul.f32 v24, v27  }
.Ltmp6:
0xd7: {  	v21 =	vmul.f32 v26, v21;
	v25 =	vsub.s32 $0x5F3759DF, v28;
	v23 =	vmul.f32 v31, v36;
	(pc) =	sbr.rel @p2 .LBB2_10-.Ltmp6, $4  }
0xd8: {  	v26 =	vmul.f32 v37, v18;
	v28 =	vmul.f32 v25, v15;
	v36 =	vsub.f32 $1.500000000e+00, v30  }
0xd9: {  	v32 =	vmul.f32 v32, v19;
	v31 =	vsub.f32 $1.500000000e+00, v27;
	v37 =	vmul.f32 v23, v17;
	[tilespmem:s10+$0xFFFFFFE0] =	vst v21  }
0xda: {  	v29 =	vsub.f32 $1.500000000e+00, v29;
	v30 =	vmul.f32 v25, v28;
	v27 =	vmul.f32 v36, v33  }
0xdb: {  	s13 =	sadd.s32 $0x40, s13;
	v28 =	vsub.f32 $1.500000000e+00, v39;
	v21 =	vmul.f32 v35, v34;
	v33 =	vmul.f32 v37, v23  }
0xdc: {  	v24 =	vmul.f32 v24, v31  }
0xdd: {  	v53 =	vmul.f32 v11, v7;
	v22 =	vmul.f32 v16, v22  }
0xde: {  	v32 =	vsub.f32 $1.500000000e+00, v32;
	v8 =	vmul.f32 v29, v8;
	v10 =	vmul.f32 v10, v20  }
0xdf: {  	v30 =	vsub.f32 $1.500000000e+00, v30;
	v5 =	vmul.f32 v21, v5;
	v14 =	vmul.f32 v28, v14  }
0xe0: {  	v56 =	vsub.f32 $1.500000000e+00, v26;
	v19 =	vmul.f32 v32, v19;
	v54 =	vmul.f32 v24, v13  }
0xe1: {  	v33 =	vsub.f32 $1.500000000e+00, v33;
	v25 =	vmul.f32 v25, v30;
	v55 =	vmul.f32 v53, v11  }
0xe2: {  	v57 =	vmul.f32 v10, v6;
	v4 =	vmul.f32 v8, v4  }
0xe3: {  	v18 =	vmul.f32 v56, v18;
	v23 =	vmul.f32 v33, v23  }
0xe4: {  	v22 =	vsub.f32 $1.500000000e+00, v22;
	v5 =	vmul.f32 v5, v21;
	v9 =	vmul.f32 v14, v9  }
0xe5: {  	v58 =	vmul.f32 v57, v10;
	v59 =	vmul.f32 v54, v24  }
0xe6: {  	v4 =	vmul.f32 v4, v8;
	v16 =	vmul.f32 v16, v22  }
0xe7: {  	v61 =	vsub.f32 $1.500000000e+00, v55;
	v62 =	vmul.f32 v25, v15;
	v17 =	vmul.f32 v23, v17  }
0xe8: {  	v5 =	vsub.f32 $1.500000000e+00, v5;
	v20 =	vsub.f32 $1.500000000e+00, v58;
	v60 =	vmul.f32 v16, v12  }
0xe9: {  	v4 =	vsub.f32 $1.500000000e+00, v4;
	v11 =	vmul.f32 v61, v11;
	v17 =	vmul.f32 v17, v23  }
0xea: {  	v63 =	vsub.f32 $1.500000000e+00, v59;
	v5 =	vmul.f32 v5, v21;
	v10 =	vmul.f32 v20, v10  }
0xeb: {  	v4 =	vmul.f32 v4, v8;
	v8 =	vsub.f32 $1.500000000e+00, v17;
	v17 =	vmul.f32 v60, v16  }
0xec: {  	v20 =	vmul.f32 v62, v25;
	v21 =	vmul.f32 v63, v24  }
0xed: {  	v9 =	vmul.f32 v9, v14;
	v7 =	vmul.f32 v11, v7;
	v17 =	vsub.f32 $1.500000000e+00, v17  }
0xee: {  	v6 =	vmul.f32 v10, v6;
	v20 =	vsub.f32 $1.500000000e+00, v20;
	v13 =	vmul.f32 v21, v13  }
0xef: {  	[tilespmem:s10+$0xFFFFFFF0] =	vst v27;
	v7 =	vmul.f32 v7, v11;
	v16 =	vmul.f32 v17, v16  }
0xf0: {  	[tilespmem:s0+$0x10] =	vst v19;
	v6 =	vmul.f32 v6, v10;
	v17 =	vmul.f32 v20, v25  }
0xf1: {  	[tilespmem:s9+$0x0] =	vst v18;
	v9 =	vsub.f32 $1.500000000e+00, v9;
	v8 =	vmul.f32 v8, v23;
	v12 =	vmul.f32 v16, v12  }
0xf2: {  	[tilespmem:s9+$0xFFFFFFE0] =	vst v5;
	v5 =	vsub.f32 $1.500000000e+00, v6;
	v6 =	vmul.f32 v13, v21;
	v13 =	vmul.f32 v17, v15  }
0xf3: {  	[tilespmem:s9+$0xFFFFFFF0] =	vst v4;
	v4 =	vmul.f32 v9, v14;
	v7 =	vsub.f32 $1.500000000e+00, v7;
	v9 =	vmul.f32 v12, v16  }
0xf4: {  	[tilespmem:s17+$0x10] =	vst v8;
	v5 =	vmul.f32 v5, v10;
	v6 =	vsub.f32 $1.500000000e+00, v6;
	v8 =	vmul.f32 v13, v17  }
0xf5: {  	[tilespmem:s0+$0x0] =	vst v4;
	v4 =	vmul.f32 v7, v11;
	v7 =	vsub.f32 $1.500000000e+00, v9  }
0xf6: {  	[tilespmem:s0+$0xFFFFFFE0] =	vst v5;
	v5 =	vmul.f32 v6, v21;
	v6 =	vsub.f32 $1.500000000e+00, v8  }
0xf7: {  	[tilespmem:s0+$0xFFFFFFF0] =	vst v4;
	v4 =	vmul.f32 v7, v16  }
0xf8: {  	[tilespmem:s17+$0x0] =	vst v5;
	v5 =	vmul.f32 v6, v17  }
0xf9: {  	[tilespmem:s17+$0xFFFFFFE0] =	vst v4  }
0xfa: {  	[tilespmem:s17+$0xFFFFFFF0] =	vst v5  }
0xfb: {  	v4 =	vld [tilespmem:$0x2700];
	_ =	sdelay $0x4  }
0xfc: {  	v5 =	vshrl.u32 v4, $0x1;
	v4 =	vmul.f32 $5.000000000e-01, v4  }
0xfd: {  	v5 =	vsub.s32 $0x5F3759DF, v5  }
0xfe: {  	v6 =	vmul.f32 v5, v4;
	_ =	sdelay $0x1  }
0xff: {  	v6 =	vmul.f32 v5, v6;
	_ =	sdelay $0x1  }
0x100: {  	v6 =	vsub.f32 $1.500000000e+00, v6;
	_ =	sdelay $0x1  }
0x101: {  	v5 =	vmul.f32 v5, v6;
	_ =	sdelay $0x1  }
0x102: {  	v6 =	vmul.f32 v5, v4;
	_ =	sdelay $0x1  }
0x103: {  	v6 =	vmul.f32 v6, v5;
	_ =	sdelay $0x1  }
0x104: {  	v6 =	vsub.f32 $1.500000000e+00, v6;
	_ =	sdelay $0x1  }
0x105: {  	v5 =	vmul.f32 v6, v5;
	_ =	sdelay $0x1  }
0x106: {  	v4 =	vmul.f32 v5, v4;
	_ =	sdelay $0x1  }
0x107: {  	v4 =	vmul.f32 v4, v5;
	_ =	sdelay $0x1  }
0x108: {  	v4 =	vsub.f32 $1.500000000e+00, v4;
	_ =	sdelay $0x1  }
0x109: {  	v4 =	vmul.f32 v4, v5;
	_ =	sdelay $0x1  }
0x10a: {  	s17 =	simm.s32 $0x5;
	[tilespmem:$0x2700] =	vst v4  }
0x10b: {  	_ =	swait.ge [sflag:s17], $0x2780  }
0x10c: {  	[sflag:s17] =	ssyncset.done $0x0  }
0x10d: {  	s19 =	simm.s32 $0x6;
	[sflag:s17] =	ssyncadd.s32 $0xFFFFD880  }
0x10e: {  	_ =	swait.ge [sflag:s19], $0x2780  }
0x10f: {  	[sflag:s19] =	ssyncset.done $0x0  }
0x110: {  	s1 =	simm.s32 $0x27A0;
	[sflag:s19] =	ssyncadd.s32 $0xFFFFD880  }
0x111: {  	s11 =	simm.s32 $0x20;
	v4 =	vld [tilespmem:s1+$0x10]  }
0x112: {  	v5 =	vld [tilespmem:s11+$0x10]  }
0x113: {  	v6 =	vld [tilespmem:s11+$0xFFFFFFE0]  }
0x114: {  	v7 =	vld [tilespmem:s1+$0xFFFFFFF0]  }
0x115: {  	v8 =	vld [tilespmem:s11+$0xFFFFFFF0]  }
0x116: {  	v9 =	vld [tilespmem:s1+$0x0]  }
0x117: {  	s9 =	simm.s32 $0x60;
	v10 =	vld [tilespmem:s11+$0x0]  }
0x118: {  	v14 =	vld [tilespmem:s9+$0x10];
	v5 =	vmul.f32 v5, v4  }
0x119: {  	v16 =	vld [tilespmem:s9+$0xFFFFFFE0]  }
0x11a: {  	s0 =	simm.s32 $0x4F20;
	v4 =	vld [tilespmem:s1+$0xFFFFFFE0];
	v7 =	vmul.f32 v8, v7;
	[tilespmem:s1+$0x10] =	vst v5  }
0x11b: {  	v8 =	vld [tilespmem:s0+$0x10]  }
0x11c: {  	[tilespmem:s1+$0xFFFFFFF0] =	vst v7;
	v11 =	vld [tilespmem:s11+$0x10]  }
0x11d: {  	v12 =	vld [tilespmem:s0+$0xFFFFFFF0]  }
0x11e: {  	s26 =	simm.s32 $0x27E0;
	v10 =	vmul.f32 v10, v9;
	v13 =	vld [tilespmem:s11+$0xFFFFFFF0]  }
0x11f: {  	v9 =	vld [tilespmem:s26+$0x10]  }
0x120: {  	v17 =	vld [tilespmem:s9+$0xFFFFFFF0];
	[tilespmem:s1+$0x0] =	vst v10  }
0x121: {  	v6 =	vmul.f32 v6, v4;
	v4 =	vld [tilespmem:s0+$0x0]  }
0x122: {  	v8 =	vmul.f32 v11, v8;
	v11 =	vld [tilespmem:s26+$0xFFFFFFF0]  }
0x123: {  	v5 =	vmul.f32 v5, v0;
	[tilespmem:s1+$0xFFFFFFE0] =	vst v6;
	v12 =	vmul.f32 v13, v12;
	v13 =	vld [tilespmem:s26+$0xFFFFFFE0]  }
0x124: {  	s10 =	simm.s32 $0x76A0;
	v9 =	vmul.f32 v14, v9;
	[tilespmem:s0+$0x10] =	vst v8;
	v8 =	vld [tilespmem:s26+$0x0]  }
0x125: {  	[tilespmem:s10+$0x10] =	vst v5;
	v5 =	vld [tilespmem:s9+$0x0]  }
0x126: {  	v7 =	vmul.f32 v7, v0;
	[tilespmem:s26+$0x10] =	vst v9;
	v15 =	vld [tilespmem:s0+$0xFFFFFFE0]  }
0x127: {  	v18 =	vld [tilespmem:s11+$0xFFFFFFE0];
	[tilespmem:s0+$0xFFFFFFF0] =	vst v12  }
0x128: {  	s17 =	simm.s32 $0x9E20;
	s19 =	simm.s32 $0x4F60;
	v19 =	vld [tilespmem:s9+$0x10];
	[tilespmem:s10+$0xFFFFFFF0] =	vst v7;
	v12 =	vmul.f32 v17, v11  }
0x129: {  	[tilespmem:s17+$0x10] =	vst v3;
	v17 =	vld [tilespmem:s19+$0x10]  }
0x12a: {  	v11 =	vld [tilespmem:s11+$0x0];
	v16 =	vmul.f32 v16, v13;
	[tilespmem:s26+$0xFFFFFFF0] =	vst v12;
	v8 =	vmul.f32 v5, v8  }
0x12b: {  	v7 =	vmul.f32 v6, v0;
	[tilespmem:s17+$0xFFFFFFF0] =	vst v3;
	v13 =	vld [tilespmem:s19+$0xFFFFFFF0]  }
0x12c: {  	v18 =	vmul.f32 v18, v15;
	v15 =	vmul.f32 v16, v0;
	v14 =	vld [tilespmem:s9+$0xFFFFFFF0];
	[tilespmem:s26+$0x0] =	vst v8  }
0x12d: {  	s12 =	simm.s32 $0x2820;
	s13 =	simm.s32 $0x9E20;
	s31 =	simm.s32 $0x60;
	[tilespmem:s26+$0xFFFFFFE0] =	vst v16;
	v5 =	vmul.f32 v10, v0;
	v10 =	vmul.f32 v12, v0;
	v12 =	vld [tilespmem:s19+$0x0]  }
0x12e: {  	s1 =	simm.s32 $0x76A0;
	s11 =	simm.s32 $0x40;
	[tilespmem:s0+$0xFFFFFFE0] =	vst v18;
	v6 =	vmul.f32 v8, v0;
	v8 =	vld [tilespmem:s19+$0xFFFFFFE0];
	v16 =	vmul.f32 v19, v17;
	s26 =	simm.s32 $0x4F60  }
.LBB2_12:
0x12f: {  	v17 =	vld [tilespmem:s12+$0x10];
	v9 =	vmul.f32 v9, v0;
	s9 =	sadd.s32 $0x40, s9;
	[tilespmem:s10+$0xFFFFFFE0] =	vst v7;
	v11 =	vmul.f32 v11, v4;
	v7 =	vmov v15  }
0x130: {  	s10 =	sadd.s32 $0x40, s10;
	v15 =	vld [tilespmem:s9+$0x10];
	[tilespmem:s19+$0x10] =	vst v16  }
0x131: {  	s17 =	sadd.s32 $0x40, s17;
	v16 =	vld [tilespmem:s9+$0xFFFFFFE0];
	v13 =	vmul.f32 v14, v13;
	[tilespmem:s10+$0x10] =	vst v9  }
0x132: {  	v14 =	vld [tilespmem:s12+$0xFFFFFFF0];
	[tilespmem:s17+$0x10] =	vst v3;
	v4 =	vmov v12  }
0x133: {  	s11 =	sadd.s32 $0x40, s11;
	v12 =	vld [tilespmem:s9+$0xFFFFFFF0];
	[tilespmem:s13+$0xFFFFFFE0] =	vst v3  }
0x134: {  	p2 =	slt.u32 s11, $0x26C0;
	v18 =	vld [tilespmem:s12+$0x0];
	[tilespmem:s19+$0xFFFFFFF0] =	vst v13  }
0x135: {  	v13 =	vld [tilespmem:s9+$0x0];
	v9 =	vmul.f32 v15, v17;
	[tilespmem:s10+$0xFFFFFFF0] =	vst v10  }
0x136: {  	v15 =	vld [tilespmem:s12+$0xFFFFFFE0];
	[tilespmem:s17+$0xFFFFFFF0] =	vst v3  }
0x137: {  	s19 =	sadd.s32 $0x40, s19;
	[tilespmem:s12+$0x10] =	vst v9;
	v17 =	vld [tilespmem:s31+$0xFFFFFFE0]  }
0x138: {  	v10 =	vmul.f32 v12, v14;
	v19 =	vld [tilespmem:s19+$0x10];
	[tilespmem:s0+$0x0] =	vst v11;
	s0 =	smov.u32 s26;
	s26 =	smov.u32 s19  }
0x139: {  	v20 =	vld [tilespmem:s9+$0x10];
	[tilespmem:s1+$0x0] =	vst v5;
	v5 =	vmov v6;
	s1 =	smov.u32 s10  }
.Ltmp7:
0x13a: {  	[tilespmem:s12+$0xFFFFFFF0] =	vst v10;
	v10 =	vmul.f32 v10, v0;
	v6 =	vmul.f32 v13, v18;
	v11 =	vld [tilespmem:s31+$0x0];
	s31 =	smov.u32 s9;
	(pc) =	sbr.rel @p2 .LBB2_12-.Ltmp7, $4  }
0x13b: {  	v12 =	vmul.f32 v16, v15;
	v13 =	vld [tilespmem:s19+$0xFFFFFFF0];
	[tilespmem:s13+$0x0] =	vst v3;
	s13 =	smov.u32 s17  }
0x13c: {  	v14 =	vld [tilespmem:s9+$0xFFFFFFF0];
	[tilespmem:s12+$0x0] =	vst v6;
	v6 =	vmul.f32 v6, v0;
	v17 =	vmul.f32 v17, v8  }
0x13d: {  	[tilespmem:s12+$0xFFFFFFE0] =	vst v12;
	v15 =	vmul.f32 v12, v0;
	v12 =	vld [tilespmem:s19+$0x0]  }
0x13e: {  	s12 =	sadd.s32 $0x40, s12;
	v8 =	vld [tilespmem:s19+$0xFFFFFFE0];
	v16 =	vmul.f32 v20, v19;
	[tilespmem:s0+$0xFFFFFFE0] =	vst v17  }
0x13f: {  	[tilespmem:s10+$0xFFFFFFE0] =	vst v7  }
0x140: {  	v9 =	vmul.f32 v9, v0;
	[tilespmem:s19+$0x10] =	vst v16  }
0x141: {  	s9 =	sadd.s32 $0x40, s10;
	v4 =	vmul.f32 v11, v4;
	[tilespmem:s13+$0xFFFFFFE0] =	vst v3  }
0x142: {  	[tilespmem:s9+$0x10] =	vst v9  }
0x143: {  	s17 =	sadd.s32 $0x40, s17;
	v61 =	vld [tilespmem:s31+$0xFFFFFFE0];
	[tilespmem:s0+$0x0] =	vst v4  }
0x144: {  	v60 =	vmul.f32 v14, v13;
	[tilespmem:s17+$0x10] =	vst v3  }
0x145: {  	[tilespmem:s1+$0x0] =	vst v5  }
0x146: {  	v62 =	vld [tilespmem:s31+$0x0];
	[tilespmem:s19+$0xFFFFFFF0] =	vst v60  }
0x147: {  	[tilespmem:s13+$0x0] =	vst v3  }
0x148: {  	[tilespmem:s9+$0xFFFFFFF0] =	vst v10;
	v4 =	vmul.f32 v61, v8  }
0x149: {  	[tilespmem:s17+$0xFFFFFFF0] =	vst v3  }
0x14a: {  	[tilespmem:s26+$0xFFFFFFE0] =	vst v4  }
0x14b: {  	v4 =	vmul.f32 v62, v12;
	[tilespmem:s9+$0xFFFFFFE0] =	vst v15  }
0x14c: {  	[tilespmem:s17+$0xFFFFFFE0] =	vst v3  }
0x14d: {  	[tilespmem:s26+$0x0] =	vst v4  }
0x14e: {  	[tilespmem:s9+$0x0] =	vst v6  }
0x14f: {  	[tilespmem:s17+$0x0] =	vst v3  }
0x150: {  	v4 =	vld [tilespmem:$0x4E80]  }
0x151: {  	v5 =	vld [tilespmem:$0x2700]  }
0x152: {  	v6 =	vld [tilespmem:$0x7600]  }
0x153: {  	v63 =	vld [tilespmem:$0x2700];
	_ =	sdelay $0x3  }
0x154: {  	v4 =	vmul.f32 v5, v4  }
0x155: {  	[tilespmem:$0xC500] =	vst v3;
	v5 =	vmul.f32 v63, v6  }
0x156: {  	[tilespmem:$0x4E80] =	vst v4;
	v4 =	vmul.f32 v4, v0  }
.Ltmp8:
0x157: {  	[tilespmem:$0x7600] =	vst v5;
	(pc) =	sbr.rel .LBB2_14-.Ltmp8, $4  }
0x158: {  	s19 =	simm.s32 $0xC580;
	s9 =	simm.s32 $0x0;
	s0 =	rddreg [dreg:$0x6];
	[tilespmem:$0x9D80] =	vst v4  }
0x159: {  	[tilespmem:s19], [sflag:$0x1] =	stream.linear.gather [hbm4b:s0+s9], $0xFA0, $0x38;
	[tilespmem:$0x10600] =	vst v63  }
0x15a: {  	s31 =	simm.s32 $0xE580;
	s26 =	rddreg [dreg:$0x7]  }
0x15b: {  	[tilespmem:s31], [sflag:$0x3] =	stream.linear.gather [hbm4b:s26+s9], $0xFA0, $0x38;
	[tilespmem:$0x10600] =	vst v63  }
.LBB2_28:
0x15c: {  	s9 =	sadd.s32 $0x1, s9  }
0x15d: {  	p2 =	sne.s32 s9, $0xF  }
.Ltmp9:
0x15e: {  	_ = 	snop;
	(pc) =	sbr.rel @!p2 .LBB2_29-.Ltmp9, $1  }
0x15f: {  	_ =	sdelay $0x3  }
.LBB2_14:
0x160: {  	s0 =	sshllo.u32 s9, $0x1  }
0x161: {  	s1 =	smul.u32 $0xFA0, s0;
	s10 =	ssub.s32 s0, s8  }
0x162: {  	s10 =	smul.u32 $0xFA0, s10  }
0x163: {  	p2 =	slt.u32 s0, s8;
	s1 =	sadd.s32 s7, s1  }
0x164: {  	s10 =	smov.u32 @p2 s1  }
0x165: {  	s1 =	sshrl.u32 s10, $0x3  }
0x166: {  	s10 =	sadd.s32 s3, s1  }
0x167: {  	[tilespmem:s15], [sflag:$0x2] =	stream.linear.gather [hbm4b:s10+s2], $0xFA0, $0x38;
	[tilespmem:$0x10600] =	vst v63  }
0x168: {  	s1 =	sadd.s32 s4, s1;
	s10 =	sshll.u32 s9, $0x1  }
0x169: {  	[tilespmem:s28], [sflag:$0x4] =	stream.linear.gather [hbm4b:s1+s2], $0xFA0, $0x38;
	[tilespmem:$0x10600] =	vst v63  }
0x16a: {  	p2 =	sge.u32 s10, s8;
	_ =	swait.ge [sflag:s6], $0xFA0  }
.Ltmp10:
0x16b: {  	[sflag:s6] =	ssyncset.done $0x0;
	(pc) =	sbr.rel @p2 .LBB2_18-.Ltmp10, $4  }
0x16c: {  	[sflag:s6] =	ssyncadd.s32 $0xFFFFF060  }
0x16d: {  	_ =	swait.ge [sflag:s29], $0xFA0  }
0x16e: {  	[sflag:s29] =	ssyncset.done $0x0  }
0x16f: {  	s17 =	simm.s32 $0xE5A0;
	s1 =	simm.s32 $0xC5A0;
	[sflag:s29] =	ssyncadd.s32 $0xFFFFF060  }
0x170: {  	v4 =	vld [tilespmem:s1+$0x20]  }
0x171: {  	v5 =	vld [tilespmem:s1+$0xFFFFFFF0]  }
0x172: {  	v7 =	vld [tilespmem:s1+$0x0]  }
0x173: {  	v8 =	vld [tilespmem:s1+$0x10]  }
0x174: {  	v9 =	vld [tilespmem:s1+$0xFFFFFFE0];
	_ =	sdelay $0x1  }
0x175: {  	v10 =	vld [tilespmem:s17+$0x20]  }
0x176: {  	v11 =	vld [tilespmem:s17+$0xFFFFFFE0]  }
0x177: {  	v12 =	vld.idx.msk [tilespmem:v4+s22+$0x0], $0xffff  }
0x178: {  	v6 =	vld.idx.msk [tilespmem:v5+s22+$0x0], $0xffff  }
0x179: {  	v4 =	vld.idx.msk [tilespmem:v7+s22+$0x0], $0xffff  }
0x17a: {  	v5 =	vld.idx.msk [tilespmem:v8+s22+$0x0], $0xffff  }
0x17b: {  	v13 =	vld.idx.msk [tilespmem:v9+s22+$0x0], $0xffff  }
0x17c: {  	v9 =	vld [tilespmem:s17+$0x0]  }
0x17d: {  	v8 =	vld [tilespmem:s17+$0x10]  }
0x17e: {  	v7 =	vld [tilespmem:s17+$0xFFFFFFF0]  }
0x17f: {  	[tilespmem:v10+s16+$0x0] =	vst.idx.add.f32.msk $0xffff, v12  }
0x180: {  	s1 =	simm.s32 $0x0;
	s11 =	simm.s32 $0xC5F0;
	[tilespmem:v11+s16+$0x0] =	vst.idx.add.f32.msk $0xffff, v13  }
.LBB2_16:
0x181: {  	v10 =	vld [tilespmem:s11+$0x20];
	s1 =	sadd.s32 $0x50, s1;
	v11 =	vmov v9  }
0x182: {  	v9 =	vld [tilespmem:s11+$0xFFFFFFF0];
	p2 =	slt.u32 s1, $0xF50;
	v12 =	vmov v8  }
0x183: {  	v8 =	vld [tilespmem:s11+$0x0]  }
0x184: {  	v13 =	vld [tilespmem:s11+$0x10]  }
0x185: {  	v14 =	vld [tilespmem:s11+$0xFFFFFFE0]  }
0x186: {  	s17 =	sadd.s32 $0x50, s17;
	[tilespmem:v7+s16+$0x0] =	vst.idx.add.f32.msk $0xffff, v6  }
0x187: {  	v15 =	vld [tilespmem:s17+$0x20]  }
0x188: {  	v16 =	vld [tilespmem:s17+$0xFFFFFFE0]  }
0x189: {  	v10 =	vld.idx.msk [tilespmem:v10+s22+$0x0], $0xffff  }
0x18a: {  	v6 =	vld.idx.msk [tilespmem:v9+s22+$0x0], $0xffff  }
0x18b: {  	v17 =	vld.idx.msk [tilespmem:v8+s22+$0x0], $0xffff  }
0x18c: {  	v13 =	vld.idx.msk [tilespmem:v13+s22+$0x0], $0xffff  }
0x18d: {  	v14 =	vld.idx.msk [tilespmem:v14+s22+$0x0], $0xffff  }
0x18e: {  	v7 =	vld [tilespmem:s17+$0xFFFFFFF0]  }
0x18f: {  	[tilespmem:v15+s16+$0x0] =	vst.idx.add.f32.msk $0xffff, v10  }
.Ltmp11:
0x190: {  	v9 =	vld [tilespmem:s17+$0x0];
	(pc) =	sbr.rel @p2 .LBB2_16-.Ltmp11, $4  }
0x191: {  	v8 =	vld [tilespmem:s17+$0x10]  }
0x192: {  	[tilespmem:v11+s16+$0x0] =	vst.idx.add.f32.msk $0xffff, v4;
	v4 =	vmov v17  }
0x193: {  	[tilespmem:v16+s16+$0x0] =	vst.idx.add.f32.msk $0xffff, v14  }
0x194: {  	s11 =	sadd.s32 $0x50, s11;
	[tilespmem:v12+s16+$0x0] =	vst.idx.add.f32.msk $0xffff, v5;
	v5 =	vmov v13  }
0x195: {  	_ =	sdelay $0x1  }
.Ltmp12:
0x196: {  	_ = 	snop;
	(pc) =	sbr.rel .LBB2_21-.Ltmp12, $4  }
0x197: {  	_ = 	snop  }
0x198: {  	[tilespmem:v7+s16+$0x0] =	vst.idx.add.f32.msk $0xffff, v6  }
0x199: {  	[tilespmem:v9+s16+$0x0] =	vst.idx.add.f32.msk $0xffff, v4  }
0x19a: {  	[tilespmem:v8+s16+$0x0] =	vst.idx.add.f32.msk $0xffff, v5  }
.LBB2_18:
0x19b: {  	v4 =	vld [tilespmem:s1+$0x20]  }
0x19c: {  	v5 =	vld [tilespmem:s1+$0xFFFFFFF0]  }
0x19d: {  	v7 =	vld [tilespmem:s1+$0x0]  }
0x19e: {  	v8 =	vld [tilespmem:s1+$0x10]  }
0x19f: {  	v9 =	vld [tilespmem:s1+$0xFFFFFFE0];
	_ =	sdelay $0x1  }
0x1a0: {  	v10 =	vld [tilespmem:s17+$0x20]  }
0x1a1: {  	v11 =	vld [tilespmem:s17+$0xFFFFFFE0]  }
0x1a2: {  	v12 =	vld.idx.msk [tilespmem:v4+s23+$0x0], $0xffff  }
0x1a3: {  	v6 =	vld.idx.msk [tilespmem:v5+s23+$0x0], $0xffff  }
0x1a4: {  	v4 =	vld.idx.msk [tilespmem:v7+s23+$0x0], $0xffff  }
0x1a5: {  	v5 =	vld.idx.msk [tilespmem:v8+s23+$0x0], $0xffff  }
0x1a6: {  	v13 =	vld.idx.msk [tilespmem:v9+s23+$0x0], $0xffff  }
0x1a7: {  	v9 =	vld [tilespmem:s17+$0x0]  }
0x1a8: {  	v8 =	vld [tilespmem:s17+$0x10]  }
0x1a9: {  	v7 =	vld [tilespmem:s17+$0xFFFFFFF0]  }
0x1aa: {  	[tilespmem:v10+s24+$0x0] =	vst.idx.add.f32.msk $0xffff, v12  }
0x1ab: {  	s1 =	simm.s32 $0x0;
	s11 =	simm.s32 $0xC5F0;
	[tilespmem:v11+s24+$0x0] =	vst.idx.add.f32.msk $0xffff, v13  }
.LBB2_19:
0x1ac: {  	v10 =	vld [tilespmem:s11+$0x20];
	s1 =	sadd.s32 $0x50, s1;
	v11 =	vmov v9  }
0x1ad: {  	v9 =	vld [tilespmem:s11+$0xFFFFFFF0];
	p2 =	slt.u32 s1, $0xF50;
	v12 =	vmov v8  }
0x1ae: {  	v8 =	vld [tilespmem:s11+$0x0]  }
0x1af: {  	v13 =	vld [tilespmem:s11+$0x10]  }
0x1b0: {  	v14 =	vld [tilespmem:s11+$0xFFFFFFE0]  }
0x1b1: {  	s17 =	sadd.s32 $0x50, s17;
	[tilespmem:v7+s24+$0x0] =	vst.idx.add.f32.msk $0xffff, v6  }
0x1b2: {  	v15 =	vld [tilespmem:s17+$0x20]  }
0x1b3: {  	v16 =	vld [tilespmem:s17+$0xFFFFFFE0]  }
0x1b4: {  	v10 =	vld.idx.msk [tilespmem:v10+s23+$0x0], $0xffff  }
0x1b5: {  	v6 =	vld.idx.msk [tilespmem:v9+s23+$0x0], $0xffff  }
0x1b6: {  	v17 =	vld.idx.msk [tilespmem:v8+s23+$0x0], $0xffff  }
0x1b7: {  	v13 =	vld.idx.msk [tilespmem:v13+s23+$0x0], $0xffff  }
0x1b8: {  	v14 =	vld.idx.msk [tilespmem:v14+s23+$0x0], $0xffff  }
0x1b9: {  	v7 =	vld [tilespmem:s17+$0xFFFFFFF0]  }
0x1ba: {  	[tilespmem:v15+s24+$0x0] =	vst.idx.add.f32.msk $0xffff, v10  }
.Ltmp13:
0x1bb: {  	v9 =	vld [tilespmem:s17+$0x0];
	(pc) =	sbr.rel @p2 .LBB2_19-.Ltmp13, $4  }
0x1bc: {  	v8 =	vld [tilespmem:s17+$0x10]  }
0x1bd: {  	[tilespmem:v11+s24+$0x0] =	vst.idx.add.f32.msk $0xffff, v4;
	v4 =	vmov v17  }
0x1be: {  	[tilespmem:v16+s24+$0x0] =	vst.idx.add.f32.msk $0xffff, v14  }
0x1bf: {  	s11 =	sadd.s32 $0x50, s11;
	[tilespmem:v12+s24+$0x0] =	vst.idx.add.f32.msk $0xffff, v5;
	v5 =	vmov v13  }
0x1c0: {  	_ =	sdelay $0x3  }
0x1c1: {  	[tilespmem:v7+s24+$0x0] =	vst.idx.add.f32.msk $0xffff, v6  }
0x1c2: {  	[tilespmem:v9+s24+$0x0] =	vst.idx.add.f32.msk $0xffff, v4  }
0x1c3: {  	[tilespmem:v8+s24+$0x0] =	vst.idx.add.f32.msk $0xffff, v5  }
.LBB2_21:
0x1c4: {  	p2 =	seq.s32 s9, $0xE  }
0x1c5: {  	s1 =	sadd.s32 @!p2 $0x2, s10  }
0x1c6: {  	s10 =	smul.u32 @!p2 $0xFA0, s1;
	s11 =	ssub.s32 @!p2 s1, s8  }
0x1c7: {  	p3 =	slt.u32 @!p2 s1, s8;
	s1 =	smul.u32 @!p2 $0xFA0, s11  }
0x1c8: {  	p3 =	por !p3, p2;
	s10 =	sadd.s32 @!p2 s7, s10  }
0x1c9: {  	s10 =	smov.u32 @p3 s1  }
0x1ca: {  	s1 =	sshrl.u32 @!p2 s10, $0x3  }
0x1cb: {  	s12 =	simm.s32 @!p2 $0xC580;
	s11 =	simm.s32 @!p2 $0x0;
	s10 =	sadd.s32 @!p2 s3, s1  }
0x1cc: {  	[tilespmem:s12], [sflag:$0x1] =	stream.linear.gather @!p2 [hbm4b:s10+s11], $0xFA0, $0x38;
	[tilespmem:$0x10600] =	vst v63  }
0x1cd: {  	s1 =	sadd.s32 @!p2 s4, s1;
	s10 =	simm.s32 @!p2 $0xE580  }
0x1ce: {  	[tilespmem:s10], [sflag:$0x3] =	stream.linear.gather @!p2 [hbm4b:s1+s11], $0xFA0, $0x38;
	[tilespmem:$0x10600] =	vst v63  }
0x1cf: {  	p2 =	sge.u32 s0, s8;
	_ =	swait.ge [sflag:s18], $0xFA0  }
.Ltmp14:
0x1d0: {  	[sflag:s18] =	ssyncset.done $0x0;
	(pc) =	sbr.rel @p2 .LBB2_25-.Ltmp14, $4  }
0x1d1: {  	[sflag:s18] =	ssyncadd.s32 $0xFFFFF060  }
0x1d2: {  	_ =	swait.ge [sflag:s30], $0xFA0  }
0x1d3: {  	[sflag:s30] =	ssyncset.done $0x0  }
0x1d4: {  	s1 =	simm.s32 $0xD5A0;
	s0 =	simm.s32 $0xF5A0;
	[sflag:s30] =	ssyncadd.s32 $0xFFFFF060  }
0x1d5: {  	v4 =	vld [tilespmem:s1+$0x20]  }
0x1d6: {  	v5 =	vld [tilespmem:s1+$0xFFFFFFF0]  }
0x1d7: {  	v7 =	vld [tilespmem:s1+$0x0]  }
0x1d8: {  	v8 =	vld [tilespmem:s1+$0x10]  }
0x1d9: {  	v9 =	vld [tilespmem:s1+$0xFFFFFFE0];
	_ =	sdelay $0x1  }
0x1da: {  	v10 =	vld [tilespmem:s0+$0x20]  }
0x1db: {  	v11 =	vld [tilespmem:s0+$0xFFFFFFE0]  }
0x1dc: {  	v12 =	vld.idx.msk [tilespmem:v4+s22+$0x0], $0xffff  }
0x1dd: {  	v6 =	vld.idx.msk [tilespmem:v5+s22+$0x0], $0xffff  }
0x1de: {  	v4 =	vld.idx.msk [tilespmem:v7+s22+$0x0], $0xffff  }
0x1df: {  	v5 =	vld.idx.msk [tilespmem:v8+s22+$0x0], $0xffff  }
0x1e0: {  	v13 =	vld.idx.msk [tilespmem:v9+s22+$0x0], $0xffff  }
0x1e1: {  	v9 =	vld [tilespmem:s0+$0x0]  }
0x1e2: {  	v8 =	vld [tilespmem:s0+$0x10]  }
0x1e3: {  	v7 =	vld [tilespmem:s0+$0xFFFFFFF0]  }
0x1e4: {  	[tilespmem:v10+s16+$0x0] =	vst.idx.add.f32.msk $0xffff, v12  }
0x1e5: {  	s1 =	simm.s32 $0x0;
	s10 =	simm.s32 $0xD5F0;
	[tilespmem:v11+s16+$0x0] =	vst.idx.add.f32.msk $0xffff, v13  }
.LBB2_23:
0x1e6: {  	v10 =	vld [tilespmem:s10+$0x20];
	s1 =	sadd.s32 $0x50, s1;
	v11 =	vmov v9  }
0x1e7: {  	v9 =	vld [tilespmem:s10+$0xFFFFFFF0];
	p2 =	slt.u32 s1, $0xF50;
	v12 =	vmov v8  }
0x1e8: {  	v8 =	vld [tilespmem:s10+$0x0]  }
0x1e9: {  	v13 =	vld [tilespmem:s10+$0x10]  }
0x1ea: {  	v14 =	vld [tilespmem:s10+$0xFFFFFFE0]  }
0x1eb: {  	s0 =	sadd.s32 $0x50, s0;
	[tilespmem:v7+s16+$0x0] =	vst.idx.add.f32.msk $0xffff, v6  }
0x1ec: {  	v15 =	vld [tilespmem:s0+$0x20]  }
0x1ed: {  	v16 =	vld [tilespmem:s0+$0xFFFFFFE0]  }
0x1ee: {  	v10 =	vld.idx.msk [tilespmem:v10+s22+$0x0], $0xffff  }
0x1ef: {  	v6 =	vld.idx.msk [tilespmem:v9+s22+$0x0], $0xffff  }
0x1f0: {  	v17 =	vld.idx.msk [tilespmem:v8+s22+$0x0], $0xffff  }
0x1f1: {  	v13 =	vld.idx.msk [tilespmem:v13+s22+$0x0], $0xffff  }
0x1f2: {  	v14 =	vld.idx.msk [tilespmem:v14+s22+$0x0], $0xffff  }
0x1f3: {  	v7 =	vld [tilespmem:s0+$0xFFFFFFF0]  }
0x1f4: {  	[tilespmem:v15+s16+$0x0] =	vst.idx.add.f32.msk $0xffff, v10  }
.Ltmp15:
0x1f5: {  	v9 =	vld [tilespmem:s0+$0x0];
	(pc) =	sbr.rel @p2 .LBB2_23-.Ltmp15, $4  }
0x1f6: {  	v8 =	vld [tilespmem:s0+$0x10]  }
0x1f7: {  	[tilespmem:v11+s16+$0x0] =	vst.idx.add.f32.msk $0xffff, v4;
	v4 =	vmov v17  }
0x1f8: {  	[tilespmem:v16+s16+$0x0] =	vst.idx.add.f32.msk $0xffff, v14  }
0x1f9: {  	s10 =	sadd.s32 $0x50, s10;
	[tilespmem:v12+s16+$0x0] =	vst.idx.add.f32.msk $0xffff, v5;
	v5 =	vmov v13  }
0x1fa: {  	_ =	sdelay $0x1  }
.Ltmp16:
0x1fb: {  	_ = 	snop;
	(pc) =	sbr.rel .LBB2_28-.Ltmp16, $4  }
0x1fc: {  	_ = 	snop  }
0x1fd: {  	[tilespmem:v7+s16+$0x0] =	vst.idx.add.f32.msk $0xffff, v6  }
0x1fe: {  	[tilespmem:v9+s16+$0x0] =	vst.idx.add.f32.msk $0xffff, v4  }
0x1ff: {  	[tilespmem:v8+s16+$0x0] =	vst.idx.add.f32.msk $0xffff, v5  }
.LBB2_25:
0x200: {  	v4 =	vld [tilespmem:s1+$0x20]  }
0x201: {  	v5 =	vld [tilespmem:s1+$0xFFFFFFF0]  }
0x202: {  	v7 =	vld [tilespmem:s1+$0x0]  }
0x203: {  	v8 =	vld [tilespmem:s1+$0x10]  }
0x204: {  	v9 =	vld [tilespmem:s1+$0xFFFFFFE0];
	_ =	sdelay $0x1  }
0x205: {  	v10 =	vld [tilespmem:s0+$0x20]  }
0x206: {  	v11 =	vld [tilespmem:s0+$0xFFFFFFE0]  }
0x207: {  	v12 =	vld.idx.msk [tilespmem:v4+s23+$0x0], $0xffff  }
0x208: {  	v6 =	vld.idx.msk [tilespmem:v5+s23+$0x0], $0xffff  }
0x209: {  	v4 =	vld.idx.msk [tilespmem:v7+s23+$0x0], $0xffff  }
0x20a: {  	v5 =	vld.idx.msk [tilespmem:v8+s23+$0x0], $0xffff  }
0x20b: {  	v13 =	vld.idx.msk [tilespmem:v9+s23+$0x0], $0xffff  }
0x20c: {  	v9 =	vld [tilespmem:s0+$0x0]  }
0x20d: {  	v8 =	vld [tilespmem:s0+$0x10]  }
0x20e: {  	v7 =	vld [tilespmem:s0+$0xFFFFFFF0]  }
0x20f: {  	[tilespmem:v10+s24+$0x0] =	vst.idx.add.f32.msk $0xffff, v12  }
0x210: {  	s1 =	simm.s32 $0x0;
	s10 =	simm.s32 $0xD5F0;
	[tilespmem:v11+s24+$0x0] =	vst.idx.add.f32.msk $0xffff, v13  }
.LBB2_26:
0x211: {  	v10 =	vld [tilespmem:s10+$0x20];
	s1 =	sadd.s32 $0x50, s1;
	v11 =	vmov v9  }
0x212: {  	v9 =	vld [tilespmem:s10+$0xFFFFFFF0];
	p2 =	slt.u32 s1, $0xF50;
	v12 =	vmov v8  }
0x213: {  	v8 =	vld [tilespmem:s10+$0x0]  }
0x214: {  	v13 =	vld [tilespmem:s10+$0x10]  }
0x215: {  	v14 =	vld [tilespmem:s10+$0xFFFFFFE0]  }
0x216: {  	s0 =	sadd.s32 $0x50, s0;
	[tilespmem:v7+s24+$0x0] =	vst.idx.add.f32.msk $0xffff, v6  }
0x217: {  	v15 =	vld [tilespmem:s0+$0x20]  }
0x218: {  	v16 =	vld [tilespmem:s0+$0xFFFFFFE0]  }
0x219: {  	v10 =	vld.idx.msk [tilespmem:v10+s23+$0x0], $0xffff  }
0x21a: {  	v6 =	vld.idx.msk [tilespmem:v9+s23+$0x0], $0xffff  }
0x21b: {  	v17 =	vld.idx.msk [tilespmem:v8+s23+$0x0], $0xffff  }
0x21c: {  	v13 =	vld.idx.msk [tilespmem:v13+s23+$0x0], $0xffff  }
0x21d: {  	v14 =	vld.idx.msk [tilespmem:v14+s23+$0x0], $0xffff  }
0x21e: {  	v7 =	vld [tilespmem:s0+$0xFFFFFFF0]  }
0x21f: {  	[tilespmem:v15+s24+$0x0] =	vst.idx.add.f32.msk $0xffff, v10  }
.Ltmp17:
0x220: {  	v9 =	vld [tilespmem:s0+$0x0];
	(pc) =	sbr.rel @p2 .LBB2_26-.Ltmp17, $4  }
0x221: {  	v8 =	vld [tilespmem:s0+$0x10]  }
0x222: {  	[tilespmem:v11+s24+$0x0] =	vst.idx.add.f32.msk $0xffff, v4;
	v4 =	vmov v17  }
0x223: {  	[tilespmem:v16+s24+$0x0] =	vst.idx.add.f32.msk $0xffff, v14  }
0x224: {  	s10 =	sadd.s32 $0x50, s10;
	[tilespmem:v12+s24+$0x0] =	vst.idx.add.f32.msk $0xffff, v5;
	v5 =	vmov v13  }
0x225: {  	_ =	sdelay $0x1  }
.Ltmp18:
0x226: {  	_ = 	snop;
	(pc) =	sbr.rel .LBB2_28-.Ltmp18, $4  }
0x227: {  	_ = 	snop  }
0x228: {  	[tilespmem:v7+s24+$0x0] =	vst.idx.add.f32.msk $0xffff, v6  }
0x229: {  	[tilespmem:v9+s24+$0x0] =	vst.idx.add.f32.msk $0xffff, v4  }
0x22a: {  	[tilespmem:v8+s24+$0x0] =	vst.idx.add.f32.msk $0xffff, v5  }
.LBB2_29:
.Ltmp19:
0x22b: {  	(pc) =	sbr.rel @p0 .LBB2_57-.Ltmp19, $1  }
0x22c: {  	_ =	sdelay $0x3  }
0x22d: {  	s0 =	simm.s32 @!p1 $0x80  }
0x22e: {  	s1 =	simm.s32 @!p1 $0x400;
	s9 =	simm.s32 @!p1 $0x9E00;
	s10 =	rddreg [dreg:$0x8]  }
0x22f: {  	[hbm4b:s10+s0] =	stream.strided.scatter @!p1 [tilespmem:s9], [sflag:$0x7], $0x2780, s1, s0, $0x38;
	[tilespmem:$0x10600] =	vst v63  }
0x230: {  	s0 =	simm.s32 @!p1 $0x7  }
0x231: {  	_ =	swait.ge @!p1 [sflag:s0], $0x2780  }
0x232: {  	[sflag:s0] =	ssyncset.done @!p1 $0x0  }
0x233: {  	[sflag:s0] =	ssyncadd.s32 @!p1 $0xFFFFD880  }
0x234: {  	s31 =	simm.s32 $0x10580;
	[bflag:$0x0] =	sbarrier.arrive $0xFFFF  }
0x235: {  	v4 =	vld.idx.msk [tilespmem:v1+s31+$0x0], $0xffff;
	[tilespmem:s24], [sflag:$0x7] =	stream.strided.gather [hbm4b:s14+s20], $0x2780, s21, s20, $0x38  }
0x236: {  	_ =	swait.ge [sflag:s25], $0x2780  }
0x237: {  	[sflag:s25] =	ssyncset.done $0x0  }
0x238: {  	s0 =	simm.s32 $0x76A0;
	[sflag:s25] =	ssyncadd.s32 $0xFFFFD880  }
0x239: {  	s1 =	simm.s32 $0x9E20;
	v7 =	vld [tilespmem:s0+$0x10]  }
0x23a: {  	v8 =	vld [tilespmem:s1+$0x10]  }
0x23b: {  	s9 =	simm.s32 $0x20;
	v5 =	vld [tilespmem:s1+$0xFFFFFFE0]  }
0x23c: {  	v10 =	vld [tilespmem:s9+$0x10]  }
0x23d: {  	v11 =	vld [tilespmem:s0+$0xFFFFFFF0]  }
0x23e: {  	v12 =	vld [tilespmem:s1+$0xFFFFFFF0]  }
0x23f: {  	v6 =	vld [tilespmem:s0+$0x0];
	v7 =	vadd.f32 v8, v7  }
0x240: {  	v8 =	vld [tilespmem:s1+$0x0]  }
0x241: {  	v9 =	vld [tilespmem:s0+$0xFFFFFFE0];
	v13 =	vmul.f32 v10, v7  }
0x242: {  	v7 =	vld [tilespmem:s9+$0xFFFFFFE0]  }
0x243: {  	v10 =	vld [tilespmem:s9+$0xFFFFFFF0];
	v13 =	vadd.f32 v13, v4  }
0x244: {  	s11 =	simm.s32 $0x76E0;
	s10 =	simm.s32 $0x0;
	v11 =	vadd.f32 v12, v11;
	v12 =	vld [tilespmem:s9+$0x0]  }
.LBB2_31:
0x245: {  	v14 =	vld [tilespmem:s11+$0x10];
	v6 =	vadd.f32 v8, v6;
	v8 =	vmax.f32 v13, $0.0e+00;
	s1 =	sadd.s32 $0x40, s1  }
0x246: {  	s10 =	sadd.s32 $0x40, s10;
	v13 =	vld [tilespmem:s1+$0x10];
	v9 =	vadd.f32 v5, v9;
	[tilespmem:s0+$0x10] =	vst v8  }
0x247: {  	s9 =	sadd.s32 $0x40, s9;
	p2 =	slt.u32 s10, $0x26C0;
	v5 =	vld [tilespmem:s1+$0xFFFFFFE0]  }
0x248: {  	v15 =	vld [tilespmem:s9+$0x10];
	v7 =	vmul.f32 v7, v9;
	v8 =	vmul.f32 v10, v11  }
0x249: {  	v10 =	vld [tilespmem:s11+$0xFFFFFFF0];
	v9 =	vmul.f32 v12, v6  }
0x24a: {  	v11 =	vld [tilespmem:s1+$0xFFFFFFF0];
	v7 =	vadd.f32 v7, v4;
	v12 =	vadd.f32 v8, v4  }
0x24b: {  	v6 =	vld [tilespmem:s11+$0x0];
	v13 =	vadd.f32 v13, v14;
	v14 =	vadd.f32 v9, v4  }
.Ltmp20:
0x24c: {  	v8 =	vld [tilespmem:s1+$0x0];
	v7 =	vmax.f32 v7, $0.0e+00;
	v12 =	vmax.f32 v12, $0.0e+00;
	(pc) =	sbr.rel @p2 .LBB2_31-.Ltmp20, $4  }
0x24d: {  	v9 =	vld [tilespmem:s11+$0xFFFFFFE0];
	v13 =	vmul.f32 v15, v13;
	[tilespmem:s0+$0xFFFFFFE0] =	vst v7;
	v14 =	vmax.f32 v14, $0.0e+00  }
0x24e: {  	v7 =	vld [tilespmem:s9+$0xFFFFFFE0];
	[tilespmem:s0+$0xFFFFFFF0] =	vst v12  }
0x24f: {  	v11 =	vadd.f32 v11, v10;
	v10 =	vld [tilespmem:s9+$0xFFFFFFF0];
	v13 =	vadd.f32 v13, v4;
	[tilespmem:s0+$0x0] =	vst v14;
	s0 =	smov.u32 s11  }
0x250: {  	s11 =	sadd.s32 $0x40, s11;
	v12 =	vld [tilespmem:s9+$0x0]  }
0x251: {  	_ = 	snop  }
0x252: {  	v5 =	vadd.f32 v5, v9;
	_ =	sdelay $0x1  }
0x253: {  	v6 =	vadd.f32 v8, v6;
	v5 =	vmul.f32 v7, v5  }
0x254: {  	v61 =	vmul.f32 v10, v11  }
0x255: {  	v6 =	vmul.f32 v12, v6;
	v5 =	vadd.f32 v5, v4  }
0x256: {  	v62 =	vmax.f32 v13, $0.0e+00;
	v7 =	vadd.f32 v61, v4  }
0x257: {  	[tilespmem:s0+$0x10] =	vst v62;
	v6 =	vadd.f32 v6, v4;
	v5 =	vmax.f32 v5, $0.0e+00  }
0x258: {  	v7 =	vmax.f32 v7, $0.0e+00;
	[tilespmem:s0+$0xFFFFFFE0] =	vst v5  }
0x259: {  	v5 =	vmax.f32 v6, $0.0e+00;
	[tilespmem:s0+$0xFFFFFFF0] =	vst v7  }
0x25a: {  	[tilespmem:s0+$0x0] =	vst v5  }
0x25b: {  	v5 =	vld [tilespmem:$0x9D80]  }
0x25c: {  	v63 =	vld [tilespmem:$0xC500];
	_ =	sdelay $0x1  }
0x25d: {  	v7 =	vld [tilespmem:$0x2700];
	_ =	sdelay $0x2  }
0x25e: {  	v5 =	vadd.f32 v63, v5;
	_ =	sdelay $0x1  }
0x25f: {  	v5 =	vmul.f32 v7, v5;
	_ =	sdelay $0x1  }
0x260: {  	v4 =	vadd.f32 v5, v4;
	_ =	sdelay $0x1  }
0x261: {  	v4 =	vmax.f32 v4, $0.0e+00  }
.Ltmp21:
0x262: {  	[tilespmem:$0x9D80] =	vst v4;
	(pc) =	sbr.rel .LBB2_33-.Ltmp21, $4  }
0x263: {  	[hbm4b:s14+s20] =	stream.strided.scatter [tilespmem:s16], [sflag:$0x7], $0x2780, s21, s20, $0x38;
	[tilespmem:$0x10600] =	vst v63  }
0x264: {  	_ =	swait.ge [sflag:s25], $0x2780  }
0x265: {  	[sflag:s25] =	ssyncset.done $0x0  }
0x266: {  	[sflag:s25] =	ssyncadd.s32 $0xFFFFD880  }
.LBB2_57:
0x267: {  	s0 =	rddreg [dreg:$0x9]  }
0x268: {  	[hbm4b:s0+s20] =	stream.strided.scatter [tilespmem:s16], [sflag:$0x7], $0x2780, s21, s20, $0x38;
	[tilespmem:$0x10600] =	vst v63  }
0x269: {  	_ =	swait.ge [sflag:s25], $0x2780  }
0x26a: {  	[sflag:s25] =	ssyncset.done $0x0  }
0x26b: {  	s31 =	rddreg [dreg:$0xa];
	[sflag:s25] =	ssyncadd.s32 $0xFFFFD880  }
0x26c: {  	[hbm4b:s31+s20] =	stream.strided.scatter [tilespmem:s24], [sflag:$0x7], $0x2780, s21, s20, $0x38;
	[tilespmem:$0x10600] =	vst v63  }
0x26d: {  	_ =	swait.ge [sflag:s25], $0x2780  }
0x26e: {  	[sflag:s25] =	ssyncset.done $0x0  }
0x26f: {  	[sflag:s25] =	ssyncadd.s32 $0xFFFFD880  }
0x270: {  	[bflag:$0x0] =	sbarrier.arrive $0xFFFF  }
.LBB2_33:
0x271: {  	[bflag:$0x0] =	sbarrier.arrive $0xFFFF  }
0x272: {  	[tilespmem:s22], [sflag:$0x7] =	stream.strided.gather [hbm4b:s14+s20], $0x2780, s21, s20, $0x38;
	[tilespmem:$0x10600] =	vst v63  }
0x273: {  	_ =	swait.ge [sflag:s25], $0x2780  }
0x274: {  	[sflag:s25] =	ssyncset.done $0x0  }
0x275: {  	s0 =	rddreg [dreg:$0xb];
	[sflag:s25] =	ssyncadd.s32 $0xFFFFD880  }
0x276: {  	[tilespmem:s23], [sflag:$0x7] =	stream.strided.gather [hbm4b:s0+s20], $0x2780, s21, s20, $0x38;
	[tilespmem:$0x10600] =	vst v63  }
0x277: {  	_ =	swait.ge [sflag:s25], $0x2780  }
0x278: {  	[sflag:s25] =	ssyncset.done $0x0  }
0x279: {  	[sflag:s25] =	ssyncadd.s32 $0xFFFFD880  }
0x27a: {  	s1 =	simm.s32 $0x27A0;
	[bflag:$0x0] =	sbarrier.arrive $0xFFFF  }
0x27b: {  	s11 =	simm.s32 $0x20;
	v4 =	vld [tilespmem:s1+$0x10]  }
0x27c: {  	v5 =	vld [tilespmem:s11+$0x10]  }
0x27d: {  	v6 =	vld [tilespmem:s11+$0xFFFFFFE0]  }
0x27e: {  	v7 =	vld [tilespmem:s1+$0xFFFFFFF0]  }
0x27f: {  	v8 =	vld [tilespmem:s11+$0xFFFFFFF0]  }
0x280: {  	v9 =	vld [tilespmem:s1+$0x0]  }
0x281: {  	s9 =	simm.s32 $0x60;
	v10 =	vld [tilespmem:s11+$0x0]  }
0x282: {  	v14 =	vld [tilespmem:s9+$0x10];
	v5 =	vmul.f32 v5, v4  }
0x283: {  	v16 =	vld [tilespmem:s9+$0xFFFFFFE0]  }
0x284: {  	s0 =	simm.s32 $0x4F20;
	v4 =	vld [tilespmem:s1+$0xFFFFFFE0];
	v7 =	vmul.f32 v8, v7;
	[tilespmem:s1+$0x10] =	vst v5  }
0x285: {  	v8 =	vld [tilespmem:s0+$0x10]  }
0x286: {  	[tilespmem:s1+$0xFFFFFFF0] =	vst v7;
	v11 =	vld [tilespmem:s11+$0x10]  }
0x287: {  	v12 =	vld [tilespmem:s0+$0xFFFFFFF0]  }
0x288: {  	s26 =	simm.s32 $0x27E0;
	v10 =	vmul.f32 v10, v9;
	v13 =	vld [tilespmem:s11+$0xFFFFFFF0]  }
0x289: {  	v9 =	vld [tilespmem:s26+$0x10]  }
0x28a: {  	v17 =	vld [tilespmem:s9+$0xFFFFFFF0];
	[tilespmem:s1+$0x0] =	vst v10  }
0x28b: {  	v6 =	vmul.f32 v6, v4;
	v4 =	vld [tilespmem:s0+$0x0]  }
0x28c: {  	v8 =	vmul.f32 v11, v8;
	v11 =	vld [tilespmem:s26+$0xFFFFFFF0]  }
0x28d: {  	v5 =	vmul.f32 v5, v0;
	[tilespmem:s1+$0xFFFFFFE0] =	vst v6;
	v12 =	vmul.f32 v13, v12;
	v13 =	vld [tilespmem:s26+$0xFFFFFFE0]  }
0x28e: {  	s10 =	simm.s32 $0x76A0;
	v9 =	vmul.f32 v14, v9;
	[tilespmem:s0+$0x10] =	vst v8;
	v8 =	vld [tilespmem:s26+$0x0]  }
0x28f: {  	[tilespmem:s10+$0x10] =	vst v5;
	v5 =	vld [tilespmem:s9+$0x0]  }
0x290: {  	v7 =	vmul.f32 v7, v0;
	[tilespmem:s26+$0x10] =	vst v9;
	v15 =	vld [tilespmem:s0+$0xFFFFFFE0]  }
0x291: {  	v18 =	vld [tilespmem:s11+$0xFFFFFFE0];
	[tilespmem:s0+$0xFFFFFFF0] =	vst v12  }
0x292: {  	s17 =	simm.s32 $0x9E20;
	s19 =	simm.s32 $0x4F60;
	v19 =	vld [tilespmem:s9+$0x10];
	[tilespmem:s10+$0xFFFFFFF0] =	vst v7;
	v12 =	vmul.f32 v17, v11  }
0x293: {  	[tilespmem:s17+$0x10] =	vst v3;
	v17 =	vld [tilespmem:s19+$0x10]  }
0x294: {  	v11 =	vld [tilespmem:s11+$0x0];
	v16 =	vmul.f32 v16, v13;
	[tilespmem:s26+$0xFFFFFFF0] =	vst v12;
	v8 =	vmul.f32 v5, v8  }
0x295: {  	v7 =	vmul.f32 v6, v0;
	[tilespmem:s17+$0xFFFFFFF0] =	vst v3;
	v13 =	vld [tilespmem:s19+$0xFFFFFFF0]  }
0x296: {  	v18 =	vmul.f32 v18, v15;
	v15 =	vmul.f32 v16, v0;
	v14 =	vld [tilespmem:s9+$0xFFFFFFF0];
	[tilespmem:s26+$0x0] =	vst v8  }
0x297: {  	s12 =	simm.s32 $0x2820;
	s13 =	simm.s32 $0x9E20;
	s31 =	simm.s32 $0x60;
	[tilespmem:s26+$0xFFFFFFE0] =	vst v16;
	v5 =	vmul.f32 v10, v0;
	v10 =	vmul.f32 v12, v0;
	v12 =	vld [tilespmem:s19+$0x0]  }
0x298: {  	s1 =	simm.s32 $0x76A0;
	s11 =	simm.s32 $0x40;
	[tilespmem:s0+$0xFFFFFFE0] =	vst v18;
	v6 =	vmul.f32 v8, v0;
	v8 =	vld [tilespmem:s19+$0xFFFFFFE0];
	v16 =	vmul.f32 v19, v17;
	s26 =	simm.s32 $0x4F60  }
.LBB2_34:
0x299: {  	v17 =	vld [tilespmem:s12+$0x10];
	v9 =	vmul.f32 v9, v0;
	s9 =	sadd.s32 $0x40, s9;
	[tilespmem:s10+$0xFFFFFFE0] =	vst v7;
	v11 =	vmul.f32 v11, v4;
	v7 =	vmov v15  }
0x29a: {  	s10 =	sadd.s32 $0x40, s10;
	v15 =	vld [tilespmem:s9+$0x10];
	[tilespmem:s19+$0x10] =	vst v16  }
0x29b: {  	s17 =	sadd.s32 $0x40, s17;
	v16 =	vld [tilespmem:s9+$0xFFFFFFE0];
	v13 =	vmul.f32 v14, v13;
	[tilespmem:s10+$0x10] =	vst v9  }
0x29c: {  	v14 =	vld [tilespmem:s12+$0xFFFFFFF0];
	[tilespmem:s17+$0x10] =	vst v3;
	v4 =	vmov v12  }
0x29d: {  	s11 =	sadd.s32 $0x40, s11;
	v12 =	vld [tilespmem:s9+$0xFFFFFFF0];
	[tilespmem:s13+$0xFFFFFFE0] =	vst v3  }
0x29e: {  	p2 =	slt.u32 s11, $0x26C0;
	v18 =	vld [tilespmem:s12+$0x0];
	[tilespmem:s19+$0xFFFFFFF0] =	vst v13  }
0x29f: {  	v13 =	vld [tilespmem:s9+$0x0];
	v9 =	vmul.f32 v15, v17;
	[tilespmem:s10+$0xFFFFFFF0] =	vst v10  }
0x2a0: {  	v15 =	vld [tilespmem:s12+$0xFFFFFFE0];
	[tilespmem:s17+$0xFFFFFFF0] =	vst v3  }
0x2a1: {  	s19 =	sadd.s32 $0x40, s19;
	[tilespmem:s12+$0x10] =	vst v9;
	v17 =	vld [tilespmem:s31+$0xFFFFFFE0]  }
0x2a2: {  	v10 =	vmul.f32 v12, v14;
	v19 =	vld [tilespmem:s19+$0x10];
	[tilespmem:s0+$0x0] =	vst v11;
	s0 =	smov.u32 s26;
	s26 =	smov.u32 s19  }
0x2a3: {  	v20 =	vld [tilespmem:s9+$0x10];
	[tilespmem:s1+$0x0] =	vst v5;
	v5 =	vmov v6;
	s1 =	smov.u32 s10  }
.Ltmp22:
0x2a4: {  	[tilespmem:s12+$0xFFFFFFF0] =	vst v10;
	v10 =	vmul.f32 v10, v0;
	v6 =	vmul.f32 v13, v18;
	v11 =	vld [tilespmem:s31+$0x0];
	s31 =	smov.u32 s9;
	(pc) =	sbr.rel @p2 .LBB2_34-.Ltmp22, $4  }
0x2a5: {  	v12 =	vmul.f32 v16, v15;
	v13 =	vld [tilespmem:s19+$0xFFFFFFF0];
	[tilespmem:s13+$0x0] =	vst v3;
	s13 =	smov.u32 s17  }
0x2a6: {  	v14 =	vld [tilespmem:s9+$0xFFFFFFF0];
	[tilespmem:s12+$0x0] =	vst v6;
	v6 =	vmul.f32 v6, v0;
	v17 =	vmul.f32 v17, v8  }
0x2a7: {  	[tilespmem:s12+$0xFFFFFFE0] =	vst v12;
	v15 =	vmul.f32 v12, v0;
	v12 =	vld [tilespmem:s19+$0x0]  }
0x2a8: {  	s12 =	sadd.s32 $0x40, s12;
	v8 =	vld [tilespmem:s19+$0xFFFFFFE0];
	v16 =	vmul.f32 v20, v19;
	[tilespmem:s0+$0xFFFFFFE0] =	vst v17  }
0x2a9: {  	[tilespmem:s10+$0xFFFFFFE0] =	vst v7  }
0x2aa: {  	v9 =	vmul.f32 v9, v0;
	[tilespmem:s19+$0x10] =	vst v16  }
0x2ab: {  	s9 =	sadd.s32 $0x40, s10;
	v4 =	vmul.f32 v11, v4;
	[tilespmem:s13+$0xFFFFFFE0] =	vst v3  }
0x2ac: {  	[tilespmem:s9+$0x10] =	vst v9  }
0x2ad: {  	s17 =	sadd.s32 $0x40, s17;
	v61 =	vld [tilespmem:s31+$0xFFFFFFE0];
	[tilespmem:s0+$0x0] =	vst v4  }
0x2ae: {  	v60 =	vmul.f32 v14, v13;
	[tilespmem:s17+$0x10] =	vst v3  }
0x2af: {  	[tilespmem:s1+$0x0] =	vst v5  }
0x2b0: {  	v62 =	vld [tilespmem:s31+$0x0];
	[tilespmem:s19+$0xFFFFFFF0] =	vst v60  }
0x2b1: {  	[tilespmem:s13+$0x0] =	vst v3  }
0x2b2: {  	[tilespmem:s9+$0xFFFFFFF0] =	vst v10;
	v4 =	vmul.f32 v61, v8  }
0x2b3: {  	[tilespmem:s17+$0xFFFFFFF0] =	vst v3  }
0x2b4: {  	[tilespmem:s26+$0xFFFFFFE0] =	vst v4  }
0x2b5: {  	v4 =	vmul.f32 v62, v12;
	[tilespmem:s9+$0xFFFFFFE0] =	vst v15  }
0x2b6: {  	[tilespmem:s17+$0xFFFFFFE0] =	vst v3  }
0x2b7: {  	[tilespmem:s26+$0x0] =	vst v4  }
0x2b8: {  	[tilespmem:s9+$0x0] =	vst v6  }
0x2b9: {  	[tilespmem:s17+$0x0] =	vst v3  }
0x2ba: {  	v4 =	vld [tilespmem:$0x4E80]  }
0x2bb: {  	v5 =	vld [tilespmem:$0x2700]  }
0x2bc: {  	v6 =	vld [tilespmem:$0x7600]  }
0x2bd: {  	v63 =	vld [tilespmem:$0x2700];
	_ =	sdelay $0x3  }
0x2be: {  	v4 =	vmul.f32 v5, v4  }
0x2bf: {  	[tilespmem:$0xC500] =	vst v3;
	v5 =	vmul.f32 v63, v6  }
0x2c0: {  	[tilespmem:$0x4E80] =	vst v4;
	v4 =	vmul.f32 v4, v0  }
.Ltmp23:
0x2c1: {  	[tilespmem:$0x7600] =	vst v5;
	(pc) =	sbr.rel .LBB2_36-.Ltmp23, $4  }
0x2c2: {  	s19 =	simm.s32 $0xC580;
	s9 =	simm.s32 $0x0;
	s0 =	rddreg [dreg:$0x6];
	[tilespmem:$0x9D80] =	vst v4  }
0x2c3: {  	[tilespmem:s19], [sflag:$0x1] =	stream.linear.gather [hbm4b:s0+s9], $0xFA0, $0x38;
	[tilespmem:$0x10600] =	vst v63  }
0x2c4: {  	s31 =	simm.s32 $0xE580;
	s26 =	rddreg [dreg:$0x7]  }
0x2c5: {  	[tilespmem:s31], [sflag:$0x3] =	stream.linear.gather [hbm4b:s26+s9], $0xFA0, $0x38;
	[tilespmem:$0x10600] =	vst v63  }
.LBB2_50:
0x2c6: {  	s9 =	sadd.s32 $0x1, s9  }
0x2c7: {  	p2 =	sne.s32 s9, $0xF  }
.Ltmp24:
0x2c8: {  	_ = 	snop;
	(pc) =	sbr.rel @!p2 .LBB2_51-.Ltmp24, $1  }
0x2c9: {  	_ =	sdelay $0x3  }
.LBB2_36:
0x2ca: {  	s0 =	sshllo.u32 s9, $0x1  }
0x2cb: {  	s1 =	smul.u32 $0xFA0, s0;
	s10 =	ssub.s32 s0, s8  }
0x2cc: {  	s10 =	smul.u32 $0xFA0, s10  }
0x2cd: {  	p2 =	slt.u32 s0, s8;
	s1 =	sadd.s32 s7, s1  }
0x2ce: {  	s10 =	smov.u32 @p2 s1  }
0x2cf: {  	s1 =	sshrl.u32 s10, $0x3  }
0x2d0: {  	s10 =	sadd.s32 s3, s1  }
0x2d1: {  	[tilespmem:s15], [sflag:$0x2] =	stream.linear.gather [hbm4b:s10+s2], $0xFA0, $0x38;
	[tilespmem:$0x10600] =	vst v63  }
0x2d2: {  	s1 =	sadd.s32 s4, s1;
	s10 =	sshll.u32 s9, $0x1  }
0x2d3: {  	[tilespmem:s28], [sflag:$0x4] =	stream.linear.gather [hbm4b:s1+s2], $0xFA0, $0x38;
	[tilespmem:$0x10600] =	vst v63  }
0x2d4: {  	p2 =	sge.u32 s10, s8;
	_ =	swait.ge [sflag:s6], $0xFA0  }
.Ltmp25:
0x2d5: {  	[sflag:s6] =	ssyncset.done $0x0;
	(pc) =	sbr.rel @p2 .LBB2_40-.Ltmp25, $4  }
0x2d6: {  	[sflag:s6] =	ssyncadd.s32 $0xFFFFF060  }
0x2d7: {  	_ =	swait.ge [sflag:s29], $0xFA0  }
0x2d8: {  	[sflag:s29] =	ssyncset.done $0x0  }
0x2d9: {  	s17 =	simm.s32 $0xE5A0;
	s1 =	simm.s32 $0xC5A0;
	[sflag:s29] =	ssyncadd.s32 $0xFFFFF060  }
0x2da: {  	v4 =	vld [tilespmem:s1+$0x20]  }
0x2db: {  	v5 =	vld [tilespmem:s1+$0xFFFFFFF0]  }
0x2dc: {  	v7 =	vld [tilespmem:s1+$0x0]  }
0x2dd: {  	v8 =	vld [tilespmem:s1+$0x10]  }
0x2de: {  	v9 =	vld [tilespmem:s1+$0xFFFFFFE0];
	_ =	sdelay $0x1  }
0x2df: {  	v10 =	vld [tilespmem:s17+$0x20]  }
0x2e0: {  	v11 =	vld [tilespmem:s17+$0xFFFFFFE0]  }
0x2e1: {  	v12 =	vld.idx.msk [tilespmem:v4+s22+$0x0], $0xffff  }
0x2e2: {  	v6 =	vld.idx.msk [tilespmem:v5+s22+$0x0], $0xffff  }
0x2e3: {  	v4 =	vld.idx.msk [tilespmem:v7+s22+$0x0], $0xffff  }
0x2e4: {  	v5 =	vld.idx.msk [tilespmem:v8+s22+$0x0], $0xffff  }
0x2e5: {  	v13 =	vld.idx.msk [tilespmem:v9+s22+$0x0], $0xffff  }
0x2e6: {  	v9 =	vld [tilespmem:s17+$0x0]  }
0x2e7: {  	v8 =	vld [tilespmem:s17+$0x10]  }
0x2e8: {  	v7 =	vld [tilespmem:s17+$0xFFFFFFF0]  }
0x2e9: {  	[tilespmem:v10+s16+$0x0] =	vst.idx.add.f32.msk $0xffff, v12  }
0x2ea: {  	s1 =	simm.s32 $0x0;
	s11 =	simm.s32 $0xC5F0;
	[tilespmem:v11+s16+$0x0] =	vst.idx.add.f32.msk $0xffff, v13  }
.LBB2_38:
0x2eb: {  	v10 =	vld [tilespmem:s11+$0x20];
	s1 =	sadd.s32 $0x50, s1;
	v11 =	vmov v9  }
0x2ec: {  	v9 =	vld [tilespmem:s11+$0xFFFFFFF0];
	p2 =	slt.u32 s1, $0xF50;
	v12 =	vmov v8  }
0x2ed: {  	v8 =	vld [tilespmem:s11+$0x0]  }
0x2ee: {  	v13 =	vld [tilespmem:s11+$0x10]  }
0x2ef: {  	v14 =	vld [tilespmem:s11+$0xFFFFFFE0]  }
0x2f0: {  	s17 =	sadd.s32 $0x50, s17;
	[tilespmem:v7+s16+$0x0] =	vst.idx.add.f32.msk $0xffff, v6  }
0x2f1: {  	v15 =	vld [tilespmem:s17+$0x20]  }
0x2f2: {  	v16 =	vld [tilespmem:s17+$0xFFFFFFE0]  }
0x2f3: {  	v10 =	vld.idx.msk [tilespmem:v10+s22+$0x0], $0xffff  }
0x2f4: {  	v6 =	vld.idx.msk [tilespmem:v9+s22+$0x0], $0xffff  }
0x2f5: {  	v17 =	vld.idx.msk [tilespmem:v8+s22+$0x0], $0xffff  }
0x2f6: {  	v13 =	vld.idx.msk [tilespmem:v13+s22+$0x0], $0xffff  }
0x2f7: {  	v14 =	vld.idx.msk [tilespmem:v14+s22+$0x0], $0xffff  }
0x2f8: {  	v7 =	vld [tilespmem:s17+$0xFFFFFFF0]  }
0x2f9: {  	[tilespmem:v15+s16+$0x0] =	vst.idx.add.f32.msk $0xffff, v10  }
.Ltmp26:
0x2fa: {  	v9 =	vld [tilespmem:s17+$0x0];
	(pc) =	sbr.rel @p2 .LBB2_38-.Ltmp26, $4  }
0x2fb: {  	v8 =	vld [tilespmem:s17+$0x10]  }
0x2fc: {  	[tilespmem:v11+s16+$0x0] =	vst.idx.add.f32.msk $0xffff, v4;
	v4 =	vmov v17  }
0x2fd: {  	[tilespmem:v16+s16+$0x0] =	vst.idx.add.f32.msk $0xffff, v14  }
0x2fe: {  	s11 =	sadd.s32 $0x50, s11;
	[tilespmem:v12+s16+$0x0] =	vst.idx.add.f32.msk $0xffff, v5;
	v5 =	vmov v13  }
0x2ff: {  	_ =	sdelay $0x1  }
.Ltmp27:
0x300: {  	_ = 	snop;
	(pc) =	sbr.rel .LBB2_43-.Ltmp27, $4  }
0x301: {  	_ = 	snop  }
0x302: {  	[tilespmem:v7+s16+$0x0] =	vst.idx.add.f32.msk $0xffff, v6  }
0x303: {  	[tilespmem:v9+s16+$0x0] =	vst.idx.add.f32.msk $0xffff, v4  }
0x304: {  	[tilespmem:v8+s16+$0x0] =	vst.idx.add.f32.msk $0xffff, v5  }
.LBB2_40:
0x305: {  	v4 =	vld [tilespmem:s1+$0x20]  }
0x306: {  	v5 =	vld [tilespmem:s1+$0xFFFFFFF0]  }
0x307: {  	v7 =	vld [tilespmem:s1+$0x0]  }
0x308: {  	v8 =	vld [tilespmem:s1+$0x10]  }
0x309: {  	v9 =	vld [tilespmem:s1+$0xFFFFFFE0];
	_ =	sdelay $0x1  }
0x30a: {  	v10 =	vld [tilespmem:s17+$0x20]  }
0x30b: {  	v11 =	vld [tilespmem:s17+$0xFFFFFFE0]  }
0x30c: {  	v12 =	vld.idx.msk [tilespmem:v4+s23+$0x0], $0xffff  }
0x30d: {  	v6 =	vld.idx.msk [tilespmem:v5+s23+$0x0], $0xffff  }
0x30e: {  	v4 =	vld.idx.msk [tilespmem:v7+s23+$0x0], $0xffff  }
0x30f: {  	v5 =	vld.idx.msk [tilespmem:v8+s23+$0x0], $0xffff  }
0x310: {  	v13 =	vld.idx.msk [tilespmem:v9+s23+$0x0], $0xffff  }
0x311: {  	v9 =	vld [tilespmem:s17+$0x0]  }
0x312: {  	v8 =	vld [tilespmem:s17+$0x10]  }
0x313: {  	v7 =	vld [tilespmem:s17+$0xFFFFFFF0]  }
0x314: {  	[tilespmem:v10+s24+$0x0] =	vst.idx.add.f32.msk $0xffff, v12  }
0x315: {  	s1 =	simm.s32 $0x0;
	s11 =	simm.s32 $0xC5F0;
	[tilespmem:v11+s24+$0x0] =	vst.idx.add.f32.msk $0xffff, v13  }
.LBB2_41:
0x316: {  	v10 =	vld [tilespmem:s11+$0x20];
	s1 =	sadd.s32 $0x50, s1;
	v11 =	vmov v9  }
0x317: {  	v9 =	vld [tilespmem:s11+$0xFFFFFFF0];
	p2 =	slt.u32 s1, $0xF50;
	v12 =	vmov v8  }
0x318: {  	v8 =	vld [tilespmem:s11+$0x0]  }
0x319: {  	v13 =	vld [tilespmem:s11+$0x10]  }
0x31a: {  	v14 =	vld [tilespmem:s11+$0xFFFFFFE0]  }
0x31b: {  	s17 =	sadd.s32 $0x50, s17;
	[tilespmem:v7+s24+$0x0] =	vst.idx.add.f32.msk $0xffff, v6  }
0x31c: {  	v15 =	vld [tilespmem:s17+$0x20]  }
0x31d: {  	v16 =	vld [tilespmem:s17+$0xFFFFFFE0]  }
0x31e: {  	v10 =	vld.idx.msk [tilespmem:v10+s23+$0x0], $0xffff  }
0x31f: {  	v6 =	vld.idx.msk [tilespmem:v9+s23+$0x0], $0xffff  }
0x320: {  	v17 =	vld.idx.msk [tilespmem:v8+s23+$0x0], $0xffff  }
0x321: {  	v13 =	vld.idx.msk [tilespmem:v13+s23+$0x0], $0xffff  }
0x322: {  	v14 =	vld.idx.msk [tilespmem:v14+s23+$0x0], $0xffff  }
0x323: {  	v7 =	vld [tilespmem:s17+$0xFFFFFFF0]  }
0x324: {  	[tilespmem:v15+s24+$0x0] =	vst.idx.add.f32.msk $0xffff, v10  }
.Ltmp28:
0x325: {  	v9 =	vld [tilespmem:s17+$0x0];
	(pc) =	sbr.rel @p2 .LBB2_41-.Ltmp28, $4  }
0x326: {  	v8 =	vld [tilespmem:s17+$0x10]  }
0x327: {  	[tilespmem:v11+s24+$0x0] =	vst.idx.add.f32.msk $0xffff, v4;
	v4 =	vmov v17  }
0x328: {  	[tilespmem:v16+s24+$0x0] =	vst.idx.add.f32.msk $0xffff, v14  }
0x329: {  	s11 =	sadd.s32 $0x50, s11;
	[tilespmem:v12+s24+$0x0] =	vst.idx.add.f32.msk $0xffff, v5;
	v5 =	vmov v13  }
0x32a: {  	_ =	sdelay $0x3  }
0x32b: {  	[tilespmem:v7+s24+$0x0] =	vst.idx.add.f32.msk $0xffff, v6  }
0x32c: {  	[tilespmem:v9+s24+$0x0] =	vst.idx.add.f32.msk $0xffff, v4  }
0x32d: {  	[tilespmem:v8+s24+$0x0] =	vst.idx.add.f32.msk $0xffff, v5  }
.LBB2_43:
0x32e: {  	p2 =	seq.s32 s9, $0xE  }
0x32f: {  	s1 =	sadd.s32 @!p2 $0x2, s10  }
0x330: {  	s10 =	smul.u32 @!p2 $0xFA0, s1;
	s11 =	ssub.s32 @!p2 s1, s8  }
0x331: {  	p3 =	slt.u32 @!p2 s1, s8;
	s1 =	smul.u32 @!p2 $0xFA0, s11  }
0x332: {  	p3 =	por !p3, p2;
	s10 =	sadd.s32 @!p2 s7, s10  }
0x333: {  	s10 =	smov.u32 @p3 s1  }
0x334: {  	s1 =	sshrl.u32 @!p2 s10, $0x3  }
0x335: {  	s12 =	simm.s32 @!p2 $0xC580;
	s11 =	simm.s32 @!p2 $0x0;
	s10 =	sadd.s32 @!p2 s3, s1  }
0x336: {  	[tilespmem:s12], [sflag:$0x1] =	stream.linear.gather @!p2 [hbm4b:s10+s11], $0xFA0, $0x38;
	[tilespmem:$0x10600] =	vst v63  }
0x337: {  	s1 =	sadd.s32 @!p2 s4, s1;
	s10 =	simm.s32 @!p2 $0xE580  }
0x338: {  	[tilespmem:s10], [sflag:$0x3] =	stream.linear.gather @!p2 [hbm4b:s1+s11], $0xFA0, $0x38;
	[tilespmem:$0x10600] =	vst v63  }
0x339: {  	p2 =	sge.u32 s0, s8;
	_ =	swait.ge [sflag:s18], $0xFA0  }
.Ltmp29:
0x33a: {  	[sflag:s18] =	ssyncset.done $0x0;
	(pc) =	sbr.rel @p2 .LBB2_47-.Ltmp29, $4  }
0x33b: {  	[sflag:s18] =	ssyncadd.s32 $0xFFFFF060  }
0x33c: {  	_ =	swait.ge [sflag:s30], $0xFA0  }
0x33d: {  	[sflag:s30] =	ssyncset.done $0x0  }
0x33e: {  	s1 =	simm.s32 $0xD5A0;
	s0 =	simm.s32 $0xF5A0;
	[sflag:s30] =	ssyncadd.s32 $0xFFFFF060  }
0x33f: {  	v4 =	vld [tilespmem:s1+$0x20]  }
0x340: {  	v5 =	vld [tilespmem:s1+$0xFFFFFFF0]  }
0x341: {  	v7 =	vld [tilespmem:s1+$0x0]  }
0x342: {  	v8 =	vld [tilespmem:s1+$0x10]  }
0x343: {  	v9 =	vld [tilespmem:s1+$0xFFFFFFE0];
	_ =	sdelay $0x1  }
0x344: {  	v10 =	vld [tilespmem:s0+$0x20]  }
0x345: {  	v11 =	vld [tilespmem:s0+$0xFFFFFFE0]  }
0x346: {  	v12 =	vld.idx.msk [tilespmem:v4+s22+$0x0], $0xffff  }
0x347: {  	v6 =	vld.idx.msk [tilespmem:v5+s22+$0x0], $0xffff  }
0x348: {  	v4 =	vld.idx.msk [tilespmem:v7+s22+$0x0], $0xffff  }
0x349: {  	v5 =	vld.idx.msk [tilespmem:v8+s22+$0x0], $0xffff  }
0x34a: {  	v13 =	vld.idx.msk [tilespmem:v9+s22+$0x0], $0xffff  }
0x34b: {  	v9 =	vld [tilespmem:s0+$0x0]  }
0x34c: {  	v8 =	vld [tilespmem:s0+$0x10]  }
0x34d: {  	v7 =	vld [tilespmem:s0+$0xFFFFFFF0]  }
0x34e: {  	[tilespmem:v10+s16+$0x0] =	vst.idx.add.f32.msk $0xffff, v12  }
0x34f: {  	s1 =	simm.s32 $0x0;
	s10 =	simm.s32 $0xD5F0;
	[tilespmem:v11+s16+$0x0] =	vst.idx.add.f32.msk $0xffff, v13  }
.LBB2_45:
0x350: {  	v10 =	vld [tilespmem:s10+$0x20];
	s1 =	sadd.s32 $0x50, s1;
	v11 =	vmov v9  }
0x351: {  	v9 =	vld [tilespmem:s10+$0xFFFFFFF0];
	p2 =	slt.u32 s1, $0xF50;
	v12 =	vmov v8  }
0x352: {  	v8 =	vld [tilespmem:s10+$0x0]  }
0x353: {  	v13 =	vld [tilespmem:s10+$0x10]  }
0x354: {  	v14 =	vld [tilespmem:s10+$0xFFFFFFE0]  }
0x355: {  	s0 =	sadd.s32 $0x50, s0;
	[tilespmem:v7+s16+$0x0] =	vst.idx.add.f32.msk $0xffff, v6  }
0x356: {  	v15 =	vld [tilespmem:s0+$0x20]  }
0x357: {  	v16 =	vld [tilespmem:s0+$0xFFFFFFE0]  }
0x358: {  	v10 =	vld.idx.msk [tilespmem:v10+s22+$0x0], $0xffff  }
0x359: {  	v6 =	vld.idx.msk [tilespmem:v9+s22+$0x0], $0xffff  }
0x35a: {  	v17 =	vld.idx.msk [tilespmem:v8+s22+$0x0], $0xffff  }
0x35b: {  	v13 =	vld.idx.msk [tilespmem:v13+s22+$0x0], $0xffff  }
0x35c: {  	v14 =	vld.idx.msk [tilespmem:v14+s22+$0x0], $0xffff  }
0x35d: {  	v7 =	vld [tilespmem:s0+$0xFFFFFFF0]  }
0x35e: {  	[tilespmem:v15+s16+$0x0] =	vst.idx.add.f32.msk $0xffff, v10  }
.Ltmp30:
0x35f: {  	v9 =	vld [tilespmem:s0+$0x0];
	(pc) =	sbr.rel @p2 .LBB2_45-.Ltmp30, $4  }
0x360: {  	v8 =	vld [tilespmem:s0+$0x10]  }
0x361: {  	[tilespmem:v11+s16+$0x0] =	vst.idx.add.f32.msk $0xffff, v4;
	v4 =	vmov v17  }
0x362: {  	[tilespmem:v16+s16+$0x0] =	vst.idx.add.f32.msk $0xffff, v14  }
0x363: {  	s10 =	sadd.s32 $0x50, s10;
	[tilespmem:v12+s16+$0x0] =	vst.idx.add.f32.msk $0xffff, v5;
	v5 =	vmov v13  }
0x364: {  	_ =	sdelay $0x1  }
.Ltmp31:
0x365: {  	_ = 	snop;
	(pc) =	sbr.rel .LBB2_50-.Ltmp31, $4  }
0x366: {  	_ = 	snop  }
0x367: {  	[tilespmem:v7+s16+$0x0] =	vst.idx.add.f32.msk $0xffff, v6  }
0x368: {  	[tilespmem:v9+s16+$0x0] =	vst.idx.add.f32.msk $0xffff, v4  }
0x369: {  	[tilespmem:v8+s16+$0x0] =	vst.idx.add.f32.msk $0xffff, v5  }
.LBB2_47:
0x36a: {  	v4 =	vld [tilespmem:s1+$0x20]  }
0x36b: {  	v5 =	vld [tilespmem:s1+$0xFFFFFFF0]  }
0x36c: {  	v7 =	vld [tilespmem:s1+$0x0]  }
0x36d: {  	v8 =	vld [tilespmem:s1+$0x10]  }
0x36e: {  	v9 =	vld [tilespmem:s1+$0xFFFFFFE0];
	_ =	sdelay $0x1  }
0x36f: {  	v10 =	vld [tilespmem:s0+$0x20]  }
0x370: {  	v11 =	vld [tilespmem:s0+$0xFFFFFFE0]  }
0x371: {  	v12 =	vld.idx.msk [tilespmem:v4+s23+$0x0], $0xffff  }
0x372: {  	v6 =	vld.idx.msk [tilespmem:v5+s23+$0x0], $0xffff  }
0x373: {  	v4 =	vld.idx.msk [tilespmem:v7+s23+$0x0], $0xffff  }
0x374: {  	v5 =	vld.idx.msk [tilespmem:v8+s23+$0x0], $0xffff  }
0x375: {  	v13 =	vld.idx.msk [tilespmem:v9+s23+$0x0], $0xffff  }
0x376: {  	v9 =	vld [tilespmem:s0+$0x0]  }
0x377: {  	v8 =	vld [tilespmem:s0+$0x10]  }
0x378: {  	v7 =	vld [tilespmem:s0+$0xFFFFFFF0]  }
0x379: {  	[tilespmem:v10+s24+$0x0] =	vst.idx.add.f32.msk $0xffff, v12  }
0x37a: {  	s1 =	simm.s32 $0x0;
	s10 =	simm.s32 $0xD5F0;
	[tilespmem:v11+s24+$0x0] =	vst.idx.add.f32.msk $0xffff, v13  }
.LBB2_48:
0x37b: {  	v10 =	vld [tilespmem:s10+$0x20];
	s1 =	sadd.s32 $0x50, s1;
	v11 =	vmov v9  }
0x37c: {  	v9 =	vld [tilespmem:s10+$0xFFFFFFF0];
	p2 =	slt.u32 s1, $0xF50;
	v12 =	vmov v8  }
0x37d: {  	v8 =	vld [tilespmem:s10+$0x0]  }
0x37e: {  	v13 =	vld [tilespmem:s10+$0x10]  }
0x37f: {  	v14 =	vld [tilespmem:s10+$0xFFFFFFE0]  }
0x380: {  	s0 =	sadd.s32 $0x50, s0;
	[tilespmem:v7+s24+$0x0] =	vst.idx.add.f32.msk $0xffff, v6  }
0x381: {  	v15 =	vld [tilespmem:s0+$0x20]  }
0x382: {  	v16 =	vld [tilespmem:s0+$0xFFFFFFE0]  }
0x383: {  	v10 =	vld.idx.msk [tilespmem:v10+s23+$0x0], $0xffff  }
0x384: {  	v6 =	vld.idx.msk [tilespmem:v9+s23+$0x0], $0xffff  }
0x385: {  	v17 =	vld.idx.msk [tilespmem:v8+s23+$0x0], $0xffff  }
0x386: {  	v13 =	vld.idx.msk [tilespmem:v13+s23+$0x0], $0xffff  }
0x387: {  	v14 =	vld.idx.msk [tilespmem:v14+s23+$0x0], $0xffff  }
0x388: {  	v7 =	vld [tilespmem:s0+$0xFFFFFFF0]  }
0x389: {  	[tilespmem:v15+s24+$0x0] =	vst.idx.add.f32.msk $0xffff, v10  }
.Ltmp32:
0x38a: {  	v9 =	vld [tilespmem:s0+$0x0];
	(pc) =	sbr.rel @p2 .LBB2_48-.Ltmp32, $4  }
0x38b: {  	v8 =	vld [tilespmem:s0+$0x10]  }
0x38c: {  	[tilespmem:v11+s24+$0x0] =	vst.idx.add.f32.msk $0xffff, v4;
	v4 =	vmov v17  }
0x38d: {  	[tilespmem:v16+s24+$0x0] =	vst.idx.add.f32.msk $0xffff, v14  }
0x38e: {  	s10 =	sadd.s32 $0x50, s10;
	[tilespmem:v12+s24+$0x0] =	vst.idx.add.f32.msk $0xffff, v5;
	v5 =	vmov v13  }
0x38f: {  	_ =	sdelay $0x1  }
.Ltmp33:
0x390: {  	_ = 	snop;
	(pc) =	sbr.rel .LBB2_50-.Ltmp33, $4  }
0x391: {  	_ = 	snop  }
0x392: {  	[tilespmem:v7+s24+$0x0] =	vst.idx.add.f32.msk $0xffff, v6  }
0x393: {  	[tilespmem:v9+s24+$0x0] =	vst.idx.add.f32.msk $0xffff, v4  }
0x394: {  	[tilespmem:v8+s24+$0x0] =	vst.idx.add.f32.msk $0xffff, v5  }
.LBB2_51:
.Ltmp34:
0x395: {  	(pc) =	sbr.rel @p0 .LBB2_58-.Ltmp34, $1  }
0x396: {  	_ =	sdelay $0x3  }
0x397: {  	s0 =	simm.s32 @!p1 $0x80  }
0x398: {  	s1 =	simm.s32 @!p1 $0x400;
	s9 =	simm.s32 @!p1 $0x9E00;
	s10 =	rddreg [dreg:$0x8]  }
0x399: {  	[hbm4b:s10+s0] =	stream.strided.scatter @!p1 [tilespmem:s9], [sflag:$0x7], $0x2780, s1, s0, $0x38;
	[tilespmem:$0x10600] =	vst v63  }
0x39a: {  	s0 =	simm.s32 @!p1 $0x7  }
0x39b: {  	_ =	swait.ge @!p1 [sflag:s0], $0x2780  }
0x39c: {  	[sflag:s0] =	ssyncset.done @!p1 $0x0  }
0x39d: {  	[sflag:s0] =	ssyncadd.s32 @!p1 $0xFFFFD880  }
0x39e: {  	[bflag:$0x0] =	sbarrier.arrive $0xFFFF  }
0x39f: {  	[tilespmem:s24], [sflag:$0x7] =	stream.strided.gather [hbm4b:s14+s20], $0x2780, s21, s20, $0x38;
	[tilespmem:$0x10600] =	vst v63  }
0x3a0: {  	_ =	swait.ge [sflag:s25], $0x2780  }
0x3a1: {  	[sflag:s25] =	ssyncset.done $0x0  }
0x3a2: {  	s0 =	simm.s32 $0x76A0;
	[sflag:s25] =	ssyncadd.s32 $0xFFFFD880  }
0x3a3: {  	s1 =	simm.s32 $0x9E20;
	v6 =	vld [tilespmem:s0+$0x10]  }
0x3a4: {  	v7 =	vld [tilespmem:s1+$0x10]  }
0x3a5: {  	s9 =	simm.s32 $0x20;
	v4 =	vld [tilespmem:s1+$0xFFFFFFE0]  }
0x3a6: {  	v8 =	vld [tilespmem:s9+$0x10]  }
0x3a7: {  	v11 =	vld [tilespmem:s0+$0xFFFFFFF0]  }
0x3a8: {  	v12 =	vld [tilespmem:s1+$0xFFFFFFF0]  }
0x3a9: {  	v5 =	vld [tilespmem:s0+$0x0]  }
0x3aa: {  	v9 =	vld [tilespmem:s1+$0x0];
	v6 =	vadd.f32 v7, v6  }
0x3ab: {  	v10 =	vld [tilespmem:s0+$0xFFFFFFE0]  }
0x3ac: {  	v13 =	vmul.f32 v8, v6;
	v6 =	vld [tilespmem:s9+$0xFFFFFFE0]  }
0x3ad: {  	v8 =	vld [tilespmem:s9+$0xFFFFFFF0]  }
0x3ae: {  	s11 =	simm.s32 $0x76E0;
	s10 =	simm.s32 $0x0;
	v7 =	vadd.f32 v12, v11;
	v11 =	vld [tilespmem:s9+$0x0];
	[tilespmem:s0+$0x10] =	vst v13  }
.LBB2_53:
0x3af: {  	v12 =	vld [tilespmem:s11+$0x10];
	v5 =	vadd.f32 v9, v5;
	s1 =	sadd.s32 $0x40, s1  }
0x3b0: {  	s10 =	sadd.s32 $0x40, s10;
	v9 =	vld [tilespmem:s1+$0x10];
	v10 =	vadd.f32 v4, v10  }
0x3b1: {  	s9 =	sadd.s32 $0x40, s9;
	p2 =	slt.u32 s10, $0x26C0;
	v4 =	vld [tilespmem:s1+$0xFFFFFFE0]  }
0x3b2: {  	v13 =	vld [tilespmem:s9+$0x10];
	v6 =	vmul.f32 v6, v10;
	v7 =	vmul.f32 v8, v7  }
0x3b3: {  	v8 =	vld [tilespmem:s11+$0xFFFFFFF0];
	v10 =	vmul.f32 v11, v5  }
0x3b4: {  	v11 =	vld [tilespmem:s1+$0xFFFFFFF0];
	[tilespmem:s0+$0xFFFFFFE0] =	vst v6  }
0x3b5: {  	v5 =	vld [tilespmem:s11+$0x0];
	v6 =	vadd.f32 v9, v12;
	[tilespmem:s0+$0xFFFFFFF0] =	vst v7  }
.Ltmp35:
0x3b6: {  	v9 =	vld [tilespmem:s1+$0x0];
	[tilespmem:s0+$0x0] =	vst v10;
	s0 =	smov.u32 s11;
	(pc) =	sbr.rel @p2 .LBB2_53-.Ltmp35, $4  }
0x3b7: {  	v10 =	vld [tilespmem:s11+$0xFFFFFFE0];
	v12 =	vmul.f32 v13, v6  }
0x3b8: {  	v6 =	vld [tilespmem:s9+$0xFFFFFFE0]  }
0x3b9: {  	v7 =	vadd.f32 v11, v8;
	v8 =	vld [tilespmem:s9+$0xFFFFFFF0];
	[tilespmem:s11+$0x10] =	vst v12  }
0x3ba: {  	s11 =	sadd.s32 $0x40, s11;
	v11 =	vld [tilespmem:s9+$0x0]  }
0x3bb: {  	_ = 	snop  }
0x3bc: {  	v4 =	vadd.f32 v4, v10;
	_ =	sdelay $0x1  }
0x3bd: {  	v5 =	vadd.f32 v9, v5;
	v4 =	vmul.f32 v6, v4  }
0x3be: {  	v63 =	vmul.f32 v8, v7  }
0x3bf: {  	v5 =	vmul.f32 v11, v5;
	[tilespmem:s0+$0xFFFFFFE0] =	vst v4  }
0x3c0: {  	[tilespmem:s0+$0xFFFFFFF0] =	vst v63  }
0x3c1: {  	[tilespmem:s0+$0x0] =	vst v5  }
0x3c2: {  	v4 =	vld [tilespmem:$0x9D80]  }
0x3c3: {  	v5 =	vld [tilespmem:$0xC500];
	_ =	sdelay $0x1  }
0x3c4: {  	v6 =	vld [tilespmem:$0x2700];
	_ =	sdelay $0x2  }
0x3c5: {  	v4 =	vadd.f32 v5, v4;
	_ =	sdelay $0x1  }
0x3c6: {  	v4 =	vmul.f32 v6, v4;
	_ =	sdelay $0x1  }
.Ltmp36:
0x3c7: {  	s0 =	rddreg [dreg:$0xc];
	[tilespmem:$0x9D80] =	vst v4;
	(pc) =	sbr.rel .LBB2_55-.Ltmp36, $4  }
0x3c8: {  	[hbm4b:s0+s20] =	stream.strided.scatter [tilespmem:s16], [sflag:$0x7], $0x2780, s21, s20, $0x38;
	[tilespmem:$0x10600] =	vst v63  }
0x3c9: {  	_ =	swait.ge [sflag:s25], $0x2780  }
0x3ca: {  	[sflag:s25] =	ssyncset.done $0x0  }
0x3cb: {  	[sflag:s25] =	ssyncadd.s32 $0xFFFFD880  }
.LBB2_56:
0x3cc: {  	_ =	sfence.sel $0x180000  }
0x3cd: {  	[bflag:$0x0] =	sbarrier.arrive $0xFFFF  }
0x3ce: {  	_ =	strace $0x90000047  }
0x3cf: {  	s0 =	stileid.u32;
	[bflag:$0x2] =	sbarrier.arrive $0xFFFF  }
0x3d0: {  	p0 =	sne.s32 s0, $0x0;
	s0 =	rddreg [dreg:$0x2]  }
0x3d1: {  	s0 =	sadd.s32 @!p0 $0x100000, s0  }
0x3d2: {  	[sflag:s0] =	ssyncadd.tile.s32 @!p0 $0x1;
	_ =	shalt  }
.Lfunc_end2:
_tile_overlayer_lowered:
.L_overlay_start_2:
0x3d3: {  	(tag) =	ssettag $0x2  }
0x3d4: {  	s0 =	rddreg [dreg:$0x0];
	s2 =	stileid.u32  }
0x3d5: {  	s1 =	rddreg [dreg:$0x1];
	p0 =	sne.s32 s2, $0x0  }
0x3d6: {  	s3 =	rddreg [dreg:$0x2];
	[bflag:$0x3] =	sbarrier.arrive $0xFFFF;
	s2 =	simm.s32 @!p0 $0x1C07  }
0x3d7: {  	[timem:s3], [sflag:s2] =	dma.local @!p0 [hbm:s0], s1  }
0x3d8: {  	s0 =	simm.s32 @!p0 $0x7  }
0x3d9: {  	_ =	swait.ge @!p0 [sflag:s0], s1  }
0x3da: {  	s1 =	ssub.s32 @!p0 $0x0, s1;
	[sflag:s0] =	ssyncset.done @!p0 $0x0  }
0x3db: {  	[sflag:s0] =	ssyncadd.s32 @!p0 s1  }
0x3dc: {  	[bflag:$0x3] =	sbarrier.arrive $0xFFFF  }
0x3dd: {  	_ =	shalt  }

</sc_bundles>
